<compile_context>
chip_gen: v7x
topology: tpu7x:2x2x1
jax: 0.10.2.dev20260603
libtpu: 0.0.44.dev20260713+nightly
codegen_flags: <defaults>
</compile_context>

<pallas_src>
import dataclasses

import jax
import jax.numpy as jnp
from jax import lax
from jax.experimental import pallas as pl
from jax.experimental.pallas import tpu as pltpu
from jax.experimental.pallas import tpu_sc as plsc

E = 64
D = 768
F = 1536
T = 4096
C = 80
S = E * C
SPAD = S + 8
NW = 32
TOKS_PER_W = T // NW
LANES = 16


def _sc_params():
    cp = pltpu.CompilerParams()
    if "needs_layout_passes" in pltpu.CompilerParams.__dataclass_fields__:
        cp = dataclasses.replace(cp, needs_layout_passes=False)
    return cp



def _bf16_round_bits(u):
    return u + 0x7FFF + (lax.shift_right_logical(u, 16) & 1)


RB = 4
TB = T // RB


def _router_body(x_ref, wg_ref, slot_ref, scale_ref, xb_ref, cnt_ref):
    b = pl.program_id(0)

    @pl.when(b == 0)
    def _():
        cnt_ref[...] = jnp.zeros((8, E), jnp.int32)

    x = x_ref[...]
    ua = lax.bitcast_convert_type(x[:, : D // 2], jnp.int32)
    ub = lax.bitcast_convert_type(x[:, D // 2 :], jnp.int32)
    lo = lax.shift_right_logical(_bf16_round_bits(ua), 16)
    hi = _bf16_round_bits(ub) & jnp.int32(-65536)
    xb_ref[...] = hi | lo
    wg = wg_ref[...]
    logits = jnp.dot(x, wg, preferred_element_type=jnp.float32)
    m = jnp.max(logits, axis=1, keepdims=True)
    ids = lax.broadcasted_iota(jnp.int32, (TB, E), 1)
    expert = jnp.min(jnp.where(logits == m, ids, E), axis=1, keepdims=True)
    denom = jnp.sum(jnp.exp(logits - m), axis=1, keepdims=True)
    gate = 1.0 / denom
    onehot = (ids == expert).astype(jnp.int32)
    c = onehot
    k = 1
    while k < TB:
        c = c + jnp.concatenate(
            [jnp.zeros((k, E), jnp.int32), c[: TB - k]], axis=0)
        k *= 2
    prior = jnp.sum(cnt_ref[0:1, :] * onehot, axis=1, keepdims=True)
    pos = jnp.sum(c * onehot, axis=1, keepdims=True) - 1 + prior
    cnt_ref[0:1, :] = cnt_ref[0:1, :] + jnp.sum(onehot, axis=0, keepdims=True)
    keep = pos < C
    slot = expert * C + jnp.minimum(pos, C - 1)
    slot_ref[...] = jnp.reshape(jnp.where(keep, slot, -1),
                                (TB // TOKS_PER_W, TOKS_PER_W))
    scale_ref[...] = jnp.reshape(jnp.where(keep, gate, 0.0),
                                 (TB // TOKS_PER_W, TOKS_PER_W))


def _router(x, wg):
    return pl.pallas_call(
        _router_body,
        grid=(RB,),
        in_specs=[
            pl.BlockSpec((TB, D), lambda b: (b, 0)),
            pl.BlockSpec((D, E), lambda b: (0, 0)),
        ],
        out_specs=(
            pl.BlockSpec((TB // TOKS_PER_W, TOKS_PER_W), lambda b: (b, 0)),
            pl.BlockSpec((TB // TOKS_PER_W, TOKS_PER_W), lambda b: (b, 0)),
            pl.BlockSpec((TB, D // 2), lambda b: (b, 0)),
        ),
        out_shape=(
            jax.ShapeDtypeStruct((NW, TOKS_PER_W), jnp.int32),
            jax.ShapeDtypeStruct((NW, TOKS_PER_W), jnp.float32),
            jax.ShapeDtypeStruct((T, D // 2), jnp.int32),
        ),
        scratch_shapes=[pltpu.VMEM((8, E), jnp.int32)],
    )(x, wg)



SSW = 128


def _dispatch_body(x_hbm, slot_hbm, scale_hbm, disp_hbm, sslot_hbm,
                   sl_v, sc_v, bc_v, rows_v, sem):
    wid = lax.axis_index("subcore") * 2 + lax.axis_index("core")
    base = wid * TOKS_PER_W

    pltpu.sync_copy(slot_hbm.at[wid], sl_v)
    pltpu.sync_copy(scale_hbm.at[wid], sc_v)
    copy = pltpu.async_copy(x_hbm.at[pl.ds(base, TOKS_PER_W)], rows_v, sem)

    lane_ids = lax.iota(jnp.int32, LANES)

    @pl.loop(0, TOKS_PER_W // LANES)
    def _(j):
        v = sl_v[pl.ds(j * LANES, LANES)]
        sl_v[pl.ds(j * LANES, LANES)] = jnp.where(v < 0, S, v)
        sv = sc_v[pl.ds(j * LANES, LANES)]
        for l in range(LANES):
            b = jnp.broadcast_to(
                jnp.sum(jnp.where(lane_ids == l, sv, 0.0)), (LANES,))
            for w in range(SSW // LANES):
                bc_v[j * LANES + l, pl.ds(w * LANES, LANES)] = b

    copy.wait()
    c2 = pltpu.async_copy(rows_v, disp_hbm.at[sl_v], sem)
    pltpu.sync_copy(bc_v, sslot_hbm.at[sl_v])
    c2.wait()


def _dispatch(x, slot, scale):
    mesh = plsc.VectorSubcoreMesh(core_axis_name="core",
                                  subcore_axis_name="subcore")
    kern = pl.kernel(
        _dispatch_body,
        out_type=(
            jax.ShapeDtypeStruct((SPAD, D // 2), jnp.int32),
            jax.ShapeDtypeStruct((SPAD, SSW), jnp.float32),
        ),
        mesh=mesh,
        scratch_types=[
            pltpu.VMEM((TOKS_PER_W,), jnp.int32),
            pltpu.VMEM((TOKS_PER_W,), jnp.float32),
            pltpu.VMEM((TOKS_PER_W, SSW), jnp.float32),
            pltpu.VMEM((TOKS_PER_W, D // 2), jnp.int32),
            pltpu.SemaphoreType.DMA,
        ],
        compiler_params=_sc_params(),
    )
    return kern(x, slot, scale)



def _ffn_body(disp_ref, w1_ref, b1_ref, w2_ref, b2_ref, ss_ref, y_ref):
    e = pl.program_id(0)

    @pl.when(e < E)
    def _():
        p = disp_ref[...]
        lo_f = lax.bitcast_convert_type(lax.shift_left(p, 16), jnp.float32)
        hi_f = lax.bitcast_convert_type(p & jnp.int32(-65536), jnp.float32)
        xb = jnp.concatenate([lo_f, hi_f], axis=1)
        h = jnp.dot(xb, w1_ref[0], preferred_element_type=jnp.float32)
        h = jnp.maximum(h + b1_ref[0], 0.0)
        y = jnp.dot(h, w2_ref[0], preferred_element_type=jnp.float32)
        y_ref[...] = (y + b2_ref[0]) * ss_ref[:, :1]

    @pl.when(e == E)
    def _():
        y_ref[...] = jnp.zeros((C, D), jnp.float32)


def _ffn(disp, w1, b1, w2, b2, sslot):
    emap = lambda e: (jnp.minimum(e, E - 1), 0, 0)
    emap2 = lambda e: (jnp.minimum(e, E - 1), 0)
    return pl.pallas_call(
        _ffn_body,
        grid=(E + 1,),
        in_specs=[
            pl.BlockSpec((C, D // 2), emap2),
            pl.BlockSpec((1, D, F), emap),
            pl.BlockSpec((1, 1, F), emap),
            pl.BlockSpec((1, F, D), emap),
            pl.BlockSpec((1, 1, D), emap),
            pl.BlockSpec((C, SSW), emap2),
        ],
        out_specs=pl.BlockSpec((C, D), lambda e: (e, 0)),
        out_shape=jax.ShapeDtypeStruct(((E + 1) * C, D), jnp.float32),
    )(disp, w1, b1.reshape(E, 1, F), w2, b2.reshape(E, 1, D), sslot)



def _combine_body(y_hbm, slot_hbm, out_hbm, sl_v, rows_v, sem):
    wid = lax.axis_index("subcore") * 2 + lax.axis_index("core")
    base = wid * TOKS_PER_W

    pltpu.sync_copy(slot_hbm.at[wid], sl_v)

    @pl.loop(0, TOKS_PER_W // LANES)
    def _(j):
        v = sl_v[pl.ds(j * LANES, LANES)]
        sl_v[pl.ds(j * LANES, LANES)] = jnp.where(v < 0, S, v)

    pltpu.async_copy(y_hbm.at[sl_v], rows_v, sem).wait()
    pltpu.sync_copy(rows_v, out_hbm.at[pl.ds(base, TOKS_PER_W)])


def _combine(y, slot):
    mesh = plsc.VectorSubcoreMesh(core_axis_name="core",
                                  subcore_axis_name="subcore")
    kern = pl.kernel(
        _combine_body,
        out_type=jax.ShapeDtypeStruct((T, D), jnp.float32),
        mesh=mesh,
        scratch_types=[
            pltpu.VMEM((TOKS_PER_W,), jnp.int32),
            pltpu.VMEM((TOKS_PER_W, D), jnp.float32),
            pltpu.SemaphoreType.DMA,
        ],
        compiler_params=_sc_params(),
    )
    return kern(y, slot)



@jax.jit
def kernel(x, Wg, W1, b1, W2, b2):
    slot, scale, xb16 = _router(x, Wg)
    disp, sslot = _dispatch(xb16, slot, scale)
    y = _ffn(disp, W1, b1, W2, b2, sslot)
    return _combine(y, slot)

# --- scband reference (transcript-rebuilt; emitter-appended) ---
"""Pipeline reference for scband-mo-e-3624952398076 (READ-ONLY COPY).

The authoritative reference and input builder live on the scoring server;
editing this copy changes nothing except your own understanding.
"""

import jax, jax.numpy as jnp
import numpy as np

E = 64
TOPK = 1
D = 768
F = 1536
T = 4096
C = 80

def setup_inputs(seed: int = 0) -> dict:
    key = jax.random.key(seed)
    ks = jax.random.split(key, 5)
    x = jax.random.normal(ks[0], (T, D), dtype=jnp.float32)
    Wg = jax.random.normal(ks[1], (D, E), dtype=jnp.float32) * (1.0 / np.sqrt(D))
    W1 = jax.random.normal(ks[2], (E, D, F), dtype=jnp.float32) * (1.0 / np.sqrt(D))
    b1 = jnp.zeros((E, F), dtype=jnp.float32)
    W2 = jax.random.normal(ks[3], (E, F, D), dtype=jnp.float32) * (1.0 / np.sqrt(F))
    b2 = jnp.zeros((E, D), dtype=jnp.float32)
    return {"x": x, "Wg": Wg, "W1": W1, "b1": b1, "W2": W2, "b2": b2}

def reference(x, Wg, W1, b1, W2, b2):
    # Gating network (the `gate` module): top-1 softmax router
    logits = x @ Wg                                   # [T, E]
    probs = jax.nn.softmax(logits, axis=-1)           # [T, E]
    expert_idx = jnp.argmax(logits, axis=-1)          # [T] int
    gate_val = jnp.take_along_axis(probs, expert_idx[:, None], axis=1)[:, 0]  # [T]

    # Capacity-based dispatch: position of each token within its expert
    onehot = jax.nn.one_hot(expert_idx, E, dtype=jnp.int32)    # [T, E]
    pos = jnp.sum(jnp.cumsum(onehot, axis=0) * onehot, axis=1) - 1  # [T], 0-indexed slot
    keep = ((pos >= 0) & (pos < C)).astype(jnp.float32)        # [T]
    pos_c = jnp.clip(pos, 0, C - 1)                            # [T]

    # Scatter tokens into per-expert buffers [E, C, D] (SparseCore scatter-add)
    dispatch_x = jnp.zeros((E, C, D), dtype=jnp.float32).at[expert_idx, pos_c].add(
        x * keep[:, None])

    # Expert FFNs (the `experts` modules): per-expert 2-layer MLP
    h = jnp.einsum('ecd,edf->ecf', dispatch_x, W1) + b1[:, None, :]
    h = jax.nn.relu(h)
    yexp = jnp.einsum('ecf,efd->ecd', h, W2) + b2[:, None, :]  # [E, C, D]

    # Combine: gather each token's expert output, weighted by gate prob
    out = yexp[expert_idx, pos_c] * (gate_val * keep)[:, None]  # [T, D]
    return out

if __name__ == "__main__":
    import jax
    _d = setup_inputs()
    print(jax.jit(kernel)(*tuple(_d.values())))

</pallas_src>

<mosaic_0001>
#map = affine_map<(d0, d1) -> (0, 0)>
module attributes {stable_mosaic.version = 14 : i64} {
  func.func @_dispatch_body(%arg0: i32, %arg1: i32, %arg2: memref<4096x384xi32, #tpu.memory_space<hbm>>, %arg3: memref<32x128xi32, #tpu.memory_space<hbm>>, %arg4: memref<32x128xf32, #tpu.memory_space<hbm>>, %arg5: memref<5128x384xi32, #tpu.memory_space<hbm>>, %arg6: memref<5128x128xf32, #tpu.memory_space<hbm>>, %arg7: memref<128xi32, #tpu.memory_space<vmem>>, %arg8: memref<128xf32, #tpu.memory_space<vmem>>, %arg9: memref<128x128xf32, #tpu.memory_space<vmem>>, %arg10: memref<128x384xi32, #tpu.memory_space<vmem>>, %arg11: memref<!tpu.dma_semaphore, #tpu.memory_space<semaphore_mem>>) attributes {dimension_semantics = [#tpu.dimension_semantics<core_parallel>, #tpu.dimension_semantics<subcore_parallel>], iteration_bounds = array<i64: 2, 16>, scalar_prefetch = 0 : i64, scratch_operands = 5 : i64, tpu.core_type = #tpu.core_type<sc_vector_subcore>, window_params = [{transform_indices = #map}, {transform_indices = #map}, {transform_indices = #map}, {transform_indices = #map}, {transform_indices = #map}]} {
    %mul3A = arith.constant 2 : i32
    %mul3A_0 = arith.muli %arg1, %mul3A : i32
    %add3A = arith.addi %mul3A_0, %arg0 : i32
    %mul3A_1 = arith.constant 128 : i32
    %mul3A_2 = arith.muli %add3A, %mul3A_1 : i32
    "tpu.region"() ({
      %run_scoped3A = tpu.sem_alloc : memref<!tpu.dma_semaphore, #tpu.memory_space<semaphore_mem>>
      %dma_start3A_19 = arith.constant 0 : i32
      %dma_start3A_20 = tpu.memref_slice %arg3[%add3A, %dma_start3A_19] : memref<32x128xi32, #tpu.memory_space<hbm>> -> memref<1x128xi32, #tpu.memory_space<hbm>>
      %dma_start3A_21 = tpu.memref_squeeze %dma_start3A_20 : memref<1x128xi32, #tpu.memory_space<hbm>> -> memref<128xi32, #tpu.memory_space<hbm>>
      %dma_start3A_22 = arith.constant 0 : i32
      %dma_start3A_23 = tpu.memref_slice %arg3[%add3A, %dma_start3A_22] : memref<32x128xi32, #tpu.memory_space<hbm>> -> memref<1x128xi32, #tpu.memory_space<hbm>>
      %dma_start3A_24 = tpu.memref_squeeze %dma_start3A_23 : memref<1x128xi32, #tpu.memory_space<hbm>> -> memref<128xi32, #tpu.memory_space<hbm>>
      tpu.enqueue_dma source(%dma_start3A_24 : memref<128xi32, #tpu.memory_space<hbm>>) target(%arg7 : memref<128xi32, #tpu.memory_space<vmem>>) target_semaphore(%run_scoped3A : memref<!tpu.dma_semaphore, #tpu.memory_space<semaphore_mem>>)
      %dma_wait3A_25 = arith.constant 0 : i32
      %dma_wait3A_26 = tpu.memref_slice %arg3[%add3A, %dma_wait3A_25] : memref<32x128xi32, #tpu.memory_space<hbm>> -> memref<1x128xi32, #tpu.memory_space<hbm>>
      %dma_wait3A_27 = tpu.memref_squeeze %dma_wait3A_26 : memref<1x128xi32, #tpu.memory_space<hbm>> -> memref<128xi32, #tpu.memory_space<hbm>>
      %dma_wait3A_28 = arith.constant 0 : i32
      %dma_wait3A_29 = tpu.memref_slice %arg3[%add3A, %dma_wait3A_28] : memref<32x128xi32, #tpu.memory_space<hbm>> -> memref<1x128xi32, #tpu.memory_space<hbm>>
      %dma_wait3A_30 = tpu.memref_squeeze %dma_wait3A_29 : memref<1x128xi32, #tpu.memory_space<hbm>> -> memref<128xi32, #tpu.memory_space<hbm>>
      tpu.wait_dma2 semaphore(%run_scoped3A : memref<!tpu.dma_semaphore, #tpu.memory_space<semaphore_mem>>) src(%dma_wait3A_30 : memref<128xi32, #tpu.memory_space<hbm>>) dst(%arg7 : memref<128xi32, #tpu.memory_space<vmem>>)
      tpu.yield
    }) : () -> ()
    "tpu.region"() ({
      %run_scoped3A = tpu.sem_alloc : memref<!tpu.dma_semaphore, #tpu.memory_space<semaphore_mem>>
      %dma_start3A_19 = arith.constant 0 : i32
      %dma_start3A_20 = tpu.memref_slice %arg4[%add3A, %dma_start3A_19] : memref<32x128xf32, #tpu.memory_space<hbm>> -> memref<1x128xf32, #tpu.memory_space<hbm>>
      %dma_start3A_21 = tpu.memref_squeeze %dma_start3A_20 : memref<1x128xf32, #tpu.memory_space<hbm>> -> memref<128xf32, #tpu.memory_space<hbm>>
      %dma_start3A_22 = arith.constant 0 : i32
      %dma_start3A_23 = tpu.memref_slice %arg4[%add3A, %dma_start3A_22] : memref<32x128xf32, #tpu.memory_space<hbm>> -> memref<1x128xf32, #tpu.memory_space<hbm>>
      %dma_start3A_24 = tpu.memref_squeeze %dma_start3A_23 : memref<1x128xf32, #tpu.memory_space<hbm>> -> memref<128xf32, #tpu.memory_space<hbm>>
      tpu.enqueue_dma source(%dma_start3A_24 : memref<128xf32, #tpu.memory_space<hbm>>) target(%arg8 : memref<128xf32, #tpu.memory_space<vmem>>) target_semaphore(%run_scoped3A : memref<!tpu.dma_semaphore, #tpu.memory_space<semaphore_mem>>)
      %dma_wait3A_25 = arith.constant 0 : i32
      %dma_wait3A_26 = tpu.memref_slice %arg4[%add3A, %dma_wait3A_25] : memref<32x128xf32, #tpu.memory_space<hbm>> -> memref<1x128xf32, #tpu.memory_space<hbm>>
      %dma_wait3A_27 = tpu.memref_squeeze %dma_wait3A_26 : memref<1x128xf32, #tpu.memory_space<hbm>> -> memref<128xf32, #tpu.memory_space<hbm>>
      %dma_wait3A_28 = arith.constant 0 : i32
      %dma_wait3A_29 = tpu.memref_slice %arg4[%add3A, %dma_wait3A_28] : memref<32x128xf32, #tpu.memory_space<hbm>> -> memref<1x128xf32, #tpu.memory_space<hbm>>
      %dma_wait3A_30 = tpu.memref_squeeze %dma_wait3A_29 : memref<1x128xf32, #tpu.memory_space<hbm>> -> memref<128xf32, #tpu.memory_space<hbm>>
      tpu.wait_dma2 semaphore(%run_scoped3A : memref<!tpu.dma_semaphore, #tpu.memory_space<semaphore_mem>>) src(%dma_wait3A_30 : memref<128xf32, #tpu.memory_space<hbm>>) dst(%arg8 : memref<128xf32, #tpu.memory_space<vmem>>)
      tpu.yield
    }) : () -> ()
    %dma_start3A = arith.constant 0 : i32
    %dma_start3A_3 = tpu.memref_slice %arg2[%mul3A_2, %dma_start3A] : memref<4096x384xi32, #tpu.memory_space<hbm>> -> memref<128x384xi32, #tpu.memory_space<hbm>>
    %dma_start3A_4 = arith.constant 0 : i32
    %dma_start3A_5 = tpu.memref_slice %arg2[%mul3A_2, %dma_start3A_4] : memref<4096x384xi32, #tpu.memory_space<hbm>> -> memref<128x384xi32, #tpu.memory_space<hbm>>
    tpu.enqueue_dma source(%dma_start3A_5 : memref<128x384xi32, #tpu.memory_space<hbm>>) target(%arg10 : memref<128x384xi32, #tpu.memory_space<vmem>>) target_semaphore(%arg11 : memref<!tpu.dma_semaphore, #tpu.memory_space<semaphore_mem>>)
    %iota3A = tpu.iota {dimensions = array<i32: 0>} : vector<16xi32>
    %scan3A = arith.constant 0 : i32
    %scan3A_6 = arith.constant 8 : i32
    %scan3A_7 = arith.addi %scan3A, %scan3A_6 : i32
    %scan3A_8 = arith.constant 1 : i32
    scf.for %scan3A_19 = %scan3A to %scan3A_7 step %scan3A_8  : i32 {
      %mul3A_20 = arith.constant 1 : i32
      %mul3A_21 = arith.muli %scan3A_19, %mul3A_20 : i32
      %add3A_22 = arith.constant 0 : i32
      %add3A_23 = arith.addi %add3A_22, %mul3A_21 : i32
      %mul3A_24 = arith.constant 16 : i32
      %mul3A_25 = arith.muli %add3A_23, %mul3A_24 : i32
      %get3A = arith.index_cast %mul3A_25 : i32 to index
      %get3A_26 = tpu.vector_load %arg7[%get3A] {strides = array<i32>} : memref<128xi32, #tpu.memory_space<vmem>>, vector<16xi32>,
      %lt3A = arith.constant 0 : i32
      %lt3A_27 = vector.broadcast %lt3A : i32 to vector<16xi32>
      %lt3A_28 = arith.cmpi slt, %get3A_26, %lt3A_27 : vector<16xi32>
      %jit3A = arith.constant 5120 : i32
      %broadcast_in_dim3A = vector.broadcast %jit3A : i32 to vector<16xi32>
      %select_n3A = arith.select %lt3A_28, %broadcast_in_dim3A, %get3A_26 : vector<16xi1>, vector<16xi32>
      %mul3A_29 = arith.constant 16 : i32
      %mul3A_30 = arith.muli %add3A_23, %mul3A_29 : i32
      %swap3A = arith.index_cast %mul3A_30 : i32 to index
      %swap3A_31 = tpu.vector_load %arg7[%swap3A] {strides = array<i32>} : memref<128xi32, #tpu.memory_space<vmem>>, vector<16xi32>,
      tpu.vector_store %arg7[%swap3A], %select_n3A {strides = array<i32>} : memref<128xi32, #tpu.memory_space<vmem>>, vector<16xi32>,
      %mul3A_32 = arith.constant 16 : i32
      %mul3A_33 = arith.muli %add3A_23, %mul3A_32 : i32
      %get3A_34 = arith.index_cast %mul3A_33 : i32 to index
      %get3A_35 = tpu.vector_load %arg8[%get3A_34] {strides = array<i32>} : memref<128xf32, #tpu.memory_space<vmem>>, vector<16xf32>,
      %eq3A = arith.constant 0 : i32
      %eq3A_36 = vector.broadcast %eq3A : i32 to vector<16xi32>
      %eq3A_37 = arith.cmpi eq, %iota3A, %eq3A_36 : vector<16xi32>
      %jit3A_38 = arith.constant 0.000000e+00 : f32
      %broadcast_in_dim3A_39 = vector.broadcast %jit3A_38 : f32 to vector<16xf32>
      %select_n3A_40 = arith.select %eq3A_37, %get3A_35, %broadcast_in_dim3A_39 : vector<16xi1>, vector<16xf32>
      %reduce_sum3A = arith.constant true
      %reduce_sum3A_41 = vector.broadcast %reduce_sum3A : i1 to vector<16xi1>
      %reduce_sum3A_42 = tpu.scan <sum>, %select_n3A_40 masked %reduce_sum3A_41 : vector<16xf32>, vector<16xi1> -> vector<16xf32>
      %reduce_sum3A_43 = vector.extract %reduce_sum3A_42[15] : f32 from vector<16xf32>
      %broadcast_in_dim3A_44 = vector.broadcast %reduce_sum3A_43 : f32 to vector<16xf32>
      %mul3A_45 = arith.constant 16 : i32
      %mul3A_46 = arith.muli %add3A_23, %mul3A_45 : i32
      %add3A_47 = arith.constant 0 : i32
      %add3A_48 = arith.addi %mul3A_46, %add3A_47 : i32
      %swap3A_49 = arith.index_cast %add3A_48 : i32 to index
      %swap3A_50 = arith.constant 0 : index
      %swap3A_51 = tpu.vector_load %arg9[%swap3A_49, %swap3A_50] {strides = array<i32>} : memref<128x128xf32, #tpu.memory_space<vmem>>, vector<16xf32>,
      tpu.vector_store %arg9[%swap3A_49, %swap3A_50], %broadcast_in_dim3A_44 {strides = array<i32>} : memref<128x128xf32, #tpu.memory_space<vmem>>, vector<16xf32>,
      %mul3A_52 = arith.constant 16 : i32
      %mul3A_53 = arith.muli %add3A_23, %mul3A_52 : i32
      %add3A_54 = arith.constant 0 : i32
      %add3A_55 = arith.addi %mul3A_53, %add3A_54 : i32
      %swap3A_56 = arith.index_cast %add3A_55 : i32 to index
      %swap3A_57 = arith.constant 16 : index
      %swap3A_58 = tpu.vector_load %arg9[%swap3A_56, %swap3A_57] {strides = array<i32>} : memref<128x128xf32, #tpu.memory_space<vmem>>, vector<16xf32>,
      tpu.vector_store %arg9[%swap3A_56, %swap3A_57], %broadcast_in_dim3A_44 {strides = array<i32>} : memref<128x128xf32, #tpu.memory_space<vmem>>, vector<16xf32>,
      %mul3A_59 = arith.constant 16 : i32
      %mul3A_60 = arith.muli %add3A_23, %mul3A_59 : i32
      %add3A_61 = arith.constant 0 : i32
      %add3A_62 = arith.addi %mul3A_60, %add3A_61 : i32
      %swap3A_63 = arith.index_cast %add3A_62 : i32 to index
      %swap3A_64 = arith.constant 32 : index
      %swap3A_65 = tpu.vector_load %arg9[%swap3A_63, %swap3A_64] {strides = array<i32>} : memref<128x128xf32, #tpu.memory_space<vmem>>, vector<16xf32>,
      tpu.vector_store %arg9[%swap3A_63, %swap3A_64], %broadcast_in_dim3A_44 {strides = array<i32>} : memref<128x128xf32, #tpu.memory_space<vmem>>, vector<16xf32>,
      %mul3A_66 = arith.constant 16 : i32
      %mul3A_67 = arith.muli %add3A_23, %mul3A_66 : i32
      %add3A_68 = arith.constant 0 : i32
      %add3A_69 = arith.addi %mul3A_67, %add3A_68 : i32
      %swap3A_70 = arith.index_cast %add3A_69 : i32 to index
      %swap3A_71 = arith.constant 48 : index
      %swap3A_72 = tpu.vector_load %arg9[%swap3A_70, %swap3A_71] {strides = array<i32>} : memref<128x128xf32, #tpu.memory_space<vmem>>, vector<16xf32>,
      tpu.vector_store %arg9[%swap3A_70, %swap3A_71], %broadcast_in_dim3A_44 {strides = array<i32>} : memref<128x128xf32, #tpu.memory_space<vmem>>, vector<16xf32>,
      %mul3A_73 = arith.constant 16 : i32
      %mul3A_74 = arith.muli %add3A_23, %mul3A_73 : i32
      %add3A_75 = arith.constant 0 : i32
      %add3A_76 = arith.addi %mul3A_74, %add3A_75 : i32
      %swap3A_77 = arith.index_cast %add3A_76 : i32 to index
      %swap3A_78 = arith.constant 64 : index
      %swap3A_79 = tpu.vector_load %arg9[%swap3A_77, %swap3A_78] {strides = array<i32>} : memref<128x128xf32, #tpu.memory_space<vmem>>, vector<16xf32>,
      tpu.vector_store %arg9[%swap3A_77, %swap3A_78], %broadcast_in_dim3A_44 {strides = array<i32>} : memref<128x128xf32, #tpu.memory_space<vmem>>, vector<16xf32>,
      %mul3A_80 = arith.constant 16 : i32
      %mul3A_81 = arith.muli %add3A_23, %mul3A_80 : i32
      %add3A_82 = arith.constant 0 : i32
      %add3A_83 = arith.addi %mul3A_81, %add3A_82 : i32
      %swap3A_84 = arith.index_cast %add3A_83 : i32 to index
      %swap3A_85 = arith.constant 80 : index
      %swap3A_86 = tpu.vector_load %arg9[%swap3A_84, %swap3A_85] {strides = array<i32>} : memref<128x128xf32, #tpu.memory_space<vmem>>, vector<16xf32>,
      tpu.vector_store %arg9[%swap3A_84, %swap3A_85], %broadcast_in_dim3A_44 {strides = array<i32>} : memref<128x128xf32, #tpu.memory_space<vmem>>, vector<16xf32>,
      %mul3A_87 = arith.constant 16 : i32
      %mul3A_88 = arith.muli %add3A_23, %mul3A_87 : i32
      %add3A_89 = arith.constant 0 : i32
      %add3A_90 = arith.addi %mul3A_88, %add3A_89 : i32
      %swap3A_91 = arith.index_cast %add3A_90 : i32 to index
      %swap3A_92 = arith.constant 96 : index
      %swap3A_93 = tpu.vector_load %arg9[%swap3A_91, %swap3A_92] {strides = array<i32>} : memref<128x128xf32, #tpu.memory_space<vmem>>, vector<16xf32>,
      tpu.vector_store %arg9[%swap3A_91, %swap3A_92], %broadcast_in_dim3A_44 {strides = array<i32>} : memref<128x128xf32, #tpu.memory_space<vmem>>, vector<16xf32>,
      %mul3A_94 = arith.constant 16 : i32
      %mul3A_95 = arith.muli %add3A_23, %mul3A_94 : i32
      %add3A_96 = arith.constant 0 : i32
      %add3A_97 = arith.addi %mul3A_95, %add3A_96 : i32
      %swap3A_98 = arith.index_cast %add3A_97 : i32 to index
      %swap3A_99 = arith.constant 112 : index
      %swap3A_100 = tpu.vector_load %arg9[%swap3A_98, %swap3A_99] {strides = array<i32>} : memref<128x128xf32, #tpu.memory_space<vmem>>, vector<16xf32>,
      tpu.vector_store %arg9[%swap3A_98, %swap3A_99], %broadcast_in_dim3A_44 {strides = array<i32>} : memref<128x128xf32, #tpu.memory_space<vmem>>, vector<16xf32>,
      %eq3A_101 = arith.constant 1 : i32
      %eq3A_102 = vector.broadcast %eq3A_101 : i32 to vector<16xi32>
      %eq3A_103 = arith.cmpi eq, %iota3A, %eq3A_102 : vector<16xi32>
      %jit3A_104 = arith.constant 0.000000e+00 : f32
      %broadcast_in_dim3A_105 = vector.broadcast %jit3A_104 : f32 to vector<16xf32>
      %select_n3A_106 = arith.select %eq3A_103, %get3A_35, %broadcast_in_dim3A_105 : vector<16xi1>, vector<16xf32>
      %reduce_sum3A_107 = arith.constant true
      %reduce_sum3A_108 = vector.broadcast %reduce_sum3A_107 : i1 to vector<16xi1>
      %reduce_sum3A_109 = tpu.scan <sum>, %select_n3A_106 masked %reduce_sum3A_108 : vector<16xf32>, vector<16xi1> -> vector<16xf32>
      %reduce_sum3A_110 = vector.extract %reduce_sum3A_109[15] : f32 from vector<16xf32>
      %broadcast_in_dim3A_111 = vector.broadcast %reduce_sum3A_110 : f32 to vector<16xf32>
      %mul3A_112 = arith.constant 16 : i32
      %mul3A_113 = arith.muli %add3A_23, %mul3A_112 : i32
      %add3A_114 = arith.constant 1 : i32
      %add3A_115 = arith.addi %mul3A_113, %add3A_114 : i32
      %swap3A_116 = arith.index_cast %add3A_115 : i32 to index
      %swap3A_117 = arith.constant 0 : index
      %swap3A_118 = tpu.vector_load %arg9[%swap3A_116, %swap3A_117] {strides = array<i32>} : memref<128x128xf32, #tpu.memory_space<vmem>>, vector<16xf32>,
      tpu.vector_store %arg9[%swap3A_116, %swap3A_117], %broadcast_in_dim3A_111 {strides = array<i32>} : memref<128x128xf32, #tpu.memory_space<vmem>>, vector<16xf32>,
      %mul3A_119 = arith.constant 16 : i32
      %mul3A_120 = arith.muli %add3A_23, %mul3A_119 : i32
      %add3A_121 = arith.constant 1 : i32
      %add3A_122 = arith.addi %mul3A_120, %add3A_121 : i32
      %swap3A_123 = arith.index_cast %add3A_122 : i32 to index
      %swap3A_124 = arith.constant 16 : index
      %swap3A_125 = tpu.vector_load %arg9[%swap3A_123, %swap3A_124] {strides = array<i32>} : memref<128x128xf32, #tpu.memory_space<vmem>>, vector<16xf32>,
      tpu.vector_store %arg9[%swap3A_123, %swap3A_124], %broadcast_in_dim3A_111 {strides = array<i32>} : memref<128x128xf32, #tpu.memory_space<vmem>>, vector<16xf32>,
      %mul3A_126 = arith.constant 16 : i32
      %mul3A_127 = arith.muli %add3A_23, %mul3A_126 : i32
      %add3A_128 = arith.constant 1 : i32
      %add3A_129 = arith.addi %mul3A_127, %add3A_128 : i32
      %swap3A_130 = arith.index_cast %add3A_129 : i32 to index
      %swap3A_131 = arith.constant 32 : index
      %swap3A_132 = tpu.vector_load %arg9[%swap3A_130, %swap3A_131] {strides = array<i32>} : memref<128x128xf32, #tpu.memory_space<vmem>>, vector<16xf32>,
      tpu.vector_store %arg9[%swap3A_130, %swap3A_131], %broadcast_in_dim3A_111 {strides = array<i32>} : memref<128x128xf32, #tpu.memory_space<vmem>>, vector<16xf32>,
      %mul3A_133 = arith.constant 16 : i32
      %mul3A_134 = arith.muli %add3A_23, %mul3A_133 : i32
      %add3A_135 = arith.constant 1 : i32
      %add3A_136 = arith.addi %mul3A_134, %add3A_135 : i32
      %swap3A_137 = arith.index_cast %add3A_136 : i32 to index
      %swap3A_138 = arith.constant 48 : index
      %swap3A_139 = tpu.vector_load %arg9[%swap3A_137, %swap3A_138] {strides = array<i32>} : memref<128x128xf32, #tpu.memory_space<vmem>>, vector<16xf32>,
      tpu.vector_store %arg9[%swap3A_137, %swap3A_138], %broadcast_in_dim3A_111 {strides = array<i32>} : memref<128x128xf32, #tpu.memory_space<vmem>>, vector<16xf32>,
      %mul3A_140 = arith.constant 16 : i32
      %mul3A_141 = arith.muli %add3A_23, %mul3A_140 : i32
      %add3A_142 = arith.constant 1 : i32
      %add3A_143 = arith.addi %mul3A_141, %add3A_142 : i32
      %swap3A_144 = arith.index_cast %add3A_143 : i32 to index
      %swap3A_145 = arith.constant 64 : index
      %swap3A_146 = tpu.vector_load %arg9[%swap3A_144, %swap3A_145] {strides = array<i32>} : memref<128x128xf32, #tpu.memory_space<vmem>>, vector<16xf32>,
      tpu.vector_store %arg9[%swap3A_144, %swap3A_145], %broadcast_in_dim3A_111 {strides = array<i32>} : memref<128x128xf32, #tpu.memory_space<vmem>>, vector<16xf32>,
      %mul3A_147 = arith.constant 16 : i32
      %mul3A_148 = arith.muli %add3A_23, %mul3A_147 : i32
      %add3A_149 = arith.constant 1 : i32
      %add3A_150 = arith.addi %mul3A_148, %add3A_149 : i32
      %swap3A_151 = arith.index_cast %add3A_150 : i32 to index
      %swap3A_152 = arith.constant 80 : index
      %swap3A_153 = tpu.vector_load %arg9[%swap3A_151, %swap3A_152] {strides = array<i32>} : memref<128x128xf32, #tpu.memory_space<vmem>>, vector<16xf32>,
      tpu.vector_store %arg9[%swap3A_151, %swap3A_152], %broadcast_in_dim3A_111 {strides = array<i32>} : memref<128x128xf32, #tpu.memory_space<vmem>>, vector<16xf32>,
      %mul3A_154 = arith.constant 16 : i32
      %mul3A_155 = arith.muli %add3A_23, %mul3A_154 : i32
      %add3A_156 = arith.constant 1 : i32
      %add3A_157 = arith.addi %mul3A_155, %add3A_156 : i32
      %swap3A_158 = arith.index_cast %add3A_157 : i32 to index
      %swap3A_159 = arith.constant 96 : index
      %swap3A_160 = tpu.vector_load %arg9[%swap3A_158, %swap3A_159] {strides = array<i32>} : memref<128x128xf32, #tpu.memory_space<vmem>>, vector<16xf32>,
      tpu.vector_store %arg9[%swap3A_158, %swap3A_159], %broadcast_in_dim3A_111 {strides = array<i32>} : memref<128x128xf32, #tpu.memory_space<vmem>>, vector<16xf32>,
      %mul3A_161 = arith.constant 16 : i32
      %mul3A_162 = arith.muli %add3A_23, %mul3A_161 : i32
      %add3A_163 = arith.constant 1 : i32
      %add3A_164 = arith.addi %mul3A_162, %add3A_163 : i32
      %swap3A_165 = arith.index_cast %add3A_164 : i32 to index
      %swap3A_166 = arith.constant 112 : index
      %swap3A_167 = tpu.vector_load %arg9[%swap3A_165, %swap3A_166] {strides = array<i32>} : memref<128x128xf32, #tpu.memory_space<vmem>>, vector<16xf32>,
      tpu.vector_store %arg9[%swap3A_165, %swap3A_166], %broadcast_in_dim3A_111 {strides = array<i32>} : memref<128x128xf32, #tpu.memory_space<vmem>>, vector<16xf32>,
      %eq3A_168 = arith.constant 2 : i32
      %eq3A_169 = vector.broadcast %eq3A_168 : i32 to vector<16xi32>
      %eq3A_170 = arith.cmpi eq, %iota3A, %eq3A_169 : vector<16xi32>
      %jit3A_171 = arith.constant 0.000000e+00 : f32
      %broadcast_in_dim3A_172 = vector.broadcast %jit3A_171 : f32 to vector<16xf32>
      %select_n3A_173 = arith.select %eq3A_170, %get3A_35, %broadcast_in_dim3A_172 : vector<16xi1>, vector<16xf32>
      %reduce_sum3A_174 = arith.constant true
      %reduce_sum3A_175 = vector.broadcast %reduce_sum3A_174 : i1 to vector<16xi1>
      %reduce_sum3A_176 = tpu.scan <sum>, %select_n3A_173 masked %reduce_sum3A_175 : vector<16xf32>, vector<16xi1> -> vector<16xf32>
      %reduce_sum3A_177 = vector.extract %reduce_sum3A_176[15] : f32 from vector<16xf32>
      %broadcast_in_dim3A_178 = vector.broadcast %reduce_sum3A_177 : f32 to vector<16xf32>
      %mul3A_179 = arith.constant 16 : i32
      %mul3A_180 = arith.muli %add3A_23, %mul3A_179 : i32
      %add3A_181 = arith.constant 2 : i32
      %add3A_182 = arith.addi %mul3A_180, %add3A_181 : i32
      %swap3A_183 = arith.index_cast %add3A_182 : i32 to index
      %swap3A_184 = arith.constant 0 : index
      %swap3A_185 = tpu.vector_load %arg9[%swap3A_183, %swap3A_184] {strides = array<i32>} : memref<128x128xf32, #tpu.memory_space<vmem>>, vector<16xf32>,
      tpu.vector_store %arg9[%swap3A_183, %swap3A_184], %broadcast_in_dim3A_178 {strides = array<i32>} : memref<128x128xf32, #tpu.memory_space<vmem>>, vector<16xf32>,
      %mul3A_186 = arith.constant 16 : i32
      %mul3A_187 = arith.muli %add3A_23, %mul3A_186 : i32
      %add3A_188 = arith.constant 2 : i32
      %add3A_189 = arith.addi %mul3A_187, %add3A_188 : i32
      %swap3A_190 = arith.index_cast %add3A_189 : i32 to index
      %swap3A_191 = arith.constant 16 : index
      %swap3A_192 = tpu.vector_load %arg9[%swap3A_190, %swap3A_191] {strides = array<i32>} : memref<128x128xf32, #tpu.memory_space<vmem>>, vector<16xf32>,
      tpu.vector_store %arg9[%swap3A_190, %swap3A_191], %broadcast_in_dim3A_178 {strides = array<i32>} : memref<128x128xf32, #tpu.memory_space<vmem>>, vector<16xf32>,
      %mul3A_193 = arith.constant 16 : i32
      %mul3A_194 = arith.muli %add3A_23, %mul3A_193 : i32
      %add3A_195 = arith.constant 2 : i32
      %add3A_196 = arith.addi %mul3A_194, %add3A_195 : i32
      %swap3A_197 = arith.index_cast %add3A_196 : i32 to index
      %swap3A_198 = arith.constant 32 : index
      %swap3A_199 = tpu.vector_load %arg9[%swap3A_197, %swap3A_198] {strides = array<i32>} : memref<128x128xf32, #tpu.memory_space<vmem>>, vector<16xf32>,
      tpu.vector_store %arg9[%swap3A_197, %swap3A_198], %broadcast_in_dim3A_178 {strides = array<i32>} : memref<128x128xf32, #tpu.memory_space<vmem>>, vector<16xf32>,
      %mul3A_200 = arith.constant 16 : i32
      %mul3A_201 = arith.muli %add3A_23, %mul3A_200 : i32
      %add3A_202 = arith.constant 2 : i32
      %add3A_203 = arith.addi %mul3A_201, %add3A_202 : i32
      %swap3A_204 = arith.index_cast %add3A_203 : i32 to index
      %swap3A_205 = arith.constant 48 : index
      %swap3A_206 = tpu.vector_load %arg9[%swap3A_204, %swap3A_205] {strides = array<i32>} : memref<128x128xf32, #tpu.memory_space<vmem>>, vector<16xf32>,
      tpu.vector_store %arg9[%swap3A_204, %swap3A_205], %broadcast_in_dim3A_178 {strides = array<i32>} : memref<128x128xf32, #tpu.memory_space<vmem>>, vector<16xf32>,
      %mul3A_207 = arith.constant 16 : i32
      %mul3A_208 = arith.muli %add3A_23, %mul3A_207 : i32
      %add3A_209 = arith.constant 2 : i32
      %add3A_210 = arith.addi %mul3A_208, %add3A_209 : i32
      %swap3A_211 = arith.index_cast %add3A_210 : i32 to index
      %swap3A_212 = arith.constant 64 : index
      %swap3A_213 = tpu.vector_load %arg9[%swap3A_211, %swap3A_212] {strides = array<i32>} : memref<128x128xf32, #tpu.memory_space<vmem>>, vector<16xf32>,
      tpu.vector_store %arg9[%swap3A_211, %swap3A_212], %broadcast_in_dim3A_178 {strides = array<i32>} : memref<128x128xf32, #tpu.memory_space<vmem>>, vector<16xf32>,
      %mul3A_214 = arith.constant 16 : i32
      %mul3A_215 = arith.muli %add3A_23, %mul3A_214 : i32
      %add3A_216 = arith.constant 2 : i32
      %add3A_217 = arith.addi %mul3A_215, %add3A_216 : i32
      %swap3A_218 = arith.index_cast %add3A_217 : i32 to index
      %swap3A_219 = arith.constant 80 : index
      %swap3A_220 = tpu.vector_load %arg9[%swap3A_218, %swap3A_219] {strides = array<i32>} : memref<128x128xf32, #tpu.memory_space<vmem>>, vector<16xf32>,
      tpu.vector_store %arg9[%swap3A_218, %swap3A_219], %broadcast_in_dim3A_178 {strides = array<i32>} : memref<128x128xf32, #tpu.memory_space<vmem>>, vector<16xf32>,
      %mul3A_221 = arith.constant 16 : i32
      %mul3A_222 = arith.muli %add3A_23, %mul3A_221 : i32
      %add3A_223 = arith.constant 2 : i32
      %add3A_224 = arith.addi %mul3A_222, %add3A_223 : i32
      %swap3A_225 = arith.index_cast %add3A_224 : i32 to index
      %swap3A_226 = arith.constant 96 : index
      %swap3A_227 = tpu.vector_load %arg9[%swap3A_225, %swap3A_226] {strides = array<i32>} : memref<128x128xf32, #tpu.memory_space<vmem>>, vector<16xf32>,
      tpu.vector_store %arg9[%swap3A_225, %swap3A_226], %broadcast_in_dim3A_178 {strides = array<i32>} : memref<128x128xf32, #tpu.memory_space<vmem>>, vector<16xf32>,
      %mul3A_228 = arith.constant 16 : i32
      %mul3A_229 = arith.muli %add3A_23, %mul3A_228 : i32
      %add3A_230 = arith.constant 2 : i32
      %add3A_231 = arith.addi %mul3A_229, %add3A_230 : i32
      %swap3A_232 = arith.index_cast %add3A_231 : i32 to index
      %swap3A_233 = arith.constant 112 : index
      %swap3A_234 = tpu.vector_load %arg9[%swap3A_232, %swap3A_233] {strides = array<i32>} : memref<128x128xf32, #tpu.memory_space<vmem>>, vector<16xf32>,
      tpu.vector_store %arg9[%swap3A_232, %swap3A_233], %broadcast_in_dim3A_178 {strides = array<i32>} : memref<128x128xf32, #tpu.memory_space<vmem>>, vector<16xf32>,
      %eq3A_235 = arith.constant 3 : i32
      %eq3A_236 = vector.broadcast %eq3A_235 : i32 to vector<16xi32>
      %eq3A_237 = arith.cmpi eq, %iota3A, %eq3A_236 : vector<16xi32>
      %jit3A_238 = arith.constant 0.000000e+00 : f32
      %broadcast_in_dim3A_239 = vector.broadcast %jit3A_238 : f32 to vector<16xf32>
      %select_n3A_240 = arith.select %eq3A_237, %get3A_35, %broadcast_in_dim3A_239 : vector<16xi1>, vector<16xf32>
      %reduce_sum3A_241 = arith.constant true
      %reduce_sum3A_242 = vector.broadcast %reduce_sum3A_241 : i1 to vector<16xi1>
      %reduce_sum3A_243 = tpu.scan <sum>, %select_n3A_240 masked %reduce_sum3A_242 : vector<16xf32>, vector<16xi1> -> vector<16xf32>
      %reduce_sum3A_244 = vector.extract %reduce_sum3A_243[15] : f32 from vector<16xf32>
      %broadcast_in_dim3A_245 = vector.broadcast %reduce_sum3A_244 : f32 to vector<16xf32>
      %mul3A_246 = arith.constant 16 : i32
      %mul3A_247 = arith.muli %add3A_23, %mul3A_246 : i32
      %add3A_248 = arith.constant 3 : i32
      %add3A_249 = arith.addi %mul3A_247, %add3A_248 : i32
      %swap3A_250 = arith.index_cast %add3A_249 : i32 to index
      %swap3A_251 = arith.constant 0 : index
      %swap3A_252 = tpu.vector_load %arg9[%swap3A_250, %swap3A_251] {strides = array<i32>} : memref<128x128xf32, #tpu.memory_space<vmem>>, vector<16xf32>,
      tpu.vector_store %arg9[%swap3A_250, %swap3A_251], %broadcast_in_dim3A_245 {strides = array<i32>} : memref<128x128xf32, #tpu.memory_space<vmem>>, vector<16xf32>,
      %mul3A_253 = arith.constant 16 : i32
      %mul3A_254 = arith.muli %add3A_23, %mul3A_253 : i32
      %add3A_255 = arith.constant 3 : i32
      %add3A_256 = arith.addi %mul3A_254, %add3A_255 : i32
      %swap3A_257 = arith.index_cast %add3A_256 : i32 to index
      %swap3A_258 = arith.constant 16 : index
      %swap3A_259 = tpu.vector_load %arg9[%swap3A_257, %swap3A_258] {strides = array<i32>} : memref<128x128xf32, #tpu.memory_space<vmem>>, vector<16xf32>,
      tpu.vector_store %arg9[%swap3A_257, %swap3A_258], %broadcast_in_dim3A_245 {strides = array<i32>} : memref<128x128xf32, #tpu.memory_space<vmem>>, vector<16xf32>,
      %mul3A_260 = arith.constant 16 : i32
      %mul3A_261 = arith.muli %add3A_23, %mul3A_260 : i32
      %add3A_262 = arith.constant 3 : i32
      %add3A_263 = arith.addi %mul3A_261, %add3A_262 : i32
      %swap3A_264 = arith.index_cast %add3A_263 : i32 to index
      %swap3A_265 = arith.constant 32 : index
      %swap3A_266 = tpu.vector_load %arg9[%swap3A_264, %swap3A_265] {strides = array<i32>} : memref<128x128xf32, #tpu.memory_space<vmem>>, vector<16xf32>,
      tpu.vector_store %arg9[%swap3A_264, %swap3A_265], %broadcast_in_dim3A_245 {strides = array<i32>} : memref<128x128xf32, #tpu.memory_space<vmem>>, vector<16xf32>,
      %mul3A_267 = arith.constant 16 : i32
      %mul3A_268 = arith.muli %add3A_23, %mul3A_267 : i32
      %add3A_269 = arith.constant 3 : i32
      %add3A_270 = arith.addi %mul3A_268, %add3A_269 : i32
      %swap3A_271 = arith.index_cast %add3A_270 : i32 to index
      %swap3A_272 = arith.constant 48 : index
      %swap3A_273 = tpu.vector_load %arg9[%swap3A_271, %swap3A_272] {strides = array<i32>} : memref<128x128xf32, #tpu.memory_space<vmem>>, vector<16xf32>,
      tpu.vector_store %arg9[%swap3A_271, %swap3A_272], %broadcast_in_dim3A_245 {strides = array<i32>} : memref<128x128xf32, #tpu.memory_space<vmem>>, vector<16xf32>,
      %mul3A_274 = arith.constant 16 : i32
      %mul3A_275 = arith.muli %add3A_23, %mul3A_274 : i32
      %add3A_276 = arith.constant 3 : i32
      %add3A_277 = arith.addi %mul3A_275, %add3A_276 : i32
      %swap3A_278 = arith.index_cast %add3A_277 : i32 to index
      %swap3A_279 = arith.constant 64 : index
      %swap3A_280 = tpu.vector_load %arg9[%swap3A_278, %swap3A_279] {strides = array<i32>} : memref<128x128xf32, #tpu.memory_space<vmem>>, vector<16xf32>,
      tpu.vector_store %arg9[%swap3A_278, %swap3A_279], %broadcast_in_dim3A_245 {strides = array<i32>} : memref<128x128xf32, #tpu.memory_space<vmem>>, vector<16xf32>,
      %mul3A_281 = arith.constant 16 : i32
      %mul3A_282 = arith.muli %add3A_23, %mul3A_281 : i32
      %add3A_283 = arith.constant 3 : i32
      %add3A_284 = arith.addi %mul3A_282, %add3A_283 : i32
      %swap3A_285 = arith.index_cast %add3A_284 : i32 to index
      %swap3A_286 = arith.constant 80 : index
      %swap3A_287 = tpu.vector_load %arg9[%swap3A_285, %swap3A_286] {strides = array<i32>} : memref<128x128xf32, #tpu.memory_space<vmem>>, vector<16xf32>,
      tpu.vector_store %arg9[%swap3A_285, %swap3A_286], %broadcast_in_dim3A_245 {strides = array<i32>} : memref<128x128xf32, #tpu.memory_space<vmem>>, vector<16xf32>,
      %mul3A_288 = arith.constant 16 : i32
      %mul3A_289 = arith.muli %add3A_23, %mul3A_288 : i32
      %add3A_290 = arith.constant 3 : i32
      %add3A_291 = arith.addi %mul3A_289, %add3A_290 : i32
      %swap3A_292 = arith.index_cast %add3A_291 : i32 to index
      %swap3A_293 = arith.constant 96 : index
      %swap3A_294 = tpu.vector_load %arg9[%swap3A_292, %swap3A_293] {strides = array<i32>} : memref<128x128xf32, #tpu.memory_space<vmem>>, vector<16xf32>,
      tpu.vector_store %arg9[%swap3A_292, %swap3A_293], %broadcast_in_dim3A_245 {strides = array<i32>} : memref<128x128xf32, #tpu.memory_space<vmem>>, vector<16xf32>,
      %mul3A_295 = arith.constant 16 : i32
      %mul3A_296 = arith.muli %add3A_23, %mul3A_295 : i32
      %add3A_297 = arith.constant 3 : i32
      %add3A_298 = arith.addi %mul3A_296, %add3A_297 : i32
      %swap3A_299 = arith.index_cast %add3A_298 : i32 to index
      %swap3A_300 = arith.constant 112 : index
      %swap3A_301 = tpu.vector_load %arg9[%swap3A_299, %swap3A_300] {strides = array<i32>} : memref<128x128xf32, #tpu.memory_space<vmem>>, vector<16xf32>,
      tpu.vector_store %arg9[%swap3A_299, %swap3A_300], %broadcast_in_dim3A_245 {strides = array<i32>} : memref<128x128xf32, #tpu.memory_space<vmem>>, vector<16xf32>,
      %eq3A_302 = arith.constant 4 : i32
      %eq3A_303 = vector.broadcast %eq3A_302 : i32 to vector<16xi32>
      %eq3A_304 = arith.cmpi eq, %iota3A, %eq3A_303 : vector<16xi32>
      %jit3A_305 = arith.constant 0.000000e+00 : f32
      %broadcast_in_dim3A_306 = vector.broadcast %jit3A_305 : f32 to vector<16xf32>
      %select_n3A_307 = arith.select %eq3A_304, %get3A_35, %broadcast_in_dim3A_306 : vector<16xi1>, vector<16xf32>
      %reduce_sum3A_308 = arith.constant true
      %reduce_sum3A_309 = vector.broadcast %reduce_sum3A_308 : i1 to vector<16xi1>
      %reduce_sum3A_310 = tpu.scan <sum>, %select_n3A_307 masked %reduce_sum3A_309 : vector<16xf32>, vector<16xi1> -> vector<16xf32>
      %reduce_sum3A_311 = vector.extract %reduce_sum3A_310[15] : f32 from vector<16xf32>
      %broadcast_in_dim3A_312 = vector.broadcast %reduce_sum3A_311 : f32 to vector<16xf32>
      %mul3A_313 = arith.constant 16 : i32
      %mul3A_314 = arith.muli %add3A_23, %mul3A_313 : i32
      %add3A_315 = arith.constant 4 : i32
      %add3A_316 = arith.addi %mul3A_314, %add3A_315 : i32
      %swap3A_317 = arith.index_cast %add3A_316 : i32 to index
      %swap3A_318 = arith.constant 0 : index
      %swap3A_319 = tpu.vector_load %arg9[%swap3A_317, %swap3A_318] {strides = array<i32>} : memref<128x128xf32, #tpu.memory_space<vmem>>, vector<16xf32>,
      tpu.vector_store %arg9[%swap3A_317, %swap3A_318], %broadcast_in_dim3A_312 {strides = array<i32>} : memref<128x128xf32, #tpu.memory_space<vmem>>, vector<16xf32>,
      %mul3A_320 = arith.constant 16 : i32
      %mul3A_321 = arith.muli %add3A_23, %mul3A_320 : i32
      %add3A_322 = arith.constant 4 : i32
      %add3A_323 = arith.addi %mul3A_321, %add3A_322 : i32
      %swap3A_324 = arith.index_cast %add3A_323 : i32 to index
      %swap3A_325 = arith.constant 16 : index
      %swap3A_326 = tpu.vector_load %arg9[%swap3A_324, %swap3A_325] {strides = array<i32>} : memref<128x128xf32, #tpu.memory_space<vmem>>, vector<16xf32>,
      tpu.vector_store %arg9[%swap3A_324, %swap3A_325], %broadcast_in_dim3A_312 {strides = array<i32>} : memref<128x128xf32, #tpu.memory_space<vmem>>, vector<16xf32>,
      %mul3A_327 = arith.constant 16 : i32
      %mul3A_328 = arith.muli %add3A_23, %mul3A_327 : i32
      %add3A_329 = arith.constant 4 : i32
      %add3A_330 = arith.addi %mul3A_328, %add3A_329 : i32
      %swap3A_331 = arith.index_cast %add3A_330 : i32 to index
      %swap3A_332 = arith.constant 32 : index
      %swap3A_333 = tpu.vector_load %arg9[%swap3A_331, %swap3A_332] {strides = array<i32>} : memref<128x128xf32, #tpu.memory_space<vmem>>, vector<16xf32>,
      tpu.vector_store %arg9[%swap3A_331, %swap3A_332], %broadcast_in_dim3A_312 {strides = array<i32>} : memref<128x128xf32, #tpu.memory_space<vmem>>, vector<16xf32>,
      %mul3A_334 = arith.constant 16 : i32
      %mul3A_335 = arith.muli %add3A_23, %mul3A_334 : i32
      %add3A_336 = arith.constant 4 : i32
      %add3A_337 = arith.addi %mul3A_335, %add3A_336 : i32
      %swap3A_338 = arith.index_cast %add3A_337 : i32 to index
      %swap3A_339 = arith.constant 48 : index
      %swap3A_340 = tpu.vector_load %arg9[%swap3A_338, %swap3A_339] {strides = array<i32>} : memref<128x128xf32, #tpu.memory_space<vmem>>, vector<16xf32>,
      tpu.vector_store %arg9[%swap3A_338, %swap3A_339], %broadcast_in_dim3A_312 {strides = array<i32>} : memref<128x128xf32, #tpu.memory_space<vmem>>, vector<16xf32>,
      %mul3A_341 = arith.constant 16 : i32
      %mul3A_342 = arith.muli %add3A_23, %mul3A_341 : i32
      %add3A_343 = arith.constant 4 : i32
      %add3A_344 = arith.addi %mul3A_342, %add3A_343 : i32
      %swap3A_345 = arith.index_cast %add3A_344 : i32 to index
      %swap3A_346 = arith.constant 64 : index
      %swap3A_347 = tpu.vector_load %arg9[%swap3A_345, %swap3A_346] {strides = array<i32>} : memref<128x128xf32, #tpu.memory_space<vmem>>, vector<16xf32>,
      tpu.vector_store %arg9[%swap3A_345, %swap3A_346], %broadcast_in_dim3A_312 {strides = array<i32>} : memref<128x128xf32, #tpu.memory_space<vmem>>, vector<16xf32>,
      %mul3A_348 = arith.constant 16 : i32
      %mul3A_349 = arith.muli %add3A_23, %mul3A_348 : i32
      %add3A_350 = arith.constant 4 : i32
      %add3A_351 = arith.addi %mul3A_349, %add3A_350 : i32
      %swap3A_352 = arith.index_cast %add3A_351 : i32 to index
      %swap3A_353 = arith.constant 80 : index
      %swap3A_354 = tpu.vector_load %arg9[%swap3A_352, %swap3A_353] {strides = array<i32>} : memref<128x128xf32, #tpu.memory_space<vmem>>, vector<16xf32>,
      tpu.vector_store %arg9[%swap3A_352, %swap3A_353], %broadcast_in_dim3A_312 {strides = array<i32>} : memref<128x128xf32, #tpu.memory_space<vmem>>, vector<16xf32>,
      %mul3A_355 = arith.constant 16 : i32
      %mul3A_356 = arith.muli %add3A_23, %mul3A_355 : i32
      %add3A_357 = arith.constant 4 : i32
      %add3A_358 = arith.addi %mul3A_356, %add3A_357 : i32
      %swap3A_359 = arith.index_cast %add3A_358 : i32 to index
      %swap3A_360 = arith.constant 96 : index
      %swap3A_361 = tpu.vector_load %arg9[%swap3A_359, %swap3A_360] {strides = array<i32>} : memref<128x128xf32, #tpu.memory_space<vmem>>, vector<16xf32>,
      tpu.vector_store %arg9[%swap3A_359, %swap3A_360], %broadcast_in_dim3A_312 {strides = array<i32>} : memref<128x128xf32, #tpu.memory_space<vmem>>, vector<16xf32>,
      %mul3A_362 = arith.constant 16 : i32
      %mul3A_363 = arith.muli %add3A_23, %mul3A_362 : i32
      %add3A_364 = arith.constant 4 : i32
      %add3A_365 = arith.addi %mul3A_363, %add3A_364 : i32
      %swap3A_366 = arith.index_cast %add3A_365 : i32 to index
      %swap3A_367 = arith.constant 112 : index
      %swap3A_368 = tpu.vector_load %arg9[%swap3A_366, %swap3A_367] {strides = array<i32>} : memref<128x128xf32, #tpu.memory_space<vmem>>, vector<16xf32>,
      tpu.vector_store %arg9[%swap3A_366, %swap3A_367], %broadcast_in_dim3A_312 {strides = array<i32>} : memref<128x128xf32, #tpu.memory_space<vmem>>, vector<16xf32>,
      %eq3A_369 = arith.constant 5 : i32
      %eq3A_370 = vector.broadcast %eq3A_369 : i32 to vector<16xi32>
      %eq3A_371 = arith.cmpi eq, %iota3A, %eq3A_370 : vector<16xi32>
      %jit3A_372 = arith.constant 0.000000e+00 : f32
      %broadcast_in_dim3A_373 = vector.broadcast %jit3A_372 : f32 to vector<16xf32>
      %select_n3A_374 = arith.select %eq3A_371, %get3A_35, %broadcast_in_dim3A_373 : vector<16xi1>, vector<16xf32>
      %reduce_sum3A_375 = arith.constant true
      %reduce_sum3A_376 = vector.broadcast %reduce_sum3A_375 : i1 to vector<16xi1>
      %reduce_sum3A_377 = tpu.scan <sum>, %select_n3A_374 masked %reduce_sum3A_376 : vector<16xf32>, vector<16xi1> -> vector<16xf32>
      %reduce_sum3A_378 = vector.extract %reduce_sum3A_377[15] : f32 from vector<16xf32>
      %broadcast_in_dim3A_379 = vector.broadcast %reduce_sum3A_378 : f32 to vector<16xf32>
      %mul3A_380 = arith.constant 16 : i32
      %mul3A_381 = arith.muli %add3A_23, %mul3A_380 : i32
      %add3A_382 = arith.constant 5 : i32
      %add3A_383 = arith.addi %mul3A_381, %add3A_382 : i32
      %swap3A_384 = arith.index_cast %add3A_383 : i32 to index
      %swap3A_385 = arith.constant 0 : index
      %swap3A_386 = tpu.vector_load %arg9[%swap3A_384, %swap3A_385] {strides = array<i32>} : memref<128x128xf32, #tpu.memory_space<vmem>>, vector<16xf32>,
      tpu.vector_store %arg9[%swap3A_384, %swap3A_385], %broadcast_in_dim3A_379 {strides = array<i32>} : memref<128x128xf32, #tpu.memory_space<vmem>>, vector<16xf32>,
      %mul3A_387 = arith.constant 16 : i32
      %mul3A_388 = arith.muli %add3A_23, %mul3A_387 : i32
      %add3A_389 = arith.constant 5 : i32
      %add3A_390 = arith.addi %mul3A_388, %add3A_389 : i32
      %swap3A_391 = arith.index_cast %add3A_390 : i32 to index
      %swap3A_392 = arith.constant 16 : index
      %swap3A_393 = tpu.vector_load %arg9[%swap3A_391, %swap3A_392] {strides = array<i32>} : memref<128x128xf32, #tpu.memory_space<vmem>>, vector<16xf32>,
      tpu.vector_store %arg9[%swap3A_391, %swap3A_392], %broadcast_in_dim3A_379 {strides = array<i32>} : memref<128x128xf32, #tpu.memory_space<vmem>>, vector<16xf32>,
      %mul3A_394 = arith.constant 16 : i32
      %mul3A_395 = arith.muli %add3A_23, %mul3A_394 : i32
      %add3A_396 = arith.constant 5 : i32
      %add3A_397 = arith.addi %mul3A_395, %add3A_396 : i32
      %swap3A_398 = arith.index_cast %add3A_397 : i32 to index
      %swap3A_399 = arith.constant 32 : index
      %swap3A_400 = tpu.vector_load %arg9[%swap3A_398, %swap3A_399] {strides = array<i32>} : memref<128x128xf32, #tpu.memory_space<vmem>>, vector<16xf32>,
      tpu.vector_store %arg9[%swap3A_398, %swap3A_399], %broadcast_in_dim3A_379 {strides = array<i32>} : memref<128x128xf32, #tpu.memory_space<vmem>>, vector<16xf32>,
      %mul3A_401 = arith.constant 16 : i32
      %mul3A_402 = arith.muli %add3A_23, %mul3A_401 : i32
      %add3A_403 = arith.constant 5 : i32
      %add3A_404 = arith.addi %mul3A_402, %add3A_403 : i32
      %swap3A_405 = arith.index_cast %add3A_404 : i32 to index
      %swap3A_406 = arith.constant 48 : index
      %swap3A_407 = tpu.vector_load %arg9[%swap3A_405, %swap3A_406] {strides = array<i32>} : memref<128x128xf32, #tpu.memory_space<vmem>>, vector<16xf32>,
      tpu.vector_store %arg9[%swap3A_405, %swap3A_406], %broadcast_in_dim3A_379 {strides = array<i32>} : memref<128x128xf32, #tpu.memory_space<vmem>>, vector<16xf32>,
      %mul3A_408 = arith.constant 16 : i32
      %mul3A_409 = arith.muli %add3A_23, %mul3A_408 : i32
      %add3A_410 = arith.constant 5 : i32
      %add3A_411 = arith.addi %mul3A_409, %add3A_410 : i32
      %swap3A_412 = arith.index_cast %add3A_411 : i32 to index
      %swap3A_413 = arith.constant 64 : index
      %swap3A_414 = tpu.vector_load %arg9[%swap3A_412, %swap3A_413] {strides = array<i32>} : memref<128x128xf32, #tpu.memory_space<vmem>>, vector<16xf32>,
      tpu.vector_store %arg9[%swap3A_412, %swap3A_413], %broadcast_in_dim3A_379 {strides = array<i32>} : memref<128x128xf32, #tpu.memory_space<vmem>>, vector<16xf32>,
      %mul3A_415 = arith.constant 16 : i32
      %mul3A_416 = arith.muli %add3A_23, %mul3A_415 : i32
      %add3A_417 = arith.constant 5 : i32
      %add3A_418 = arith.addi %mul3A_416, %add3A_417 : i32
      %swap3A_419 = arith.index_cast %add3A_418 : i32 to index
      %swap3A_420 = arith.constant 80 : index
      %swap3A_421 = tpu.vector_load %arg9[%swap3A_419, %swap3A_420] {strides = array<i32>} : memref<128x128xf32, #tpu.memory_space<vmem>>, vector<16xf32>,
      tpu.vector_store %arg9[%swap3A_419, %swap3A_420], %broadcast_in_dim3A_379 {strides = array<i32>} : memref<128x128xf32, #tpu.memory_space<vmem>>, vector<16xf32>,
      %mul3A_422 = arith.constant 16 : i32
      %mul3A_423 = arith.muli %add3A_23, %mul3A_422 : i32
      %add3A_424 = arith.constant 5 : i32
      %add3A_425 = arith.addi %mul3A_423, %add3A_424 : i32
      %swap3A_426 = arith.index_cast %add3A_425 : i32 to index
      %swap3A_427 = arith.constant 96 : index
      %swap3A_428 = tpu.vector_load %arg9[%swap3A_426, %swap3A_427] {strides = array<i32>} : memref<128x128xf32, #tpu.memory_space<vmem>>, vector<16xf32>,
      tpu.vector_store %arg9[%swap3A_426, %swap3A_427], %broadcast_in_dim3A_379 {strides = array<i32>} : memref<128x128xf32, #tpu.memory_space<vmem>>, vector<16xf32>,
      %mul3A_429 = arith.constant 16 : i32
      %mul3A_430 = arith.muli %add3A_23, %mul3A_429 : i32
      %add3A_431 = arith.constant 5 : i32
      %add3A_432 = arith.addi %mul3A_430, %add3A_431 : i32
      %swap3A_433 = arith.index_cast %add3A_432 : i32 to index
      %swap3A_434 = arith.constant 112 : index
      %swap3A_435 = tpu.vector_load %arg9[%swap3A_433, %swap3A_434] {strides = array<i32>} : memref<128x128xf32, #tpu.memory_space<vmem>>, vector<16xf32>,
      tpu.vector_store %arg9[%swap3A_433, %swap3A_434], %broadcast_in_dim3A_379 {strides = array<i32>} : memref<128x128xf32, #tpu.memory_space<vmem>>, vector<16xf32>,
      %eq3A_436 = arith.constant 6 : i32
      %eq3A_437 = vector.broadcast %eq3A_436 : i32 to vector<16xi32>
      %eq3A_438 = arith.cmpi eq, %iota3A, %eq3A_437 : vector<16xi32>
      %jit3A_439 = arith.constant 0.000000e+00 : f32
      %broadcast_in_dim3A_440 = vector.broadcast %jit3A_439 : f32 to vector<16xf32>
      %select_n3A_441 = arith.select %eq3A_438, %get3A_35, %broadcast_in_dim3A_440 : vector<16xi1>, vector<16xf32>
      %reduce_sum3A_442 = arith.constant true
      %reduce_sum3A_443 = vector.broadcast %reduce_sum3A_442 : i1 to vector<16xi1>
      %reduce_sum3A_444 = tpu.scan <sum>, %select_n3A_441 masked %reduce_sum3A_443 : vector<16xf32>, vector<16xi1> -> vector<16xf32>
      %reduce_sum3A_445 = vector.extract %reduce_sum3A_444[15] : f32 from vector<16xf32>
      %broadcast_in_dim3A_446 = vector.broadcast %reduce_sum3A_445 : f32 to vector<16xf32>
      %mul3A_447 = arith.constant 16 : i32
      %mul3A_448 = arith.muli %add3A_23, %mul3A_447 : i32
      %add3A_449 = arith.constant 6 : i32
      %add3A_450 = arith.addi %mul3A_448, %add3A_449 : i32
      %swap3A_451 = arith.index_cast %add3A_450 : i32 to index
      %swap3A_452 = arith.constant 0 : index
      %swap3A_453 = tpu.vector_load %arg9[%swap3A_451, %swap3A_452] {strides = array<i32>} : memref<128x128xf32, #tpu.memory_space<vmem>>, vector<16xf32>,
      tpu.vector_store %arg9[%swap3A_451, %swap3A_452], %broadcast_in_dim3A_446 {strides = array<i32>} : memref<128x128xf32, #tpu.memory_space<vmem>>, vector<16xf32>,
      %mul3A_454 = arith.constant 16 : i32
      %mul3A_455 = arith.muli %add3A_23, %mul3A_454 : i32
      %add3A_456 = arith.constant 6 : i32
      %add3A_457 = arith.addi %mul3A_455, %add3A_456 : i32
      %swap3A_458 = arith.index_cast %add3A_457 : i32 to index
      %swap3A_459 = arith.constant 16 : index
      %swap3A_460 = tpu.vector_load %arg9[%swap3A_458, %swap3A_459] {strides = array<i32>} : memref<128x128xf32, #tpu.memory_space<vmem>>, vector<16xf32>,
      tpu.vector_store %arg9[%swap3A_458, %swap3A_459], %broadcast_in_dim3A_446 {strides = array<i32>} : memref<128x128xf32, #tpu.memory_space<vmem>>, vector<16xf32>,
      %mul3A_461 = arith.constant 16 : i32
      %mul3A_462 = arith.muli %add3A_23, %mul3A_461 : i32
      %add3A_463 = arith.constant 6 : i32
      %add3A_464 = arith.addi %mul3A_462, %add3A_463 : i32
      %swap3A_465 = arith.index_cast %add3A_464 : i32 to index
      %swap3A_466 = arith.constant 32 : index
      %swap3A_467 = tpu.vector_load %arg9[%swap3A_465, %swap3A_466] {strides = array<i32>} : memref<128x128xf32, #tpu.memory_space<vmem>>, vector<16xf32>,
      tpu.vector_store %arg9[%swap3A_465, %swap3A_466], %broadcast_in_dim3A_446 {strides = array<i32>} : memref<128x128xf32, #tpu.memory_space<vmem>>, vector<16xf32>,
      %mul3A_468 = arith.constant 16 : i32
      %mul3A_469 = arith.muli %add3A_23, %mul3A_468 : i32
      %add3A_470 = arith.constant 6 : i32
      %add3A_471 = arith.addi %mul3A_469, %add3A_470 : i32
      %swap3A_472 = arith.index_cast %add3A_471 : i32 to index
      %swap3A_473 = arith.constant 48 : index
      %swap3A_474 = tpu.vector_load %arg9[%swap3A_472, %swap3A_473] {strides = array<i32>} : memref<128x128xf32, #tpu.memory_space<vmem>>, vector<16xf32>,
      tpu.vector_store %arg9[%swap3A_472, %swap3A_473], %broadcast_in_dim3A_446 {strides = array<i32>} : memref<128x128xf32, #tpu.memory_space<vmem>>, vector<16xf32>,
      %mul3A_475 = arith.constant 16 : i32
      %mul3A_476 = arith.muli %add3A_23, %mul3A_475 : i32
      %add3A_477 = arith.constant 6 : i32
      %add3A_478 = arith.addi %mul3A_476, %add3A_477 : i32
      %swap3A_479 = arith.index_cast %add3A_478 : i32 to index
      %swap3A_480 = arith.constant 64 : index
      %swap3A_481 = tpu.vector_load %arg9[%swap3A_479, %swap3A_480] {strides = array<i32>} : memref<128x128xf32, #tpu.memory_space<vmem>>, vector<16xf32>,
      tpu.vector_store %arg9[%swap3A_479, %swap3A_480], %broadcast_in_dim3A_446 {strides = array<i32>} : memref<128x128xf32, #tpu.memory_space<vmem>>, vector<16xf32>,
      %mul3A_482 = arith.constant 16 : i32
      %mul3A_483 = arith.muli %add3A_23, %mul3A_482 : i32
      %add3A_484 = arith.constant 6 : i32
      %add3A_485 = arith.addi %mul3A_483, %add3A_484 : i32
      %swap3A_486 = arith.index_cast %add3A_485 : i32 to index
      %swap3A_487 = arith.constant 80 : index
      %swap3A_488 = tpu.vector_load %arg9[%swap3A_486, %swap3A_487] {strides = array<i32>} : memref<128x128xf32, #tpu.memory_space<vmem>>, vector<16xf32>,
      tpu.vector_store %arg9[%swap3A_486, %swap3A_487], %broadcast_in_dim3A_446 {strides = array<i32>} : memref<128x128xf32, #tpu.memory_space<vmem>>, vector<16xf32>,
      %mul3A_489 = arith.constant 16 : i32
      %mul3A_490 = arith.muli %add3A_23, %mul3A_489 : i32
      %add3A_491 = arith.constant 6 : i32
      %add3A_492 = arith.addi %mul3A_490, %add3A_491 : i32
      %swap3A_493 = arith.index_cast %add3A_492 : i32 to index
      %swap3A_494 = arith.constant 96 : index
      %swap3A_495 = tpu.vector_load %arg9[%swap3A_493, %swap3A_494] {strides = array<i32>} : memref<128x128xf32, #tpu.memory_space<vmem>>, vector<16xf32>,
      tpu.vector_store %arg9[%swap3A_493, %swap3A_494], %broadcast_in_dim3A_446 {strides = array<i32>} : memref<128x128xf32, #tpu.memory_space<vmem>>, vector<16xf32>,
      %mul3A_496 = arith.constant 16 : i32
      %mul3A_497 = arith.muli %add3A_23, %mul3A_496 : i32
      %add3A_498 = arith.constant 6 : i32
      %add3A_499 = arith.addi %mul3A_497, %add3A_498 : i32
      %swap3A_500 = arith.index_cast %add3A_499 : i32 to index
      %swap3A_501 = arith.constant 112 : index
      %swap3A_502 = tpu.vector_load %arg9[%swap3A_500, %swap3A_501] {strides = array<i32>} : memref<128x128xf32, #tpu.memory_space<vmem>>, vector<16xf32>,
      tpu.vector_store %arg9[%swap3A_500, %swap3A_501], %broadcast_in_dim3A_446 {strides = array<i32>} : memref<128x128xf32, #tpu.memory_space<vmem>>, vector<16xf32>,
      %eq3A_503 = arith.constant 7 : i32
      %eq3A_504 = vector.broadcast %eq3A_503 : i32 to vector<16xi32>
      %eq3A_505 = arith.cmpi eq, %iota3A, %eq3A_504 : vector<16xi32>
      %jit3A_506 = arith.constant 0.000000e+00 : f32
      %broadcast_in_dim3A_507 = vector.broadcast %jit3A_506 : f32 to vector<16xf32>
      %select_n3A_508 = arith.select %eq3A_505, %get3A_35, %broadcast_in_dim3A_507 : vector<16xi1>, vector<16xf32>
      %reduce_sum3A_509 = arith.constant true
      %reduce_sum3A_510 = vector.broadcast %reduce_sum3A_509 : i1 to vector<16xi1>
      %reduce_sum3A_511 = tpu.scan <sum>, %select_n3A_508 masked %reduce_sum3A_510 : vector<16xf32>, vector<16xi1> -> vector<16xf32>
      %reduce_sum3A_512 = vector.extract %reduce_sum3A_511[15] : f32 from vector<16xf32>
      %broadcast_in_dim3A_513 = vector.broadcast %reduce_sum3A_512 : f32 to vector<16xf32>
      %mul3A_514 = arith.constant 16 : i32
      %mul3A_515 = arith.muli %add3A_23, %mul3A_514 : i32
      %add3A_516 = arith.constant 7 : i32
      %add3A_517 = arith.addi %mul3A_515, %add3A_516 : i32
      %swap3A_518 = arith.index_cast %add3A_517 : i32 to index
      %swap3A_519 = arith.constant 0 : index
      %swap3A_520 = tpu.vector_load %arg9[%swap3A_518, %swap3A_519] {strides = array<i32>} : memref<128x128xf32, #tpu.memory_space<vmem>>, vector<16xf32>,
      tpu.vector_store %arg9[%swap3A_518, %swap3A_519], %broadcast_in_dim3A_513 {strides = array<i32>} : memref<128x128xf32, #tpu.memory_space<vmem>>, vector<16xf32>,
      %mul3A_521 = arith.constant 16 : i32
      %mul3A_522 = arith.muli %add3A_23, %mul3A_521 : i32
      %add3A_523 = arith.constant 7 : i32
      %add3A_524 = arith.addi %mul3A_522, %add3A_523 : i32
      %swap3A_525 = arith.index_cast %add3A_524 : i32 to index
      %swap3A_526 = arith.constant 16 : index
      %swap3A_527 = tpu.vector_load %arg9[%swap3A_525, %swap3A_526] {strides = array<i32>} : memref<128x128xf32, #tpu.memory_space<vmem>>, vector<16xf32>,
      tpu.vector_store %arg9[%swap3A_525, %swap3A_526], %broadcast_in_dim3A_513 {strides = array<i32>} : memref<128x128xf32, #tpu.memory_space<vmem>>, vector<16xf32>,
      %mul3A_528 = arith.constant 16 : i32
      %mul3A_529 = arith.muli %add3A_23, %mul3A_528 : i32
      %add3A_530 = arith.constant 7 : i32
      %add3A_531 = arith.addi %mul3A_529, %add3A_530 : i32
      %swap3A_532 = arith.index_cast %add3A_531 : i32 to index
      %swap3A_533 = arith.constant 32 : index
      %swap3A_534 = tpu.vector_load %arg9[%swap3A_532, %swap3A_533] {strides = array<i32>} : memref<128x128xf32, #tpu.memory_space<vmem>>, vector<16xf32>,
      tpu.vector_store %arg9[%swap3A_532, %swap3A_533], %broadcast_in_dim3A_513 {strides = array<i32>} : memref<128x128xf32, #tpu.memory_space<vmem>>, vector<16xf32>,
      %mul3A_535 = arith.constant 16 : i32
      %mul3A_536 = arith.muli %add3A_23, %mul3A_535 : i32
      %add3A_537 = arith.constant 7 : i32
      %add3A_538 = arith.addi %mul3A_536, %add3A_537 : i32
      %swap3A_539 = arith.index_cast %add3A_538 : i32 to index
      %swap3A_540 = arith.constant 48 : index
      %swap3A_541 = tpu.vector_load %arg9[%swap3A_539, %swap3A_540] {strides = array<i32>} : memref<128x128xf32, #tpu.memory_space<vmem>>, vector<16xf32>,
      tpu.vector_store %arg9[%swap3A_539, %swap3A_540], %broadcast_in_dim3A_513 {strides = array<i32>} : memref<128x128xf32, #tpu.memory_space<vmem>>, vector<16xf32>,
      %mul3A_542 = arith.constant 16 : i32
      %mul3A_543 = arith.muli %add3A_23, %mul3A_542 : i32
      %add3A_544 = arith.constant 7 : i32
      %add3A_545 = arith.addi %mul3A_543, %add3A_544 : i32
      %swap3A_546 = arith.index_cast %add3A_545 : i32 to index
      %swap3A_547 = arith.constant 64 : index
      %swap3A_548 = tpu.vector_load %arg9[%swap3A_546, %swap3A_547] {strides = array<i32>} : memref<128x128xf32, #tpu.memory_space<vmem>>, vector<16xf32>,
      tpu.vector_store %arg9[%swap3A_546, %swap3A_547], %broadcast_in_dim3A_513 {strides = array<i32>} : memref<128x128xf32, #tpu.memory_space<vmem>>, vector<16xf32>,
      %mul3A_549 = arith.constant 16 : i32
      %mul3A_550 = arith.muli %add3A_23, %mul3A_549 : i32
      %add3A_551 = arith.constant 7 : i32
      %add3A_552 = arith.addi %mul3A_550, %add3A_551 : i32
      %swap3A_553 = arith.index_cast %add3A_552 : i32 to index
      %swap3A_554 = arith.constant 80 : index
      %swap3A_555 = tpu.vector_load %arg9[%swap3A_553, %swap3A_554] {strides = array<i32>} : memref<128x128xf32, #tpu.memory_space<vmem>>, vector<16xf32>,
      tpu.vector_store %arg9[%swap3A_553, %swap3A_554], %broadcast_in_dim3A_513 {strides = array<i32>} : memref<128x128xf32, #tpu.memory_space<vmem>>, vector<16xf32>,
      %mul3A_556 = arith.constant 16 : i32
      %mul3A_557 = arith.muli %add3A_23, %mul3A_556 : i32
      %add3A_558 = arith.constant 7 : i32
      %add3A_559 = arith.addi %mul3A_557, %add3A_558 : i32
      %swap3A_560 = arith.index_cast %add3A_559 : i32 to index
      %swap3A_561 = arith.constant 96 : index
      %swap3A_562 = tpu.vector_load %arg9[%swap3A_560, %swap3A_561] {strides = array<i32>} : memref<128x128xf32, #tpu.memory_space<vmem>>, vector<16xf32>,
      tpu.vector_store %arg9[%swap3A_560, %swap3A_561], %broadcast_in_dim3A_513 {strides = array<i32>} : memref<128x128xf32, #tpu.memory_space<vmem>>, vector<16xf32>,
      %mul3A_563 = arith.constant 16 : i32
      %mul3A_564 = arith.muli %add3A_23, %mul3A_563 : i32
      %add3A_565 = arith.constant 7 : i32
      %add3A_566 = arith.addi %mul3A_564, %add3A_565 : i32
      %swap3A_567 = arith.index_cast %add3A_566 : i32 to index
      %swap3A_568 = arith.constant 112 : index
      %swap3A_569 = tpu.vector_load %arg9[%swap3A_567, %swap3A_568] {strides = array<i32>} : memref<128x128xf32, #tpu.memory_space<vmem>>, vector<16xf32>,
      tpu.vector_store %arg9[%swap3A_567, %swap3A_568], %broadcast_in_dim3A_513 {strides = array<i32>} : memref<128x128xf32, #tpu.memory_space<vmem>>, vector<16xf32>,
      %eq3A_570 = arith.constant 8 : i32
      %eq3A_571 = vector.broadcast %eq3A_570 : i32 to vector<16xi32>
      %eq3A_572 = arith.cmpi eq, %iota3A, %eq3A_571 : vector<16xi32>
      %jit3A_573 = arith.constant 0.000000e+00 : f32
      %broadcast_in_dim3A_574 = vector.broadcast %jit3A_573 : f32 to vector<16xf32>
      %select_n3A_575 = arith.select %eq3A_572, %get3A_35, %broadcast_in_dim3A_574 : vector<16xi1>, vector<16xf32>
      %reduce_sum3A_576 = arith.constant true
      %reduce_sum3A_577 = vector.broadcast %reduce_sum3A_576 : i1 to vector<16xi1>
      %reduce_sum3A_578 = tpu.scan <sum>, %select_n3A_575 masked %reduce_sum3A_577 : vector<16xf32>, vector<16xi1> -> vector<16xf32>
      %reduce_sum3A_579 = vector.extract %reduce_sum3A_578[15] : f32 from vector<16xf32>
      %broadcast_in_dim3A_580 = vector.broadcast %reduce_sum3A_579 : f32 to vector<16xf32>
      %mul3A_581 = arith.constant 16 : i32
      %mul3A_582 = arith.muli %add3A_23, %mul3A_581 : i32
      %add3A_583 = arith.constant 8 : i32
      %add3A_584 = arith.addi %mul3A_582, %add3A_583 : i32
      %swap3A_585 = arith.index_cast %add3A_584 : i32 to index
      %swap3A_586 = arith.constant 0 : index
      %swap3A_587 = tpu.vector_load %arg9[%swap3A_585, %swap3A_586] {strides = array<i32>} : memref<128x128xf32, #tpu.memory_space<vmem>>, vector<16xf32>,
      tpu.vector_store %arg9[%swap3A_585, %swap3A_586], %broadcast_in_dim3A_580 {strides = array<i32>} : memref<128x128xf32, #tpu.memory_space<vmem>>, vector<16xf32>,
      %mul3A_588 = arith.constant 16 : i32
      %mul3A_589 = arith.muli %add3A_23, %mul3A_588 : i32
      %add3A_590 = arith.constant 8 : i32
      %add3A_591 = arith.addi %mul3A_589, %add3A_590 : i32
      %swap3A_592 = arith.index_cast %add3A_591 : i32 to index
      %swap3A_593 = arith.constant 16 : index
      %swap3A_594 = tpu.vector_load %arg9[%swap3A_592, %swap3A_593] {strides = array<i32>} : memref<128x128xf32, #tpu.memory_space<vmem>>, vector<16xf32>,
      tpu.vector_store %arg9[%swap3A_592, %swap3A_593], %broadcast_in_dim3A_580 {strides = array<i32>} : memref<128x128xf32, #tpu.memory_space<vmem>>, vector<16xf32>,
      %mul3A_595 = arith.constant 16 : i32
      %mul3A_596 = arith.muli %add3A_23, %mul3A_595 : i32
      %add3A_597 = arith.constant 8 : i32
      %add3A_598 = arith.addi %mul3A_596, %add3A_597 : i32
      %swap3A_599 = arith.index_cast %add3A_598 : i32 to index
      %swap3A_600 = arith.constant 32 : index
      %swap3A_601 = tpu.vector_load %arg9[%swap3A_599, %swap3A_600] {strides = array<i32>} : memref<128x128xf32, #tpu.memory_space<vmem>>, vector<16xf32>,
      tpu.vector_store %arg9[%swap3A_599, %swap3A_600], %broadcast_in_dim3A_580 {strides = array<i32>} : memref<128x128xf32, #tpu.memory_space<vmem>>, vector<16xf32>,
      %mul3A_602 = arith.constant 16 : i32
      %mul3A_603 = arith.muli %add3A_23, %mul3A_602 : i32
      %add3A_604 = arith.constant 8 : i32
      %add3A_605 = arith.addi %mul3A_603, %add3A_604 : i32
      %swap3A_606 = arith.index_cast %add3A_605 : i32 to index
      %swap3A_607 = arith.constant 48 : index
      %swap3A_608 = tpu.vector_load %arg9[%swap3A_606, %swap3A_607] {strides = array<i32>} : memref<128x128xf32, #tpu.memory_space<vmem>>, vector<16xf32>,
      tpu.vector_store %arg9[%swap3A_606, %swap3A_607], %broadcast_in_dim3A_580 {strides = array<i32>} : memref<128x128xf32, #tpu.memory_space<vmem>>, vector<16xf32>,
      %mul3A_609 = arith.constant 16 : i32
      %mul3A_610 = arith.muli %add3A_23, %mul3A_609 : i32
      %add3A_611 = arith.constant 8 : i32
      %add3A_612 = arith.addi %mul3A_610, %add3A_611 : i32
      %swap3A_613 = arith.index_cast %add3A_612 : i32 to index
      %swap3A_614 = arith.constant 64 : index
      %swap3A_615 = tpu.vector_load %arg9[%swap3A_613, %swap3A_614] {strides = array<i32>} : memref<128x128xf32, #tpu.memory_space<vmem>>, vector<16xf32>,
      tpu.vector_store %arg9[%swap3A_613, %swap3A_614], %broadcast_in_dim3A_580 {strides = array<i32>} : memref<128x128xf32, #tpu.memory_space<vmem>>, vector<16xf32>,
      %mul3A_616 = arith.constant 16 : i32
      %mul3A_617 = arith.muli %add3A_23, %mul3A_616 : i32
      %add3A_618 = arith.constant 8 : i32
      %add3A_619 = arith.addi %mul3A_617, %add3A_618 : i32
      %swap3A_620 = arith.index_cast %add3A_619 : i32 to index
      %swap3A_621 = arith.constant 80 : index
      %swap3A_622 = tpu.vector_load %arg9[%swap3A_620, %swap3A_621] {strides = array<i32>} : memref<128x128xf32, #tpu.memory_space<vmem>>, vector<16xf32>,
      tpu.vector_store %arg9[%swap3A_620, %swap3A_621], %broadcast_in_dim3A_580 {strides = array<i32>} : memref<128x128xf32, #tpu.memory_space<vmem>>, vector<16xf32>,
      %mul3A_623 = arith.constant 16 : i32
      %mul3A_624 = arith.muli %add3A_23, %mul3A_623 : i32
      %add3A_625 = arith.constant 8 : i32
      %add3A_626 = arith.addi %mul3A_624, %add3A_625 : i32
      %swap3A_627 = arith.index_cast %add3A_626 : i32 to index
      %swap3A_628 = arith.constant 96 : index
      %swap3A_629 = tpu.vector_load %arg9[%swap3A_627, %swap3A_628] {strides = array<i32>} : memref<128x128xf32, #tpu.memory_space<vmem>>, vector<16xf32>,
      tpu.vector_store %arg9[%swap3A_627, %swap3A_628], %broadcast_in_dim3A_580 {strides = array<i32>} : memref<128x128xf32, #tpu.memory_space<vmem>>, vector<16xf32>,
      %mul3A_630 = arith.constant 16 : i32
      %mul3A_631 = arith.muli %add3A_23, %mul3A_630 : i32
      %add3A_632 = arith.constant 8 : i32
      %add3A_633 = arith.addi %mul3A_631, %add3A_632 : i32
      %swap3A_634 = arith.index_cast %add3A_633 : i32 to index
      %swap3A_635 = arith.constant 112 : index
      %swap3A_636 = tpu.vector_load %arg9[%swap3A_634, %swap3A_635] {strides = array<i32>} : memref<128x128xf32, #tpu.memory_space<vmem>>, vector<16xf32>,
      tpu.vector_store %arg9[%swap3A_634, %swap3A_635], %broadcast_in_dim3A_580 {strides = array<i32>} : memref<128x128xf32, #tpu.memory_space<vmem>>, vector<16xf32>,
      %eq3A_637 = arith.constant 9 : i32
      %eq3A_638 = vector.broadcast %eq3A_637 : i32 to vector<16xi32>
      %eq3A_639 = arith.cmpi eq, %iota3A, %eq3A_638 : vector<16xi32>
      %jit3A_640 = arith.constant 0.000000e+00 : f32
      %broadcast_in_dim3A_641 = vector.broadcast %jit3A_640 : f32 to vector<16xf32>
      %select_n3A_642 = arith.select %eq3A_639, %get3A_35, %broadcast_in_dim3A_641 : vector<16xi1>, vector<16xf32>
      %reduce_sum3A_643 = arith.constant true
      %reduce_sum3A_644 = vector.broadcast %reduce_sum3A_643 : i1 to vector<16xi1>
      %reduce_sum3A_645 = tpu.scan <sum>, %select_n3A_642 masked %reduce_sum3A_644 : vector<16xf32>, vector<16xi1> -> vector<16xf32>
      %reduce_sum3A_646 = vector.extract %reduce_sum3A_645[15] : f32 from vector<16xf32>
      %broadcast_in_dim3A_647 = vector.broadcast %reduce_sum3A_646 : f32 to vector<16xf32>
      %mul3A_648 = arith.constant 16 : i32
      %mul3A_649 = arith.muli %add3A_23, %mul3A_648 : i32
      %add3A_650 = arith.constant 9 : i32
      %add3A_651 = arith.addi %mul3A_649, %add3A_650 : i32
      %swap3A_652 = arith.index_cast %add3A_651 : i32 to index
      %swap3A_653 = arith.constant 0 : index
      %swap3A_654 = tpu.vector_load %arg9[%swap3A_652, %swap3A_653] {strides = array<i32>} : memref<128x128xf32, #tpu.memory_space<vmem>>, vector<16xf32>,
      tpu.vector_store %arg9[%swap3A_652, %swap3A_653], %broadcast_in_dim3A_647 {strides = array<i32>} : memref<128x128xf32, #tpu.memory_space<vmem>>, vector<16xf32>,
      %mul3A_655 = arith.constant 16 : i32
      %mul3A_656 = arith.muli %add3A_23, %mul3A_655 : i32
      %add3A_657 = arith.constant 9 : i32
      %add3A_658 = arith.addi %mul3A_656, %add3A_657 : i32
      %swap3A_659 = arith.index_cast %add3A_658 : i32 to index
      %swap3A_660 = arith.constant 16 : index
      %swap3A_661 = tpu.vector_load %arg9[%swap3A_659, %swap3A_660] {strides = array<i32>} : memref<128x128xf32, #tpu.memory_space<vmem>>, vector<16xf32>,
      tpu.vector_store %arg9[%swap3A_659, %swap3A_660], %broadcast_in_dim3A_647 {strides = array<i32>} : memref<128x128xf32, #tpu.memory_space<vmem>>, vector<16xf32>,
      %mul3A_662 = arith.constant 16 : i32
      %mul3A_663 = arith.muli %add3A_23, %mul3A_662 : i32
      %add3A_664 = arith.constant 9 : i32
      %add3A_665 = arith.addi %mul3A_663, %add3A_664 : i32
      %swap3A_666 = arith.index_cast %add3A_665 : i32 to index
      %swap3A_667 = arith.constant 32 : index
      %swap3A_668 = tpu.vector_load %arg9[%swap3A_666, %swap3A_667] {strides = array<i32>} : memref<128x128xf32, #tpu.memory_space<vmem>>, vector<16xf32>,
      tpu.vector_store %arg9[%swap3A_666, %swap3A_667], %broadcast_in_dim3A_647 {strides = array<i32>} : memref<128x128xf32, #tpu.memory_space<vmem>>, vector<16xf32>,
      %mul3A_669 = arith.constant 16 : i32
      %mul3A_670 = arith.muli %add3A_23, %mul3A_669 : i32
      %add3A_671 = arith.constant 9 : i32
      %add3A_672 = arith.addi %mul3A_670, %add3A_671 : i32
      %swap3A_673 = arith.index_cast %add3A_672 : i32 to index
      %swap3A_674 = arith.constant 48 : index
      %swap3A_675 = tpu.vector_load %arg9[%swap3A_673, %swap3A_674] {strides = array<i32>} : memref<128x128xf32, #tpu.memory_space<vmem>>, vector<16xf32>,
      tpu.vector_store %arg9[%swap3A_673, %swap3A_674], %broadcast_in_dim3A_647 {strides = array<i32>} : memref<128x128xf32, #tpu.memory_space<vmem>>, vector<16xf32>,
      %mul3A_676 = arith.constant 16 : i32
      %mul3A_677 = arith.muli %add3A_23, %mul3A_676 : i32
      %add3A_678 = arith.constant 9 : i32
      %add3A_679 = arith.addi %mul3A_677, %add3A_678 : i32
      %swap3A_680 = arith.index_cast %add3A_679 : i32 to index
      %swap3A_681 = arith.constant 64 : index
      %swap3A_682 = tpu.vector_load %arg9[%swap3A_680, %swap3A_681] {strides = array<i32>} : memref<128x128xf32, #tpu.memory_space<vmem>>, vector<16xf32>,
      tpu.vector_store %arg9[%swap3A_680, %swap3A_681], %broadcast_in_dim3A_647 {strides = array<i32>} : memref<128x128xf32, #tpu.memory_space<vmem>>, vector<16xf32>,
      %mul3A_683 = arith.constant 16 : i32
      %mul3A_684 = arith.muli %add3A_23, %mul3A_683 : i32
      %add3A_685 = arith.constant 9 : i32
      %add3A_686 = arith.addi %mul3A_684, %add3A_685 : i32
      %swap3A_687 = arith.index_cast %add3A_686 : i32 to index
      %swap3A_688 = arith.constant 80 : index
      %swap3A_689 = tpu.vector_load %arg9[%swap3A_687, %swap3A_688] {strides = array<i32>} : memref<128x128xf32, #tpu.memory_space<vmem>>, vector<16xf32>,
      tpu.vector_store %arg9[%swap3A_687, %swap3A_688], %broadcast_in_dim3A_647 {strides = array<i32>} : memref<128x128xf32, #tpu.memory_space<vmem>>, vector<16xf32>,
      %mul3A_690 = arith.constant 16 : i32
      %mul3A_691 = arith.muli %add3A_23, %mul3A_690 : i32
      %add3A_692 = arith.constant 9 : i32
      %add3A_693 = arith.addi %mul3A_691, %add3A_692 : i32
      %swap3A_694 = arith.index_cast %add3A_693 : i32 to index
      %swap3A_695 = arith.constant 96 : index
      %swap3A_696 = tpu.vector_load %arg9[%swap3A_694, %swap3A_695] {strides = array<i32>} : memref<128x128xf32, #tpu.memory_space<vmem>>, vector<16xf32>,
      tpu.vector_store %arg9[%swap3A_694, %swap3A_695], %broadcast_in_dim3A_647 {strides = array<i32>} : memref<128x128xf32, #tpu.memory_space<vmem>>, vector<16xf32>,
      %mul3A_697 = arith.constant 16 : i32
      %mul3A_698 = arith.muli %add3A_23, %mul3A_697 : i32
      %add3A_699 = arith.constant 9 : i32
      %add3A_700 = arith.addi %mul3A_698, %add3A_699 : i32
      %swap3A_701 = arith.index_cast %add3A_700 : i32 to index
      %swap3A_702 = arith.constant 112 : index
      %swap3A_703 = tpu.vector_load %arg9[%swap3A_701, %swap3A_702] {strides = array<i32>} : memref<128x128xf32, #tpu.memory_space<vmem>>, vector<16xf32>,
      tpu.vector_store %arg9[%swap3A_701, %swap3A_702], %broadcast_in_dim3A_647 {strides = array<i32>} : memref<128x128xf32, #tpu.memory_space<vmem>>, vector<16xf32>,
      %eq3A_704 = arith.constant 10 : i32
      %eq3A_705 = vector.broadcast %eq3A_704 : i32 to vector<16xi32>
      %eq3A_706 = arith.cmpi eq, %iota3A, %eq3A_705 : vector<16xi32>
      %jit3A_707 = arith.constant 0.000000e+00 : f32
      %broadcast_in_dim3A_708 = vector.broadcast %jit3A_707 : f32 to vector<16xf32>
      %select_n3A_709 = arith.select %eq3A_706, %get3A_35, %broadcast_in_dim3A_708 : vector<16xi1>, vector<16xf32>
      %reduce_sum3A_710 = arith.constant true
      %reduce_sum3A_711 = vector.broadcast %reduce_sum3A_710 : i1 to vector<16xi1>
      %reduce_sum3A_712 = tpu.scan <sum>, %select_n3A_709 masked %reduce_sum3A_711 : vector<16xf32>, vector<16xi1> -> vector<16xf32>
      %reduce_sum3A_713 = vector.extract %reduce_sum3A_712[15] : f32 from vector<16xf32>
      %broadcast_in_dim3A_714 = vector.broadcast %reduce_sum3A_713 : f32 to vector<16xf32>
      %mul3A_715 = arith.constant 16 : i32
      %mul3A_716 = arith.muli %add3A_23, %mul3A_715 : i32
      %add3A_717 = arith.constant 10 : i32
      %add3A_718 = arith.addi %mul3A_716, %add3A_717 : i32
      %swap3A_719 = arith.index_cast %add3A_718 : i32 to index
      %swap3A_720 = arith.constant 0 : index
      %swap3A_721 = tpu.vector_load %arg9[%swap3A_719, %swap3A_720] {strides = array<i32>} : memref<128x128xf32, #tpu.memory_space<vmem>>, vector<16xf32>,
      tpu.vector_store %arg9[%swap3A_719, %swap3A_720], %broadcast_in_dim3A_714 {strides = array<i32>} : memref<128x128xf32, #tpu.memory_space<vmem>>, vector<16xf32>,
      %mul3A_722 = arith.constant 16 : i32
      %mul3A_723 = arith.muli %add3A_23, %mul3A_722 : i32
      %add3A_724 = arith.constant 10 : i32
      %add3A_725 = arith.addi %mul3A_723, %add3A_724 : i32
      %swap3A_726 = arith.index_cast %add3A_725 : i32 to index
      %swap3A_727 = arith.constant 16 : index
      %swap3A_728 = tpu.vector_load %arg9[%swap3A_726, %swap3A_727] {strides = array<i32>} : memref<128x128xf32, #tpu.memory_space<vmem>>, vector<16xf32>,
      tpu.vector_store %arg9[%swap3A_726, %swap3A_727], %broadcast_in_dim3A_714 {strides = array<i32>} : memref<128x128xf32, #tpu.memory_space<vmem>>, vector<16xf32>,
      %mul3A_729 = arith.constant 16 : i32
      %mul3A_730 = arith.muli %add3A_23, %mul3A_729 : i32
      %add3A_731 = arith.constant 10 : i32
      %add3A_732 = arith.addi %mul3A_730, %add3A_731 : i32
      %swap3A_733 = arith.index_cast %add3A_732 : i32 to index
      %swap3A_734 = arith.constant 32 : index
      %swap3A_735 = tpu.vector_load %arg9[%swap3A_733, %swap3A_734] {strides = array<i32>} : memref<128x128xf32, #tpu.memory_space<vmem>>, vector<16xf32>,
      tpu.vector_store %arg9[%swap3A_733, %swap3A_734], %broadcast_in_dim3A_714 {strides = array<i32>} : memref<128x128xf32, #tpu.memory_space<vmem>>, vector<16xf32>,
      %mul3A_736 = arith.constant 16 : i32
      %mul3A_737 = arith.muli %add3A_23, %mul3A_736 : i32
      %add3A_738 = arith.constant 10 : i32
      %add3A_739 = arith.addi %mul3A_737, %add3A_738 : i32
      %swap3A_740 = arith.index_cast %add3A_739 : i32 to index
      %swap3A_741 = arith.constant 48 : index
      %swap3A_742 = tpu.vector_load %arg9[%swap3A_740, %swap3A_741] {strides = array<i32>} : memref<128x128xf32, #tpu.memory_space<vmem>>, vector<16xf32>,
      tpu.vector_store %arg9[%swap3A_740, %swap3A_741], %broadcast_in_dim3A_714 {strides = array<i32>} : memref<128x128xf32, #tpu.memory_space<vmem>>, vector<16xf32>,
      %mul3A_743 = arith.constant 16 : i32
      %mul3A_744 = arith.muli %add3A_23, %mul3A_743 : i32
      %add3A_745 = arith.constant 10 : i32
      %add3A_746 = arith.addi %mul3A_744, %add3A_745 : i32
      %swap3A_747 = arith.index_cast %add3A_746 : i32 to index
      %swap3A_748 = arith.constant 64 : index
      %swap3A_749 = tpu.vector_load %arg9[%swap3A_747, %swap3A_748] {strides = array<i32>} : memref<128x128xf32, #tpu.memory_space<vmem>>, vector<16xf32>,
      tpu.vector_store %arg9[%swap3A_747, %swap3A_748], %broadcast_in_dim3A_714 {strides = array<i32>} : memref<128x128xf32, #tpu.memory_space<vmem>>, vector<16xf32>,
      %mul3A_750 = arith.constant 16 : i32
      %mul3A_751 = arith.muli %add3A_23, %mul3A_750 : i32
      %add3A_752 = arith.constant 10 : i32
      %add3A_753 = arith.addi %mul3A_751, %add3A_752 : i32
      %swap3A_754 = arith.index_cast %add3A_753 : i32 to index
      %swap3A_755 = arith.constant 80 : index
      %swap3A_756 = tpu.vector_load %arg9[%swap3A_754, %swap3A_755] {strides = array<i32>} : memref<128x128xf32, #tpu.memory_space<vmem>>, vector<16xf32>,
      tpu.vector_store %arg9[%swap3A_754, %swap3A_755], %broadcast_in_dim3A_714 {strides = array<i32>} : memref<128x128xf32, #tpu.memory_space<vmem>>, vector<16xf32>,
      %mul3A_757 = arith.constant 16 : i32
      %mul3A_758 = arith.muli %add3A_23, %mul3A_757 : i32
      %add3A_759 = arith.constant 10 : i32
      %add3A_760 = arith.addi %mul3A_758, %add3A_759 : i32
      %swap3A_761 = arith.index_cast %add3A_760 : i32 to index
      %swap3A_762 = arith.constant 96 : index
      %swap3A_763 = tpu.vector_load %arg9[%swap3A_761, %swap3A_762] {strides = array<i32>} : memref<128x128xf32, #tpu.memory_space<vmem>>, vector<16xf32>,
      tpu.vector_store %arg9[%swap3A_761, %swap3A_762], %broadcast_in_dim3A_714 {strides = array<i32>} : memref<128x128xf32, #tpu.memory_space<vmem>>, vector<16xf32>,
      %mul3A_764 = arith.constant 16 : i32
      %mul3A_765 = arith.muli %add3A_23, %mul3A_764 : i32
      %add3A_766 = arith.constant 10 : i32
      %add3A_767 = arith.addi %mul3A_765, %add3A_766 : i32
      %swap3A_768 = arith.index_cast %add3A_767 : i32 to index
      %swap3A_769 = arith.constant 112 : index
      %swap3A_770 = tpu.vector_load %arg9[%swap3A_768, %swap3A_769] {strides = array<i32>} : memref<128x128xf32, #tpu.memory_space<vmem>>, vector<16xf32>,
      tpu.vector_store %arg9[%swap3A_768, %swap3A_769], %broadcast_in_dim3A_714 {strides = array<i32>} : memref<128x128xf32, #tpu.memory_space<vmem>>, vector<16xf32>,
      %eq3A_771 = arith.constant 11 : i32
      %eq3A_772 = vector.broadcast %eq3A_771 : i32 to vector<16xi32>
      %eq3A_773 = arith.cmpi eq, %iota3A, %eq3A_772 : vector<16xi32>
      %jit3A_774 = arith.constant 0.000000e+00 : f32
      %broadcast_in_dim3A_775 = vector.broadcast %jit3A_774 : f32 to vector<16xf32>
      %select_n3A_776 = arith.select %eq3A_773, %get3A_35, %broadcast_in_dim3A_775 : vector<16xi1>, vector<16xf32>
      %reduce_sum3A_777 = arith.constant true
      %reduce_sum3A_778 = vector.broadcast %reduce_sum3A_777 : i1 to vector<16xi1>
      %reduce_sum3A_779 = tpu.scan <sum>, %select_n3A_776 masked %reduce_sum3A_778 : vector<16xf32>, vector<16xi1> -> vector<16xf32>
      %reduce_sum3A_780 = vector.extract %reduce_sum3A_779[15] : f32 from vector<16xf32>
      %broadcast_in_dim3A_781 = vector.broadcast %reduce_sum3A_780 : f32 to vector<16xf32>
      %mul3A_782 = arith.constant 16 : i32
      %mul3A_783 = arith.muli %add3A_23, %mul3A_782 : i32
      %add3A_784 = arith.constant 11 : i32
      %add3A_785 = arith.addi %mul3A_783, %add3A_784 : i32
      %swap3A_786 = arith.index_cast %add3A_785 : i32 to index
      %swap3A_787 = arith.constant 0 : index
      %swap3A_788 = tpu.vector_load %arg9[%swap3A_786, %swap3A_787] {strides = array<i32>} : memref<128x128xf32, #tpu.memory_space<vmem>>, vector<16xf32>,
      tpu.vector_store %arg9[%swap3A_786, %swap3A_787], %broadcast_in_dim3A_781 {strides = array<i32>} : memref<128x128xf32, #tpu.memory_space<vmem>>, vector<16xf32>,
      %mul3A_789 = arith.constant 16 : i32
      %mul3A_790 = arith.muli %add3A_23, %mul3A_789 : i32
      %add3A_791 = arith.constant 11 : i32
      %add3A_792 = arith.addi %mul3A_790, %add3A_791 : i32
      %swap3A_793 = arith.index_cast %add3A_792 : i32 to index
      %swap3A_794 = arith.constant 16 : index
      %swap3A_795 = tpu.vector_load %arg9[%swap3A_793, %swap3A_794] {strides = array<i32>} : memref<128x128xf32, #tpu.memory_space<vmem>>, vector<16xf32>,
      tpu.vector_store %arg9[%swap3A_793, %swap3A_794], %broadcast_in_dim3A_781 {strides = array<i32>} : memref<128x128xf32, #tpu.memory_space<vmem>>, vector<16xf32>,
      %mul3A_796 = arith.constant 16 : i32
      %mul3A_797 = arith.muli %add3A_23, %mul3A_796 : i32
      %add3A_798 = arith.constant 11 : i32
      %add3A_799 = arith.addi %mul3A_797, %add3A_798 : i32
      %swap3A_800 = arith.index_cast %add3A_799 : i32 to index
      %swap3A_801 = arith.constant 32 : index
      %swap3A_802 = tpu.vector_load %arg9[%swap3A_800, %swap3A_801] {strides = array<i32>} : memref<128x128xf32, #tpu.memory_space<vmem>>, vector<16xf32>,
      tpu.vector_store %arg9[%swap3A_800, %swap3A_801], %broadcast_in_dim3A_781 {strides = array<i32>} : memref<128x128xf32, #tpu.memory_space<vmem>>, vector<16xf32>,
      %mul3A_803 = arith.constant 16 : i32
      %mul3A_804 = arith.muli %add3A_23, %mul3A_803 : i32
      %add3A_805 = arith.constant 11 : i32
      %add3A_806 = arith.addi %mul3A_804, %add3A_805 : i32
      %swap3A_807 = arith.index_cast %add3A_806 : i32 to index
      %swap3A_808 = arith.constant 48 : index
      %swap3A_809 = tpu.vector_load %arg9[%swap3A_807, %swap3A_808] {strides = array<i32>} : memref<128x128xf32, #tpu.memory_space<vmem>>, vector<16xf32>,
      tpu.vector_store %arg9[%swap3A_807, %swap3A_808], %broadcast_in_dim3A_781 {strides = array<i32>} : memref<128x128xf32, #tpu.memory_space<vmem>>, vector<16xf32>,
      %mul3A_810 = arith.constant 16 : i32
      %mul3A_811 = arith.muli %add3A_23, %mul3A_810 : i32
      %add3A_812 = arith.constant 11 : i32
      %add3A_813 = arith.addi %mul3A_811, %add3A_812 : i32
      %swap3A_814 = arith.index_cast %add3A_813 : i32 to index
      %swap3A_815 = arith.constant 64 : index
      %swap3A_816 = tpu.vector_load %arg9[%swap3A_814, %swap3A_815] {strides = array<i32>} : memref<128x128xf32, #tpu.memory_space<vmem>>, vector<16xf32>,
      tpu.vector_store %arg9[%swap3A_814, %swap3A_815], %broadcast_in_dim3A_781 {strides = array<i32>} : memref<128x128xf32, #tpu.memory_space<vmem>>, vector<16xf32>,
      %mul3A_817 = arith.constant 16 : i32
      %mul3A_818 = arith.muli %add3A_23, %mul3A_817 : i32
      %add3A_819 = arith.constant 11 : i32
      %add3A_820 = arith.addi %mul3A_818, %add3A_819 : i32
      %swap3A_821 = arith.index_cast %add3A_820 : i32 to index
      %swap3A_822 = arith.constant 80 : index
      %swap3A_823 = tpu.vector_load %arg9[%swap3A_821, %swap3A_822] {strides = array<i32>} : memref<128x128xf32, #tpu.memory_space<vmem>>, vector<16xf32>,
      tpu.vector_store %arg9[%swap3A_821, %swap3A_822], %broadcast_in_dim3A_781 {strides = array<i32>} : memref<128x128xf32, #tpu.memory_space<vmem>>, vector<16xf32>,
      %mul3A_824 = arith.constant 16 : i32
      %mul3A_825 = arith.muli %add3A_23, %mul3A_824 : i32
      %add3A_826 = arith.constant 11 : i32
      %add3A_827 = arith.addi %mul3A_825, %add3A_826 : i32
      %swap3A_828 = arith.index_cast %add3A_827 : i32 to index
      %swap3A_829 = arith.constant 96 : index
      %swap3A_830 = tpu.vector_load %arg9[%swap3A_828, %swap3A_829] {strides = array<i32>} : memref<128x128xf32, #tpu.memory_space<vmem>>, vector<16xf32>,
      tpu.vector_store %arg9[%swap3A_828, %swap3A_829], %broadcast_in_dim3A_781 {strides = array<i32>} : memref<128x128xf32, #tpu.memory_space<vmem>>, vector<16xf32>,
      %mul3A_831 = arith.constant 16 : i32
      %mul3A_832 = arith.muli %add3A_23, %mul3A_831 : i32
      %add3A_833 = arith.constant 11 : i32
      %add3A_834 = arith.addi %mul3A_832, %add3A_833 : i32
      %swap3A_835 = arith.index_cast %add3A_834 : i32 to index
      %swap3A_836 = arith.constant 112 : index
      %swap3A_837 = tpu.vector_load %arg9[%swap3A_835, %swap3A_836] {strides = array<i32>} : memref<128x128xf32, #tpu.memory_space<vmem>>, vector<16xf32>,
      tpu.vector_store %arg9[%swap3A_835, %swap3A_836], %broadcast_in_dim3A_781 {strides = array<i32>} : memref<128x128xf32, #tpu.memory_space<vmem>>, vector<16xf32>,
      %eq3A_838 = arith.constant 12 : i32
      %eq3A_839 = vector.broadcast %eq3A_838 : i32 to vector<16xi32>
      %eq3A_840 = arith.cmpi eq, %iota3A, %eq3A_839 : vector<16xi32>
      %jit3A_841 = arith.constant 0.000000e+00 : f32
      %broadcast_in_dim3A_842 = vector.broadcast %jit3A_841 : f32 to vector<16xf32>
      %select_n3A_843 = arith.select %eq3A_840, %get3A_35, %broadcast_in_dim3A_842 : vector<16xi1>, vector<16xf32>
      %reduce_sum3A_844 = arith.constant true
      %reduce_sum3A_845 = vector.broadcast %reduce_sum3A_844 : i1 to vector<16xi1>
      %reduce_sum3A_846 = tpu.scan <sum>, %select_n3A_843 masked %reduce_sum3A_845 : vector<16xf32>, vector<16xi1> -> vector<16xf32>
      %reduce_sum3A_847 = vector.extract %reduce_sum3A_846[15] : f32 from vector<16xf32>
      %broadcast_in_dim3A_848 = vector.broadcast %reduce_sum3A_847 : f32 to vector<16xf32>
      %mul3A_849 = arith.constant 16 : i32
      %mul3A_850 = arith.muli %add3A_23, %mul3A_849 : i32
      %add3A_851 = arith.constant 12 : i32
      %add3A_852 = arith.addi %mul3A_850, %add3A_851 : i32
      %swap3A_853 = arith.index_cast %add3A_852 : i32 to index
      %swap3A_854 = arith.constant 0 : index
      %swap3A_855 = tpu.vector_load %arg9[%swap3A_853, %swap3A_854] {strides = array<i32>} : memref<128x128xf32, #tpu.memory_space<vmem>>, vector<16xf32>,
      tpu.vector_store %arg9[%swap3A_853, %swap3A_854], %broadcast_in_dim3A_848 {strides = array<i32>} : memref<128x128xf32, #tpu.memory_space<vmem>>, vector<16xf32>,
      %mul3A_856 = arith.constant 16 : i32
      %mul3A_857 = arith.muli %add3A_23, %mul3A_856 : i32
      %add3A_858 = arith.constant 12 : i32
      %add3A_859 = arith.addi %mul3A_857, %add3A_858 : i32
      %swap3A_860 = arith.index_cast %add3A_859 : i32 to index
      %swap3A_861 = arith.constant 16 : index
      %swap3A_862 = tpu.vector_load %arg9[%swap3A_860, %swap3A_861] {strides = array<i32>} : memref<128x128xf32, #tpu.memory_space<vmem>>, vector<16xf32>,
      tpu.vector_store %arg9[%swap3A_860, %swap3A_861], %broadcast_in_dim3A_848 {strides = array<i32>} : memref<128x128xf32, #tpu.memory_space<vmem>>, vector<16xf32>,
      %mul3A_863 = arith.constant 16 : i32
      %mul3A_864 = arith.muli %add3A_23, %mul3A_863 : i32
      %add3A_865 = arith.constant 12 : i32
      %add3A_866 = arith.addi %mul3A_864, %add3A_865 : i32
      %swap3A_867 = arith.index_cast %add3A_866 : i32 to index
      %swap3A_868 = arith.constant 32 : index
      %swap3A_869 = tpu.vector_load %arg9[%swap3A_867, %swap3A_868] {strides = array<i32>} : memref<128x128xf32, #tpu.memory_space<vmem>>, vector<16xf32>,
      tpu.vector_store %arg9[%swap3A_867, %swap3A_868], %broadcast_in_dim3A_848 {strides = array<i32>} : memref<128x128xf32, #tpu.memory_space<vmem>>, vector<16xf32>,
      %mul3A_870 = arith.constant 16 : i32
      %mul3A_871 = arith.muli %add3A_23, %mul3A_870 : i32
      %add3A_872 = arith.constant 12 : i32
      %add3A_873 = arith.addi %mul3A_871, %add3A_872 : i32
      %swap3A_874 = arith.index_cast %add3A_873 : i32 to index
      %swap3A_875 = arith.constant 48 : index
      %swap3A_876 = tpu.vector_load %arg9[%swap3A_874, %swap3A_875] {strides = array<i32>} : memref<128x128xf32, #tpu.memory_space<vmem>>, vector<16xf32>,
      tpu.vector_store %arg9[%swap3A_874, %swap3A_875], %broadcast_in_dim3A_848 {strides = array<i32>} : memref<128x128xf32, #tpu.memory_space<vmem>>, vector<16xf32>,
      %mul3A_877 = arith.constant 16 : i32
      %mul3A_878 = arith.muli %add3A_23, %mul3A_877 : i32
      %add3A_879 = arith.constant 12 : i32
      %add3A_880 = arith.addi %mul3A_878, %add3A_879 : i32
      %swap3A_881 = arith.index_cast %add3A_880 : i32 to index
      %swap3A_882 = arith.constant 64 : index
      %swap3A_883 = tpu.vector_load %arg9[%swap3A_881, %swap3A_882] {strides = array<i32>} : memref<128x128xf32, #tpu.memory_space<vmem>>, vector<16xf32>,
      tpu.vector_store %arg9[%swap3A_881, %swap3A_882], %broadcast_in_dim3A_848 {strides = array<i32>} : memref<128x128xf32, #tpu.memory_space<vmem>>, vector<16xf32>,
      %mul3A_884 = arith.constant 16 : i32
      %mul3A_885 = arith.muli %add3A_23, %mul3A_884 : i32
      %add3A_886 = arith.constant 12 : i32
      %add3A_887 = arith.addi %mul3A_885, %add3A_886 : i32
      %swap3A_888 = arith.index_cast %add3A_887 : i32 to index
      %swap3A_889 = arith.constant 80 : index
      %swap3A_890 = tpu.vector_load %arg9[%swap3A_888, %swap3A_889] {strides = array<i32>} : memref<128x128xf32, #tpu.memory_space<vmem>>, vector<16xf32>,
      tpu.vector_store %arg9[%swap3A_888, %swap3A_889], %broadcast_in_dim3A_848 {strides = array<i32>} : memref<128x128xf32, #tpu.memory_space<vmem>>, vector<16xf32>,
      %mul3A_891 = arith.constant 16 : i32
      %mul3A_892 = arith.muli %add3A_23, %mul3A_891 : i32
      %add3A_893 = arith.constant 12 : i32
      %add3A_894 = arith.addi %mul3A_892, %add3A_893 : i32
      %swap3A_895 = arith.index_cast %add3A_894 : i32 to index
      %swap3A_896 = arith.constant 96 : index
      %swap3A_897 = tpu.vector_load %arg9[%swap3A_895, %swap3A_896] {strides = array<i32>} : memref<128x128xf32, #tpu.memory_space<vmem>>, vector<16xf32>,
      tpu.vector_store %arg9[%swap3A_895, %swap3A_896], %broadcast_in_dim3A_848 {strides = array<i32>} : memref<128x128xf32, #tpu.memory_space<vmem>>, vector<16xf32>,
      %mul3A_898 = arith.constant 16 : i32
      %mul3A_899 = arith.muli %add3A_23, %mul3A_898 : i32
      %add3A_900 = arith.constant 12 : i32
      %add3A_901 = arith.addi %mul3A_899, %add3A_900 : i32
      %swap3A_902 = arith.index_cast %add3A_901 : i32 to index
      %swap3A_903 = arith.constant 112 : index
      %swap3A_904 = tpu.vector_load %arg9[%swap3A_902, %swap3A_903] {strides = array<i32>} : memref<128x128xf32, #tpu.memory_space<vmem>>, vector<16xf32>,
      tpu.vector_store %arg9[%swap3A_902, %swap3A_903], %broadcast_in_dim3A_848 {strides = array<i32>} : memref<128x128xf32, #tpu.memory_space<vmem>>, vector<16xf32>,
      %eq3A_905 = arith.constant 13 : i32
      %eq3A_906 = vector.broadcast %eq3A_905 : i32 to vector<16xi32>
      %eq3A_907 = arith.cmpi eq, %iota3A, %eq3A_906 : vector<16xi32>
      %jit3A_908 = arith.constant 0.000000e+00 : f32
      %broadcast_in_dim3A_909 = vector.broadcast %jit3A_908 : f32 to vector<16xf32>
      %select_n3A_910 = arith.select %eq3A_907, %get3A_35, %broadcast_in_dim3A_909 : vector<16xi1>, vector<16xf32>
      %reduce_sum3A_911 = arith.constant true
      %reduce_sum3A_912 = vector.broadcast %reduce_sum3A_911 : i1 to vector<16xi1>
      %reduce_sum3A_913 = tpu.scan <sum>, %select_n3A_910 masked %reduce_sum3A_912 : vector<16xf32>, vector<16xi1> -> vector<16xf32>
      %reduce_sum3A_914 = vector.extract %reduce_sum3A_913[15] : f32 from vector<16xf32>
      %broadcast_in_dim3A_915 = vector.broadcast %reduce_sum3A_914 : f32 to vector<16xf32>
      %mul3A_916 = arith.constant 16 : i32
      %mul3A_917 = arith.muli %add3A_23, %mul3A_916 : i32
      %add3A_918 = arith.constant 13 : i32
      %add3A_919 = arith.addi %mul3A_917, %add3A_918 : i32
      %swap3A_920 = arith.index_cast %add3A_919 : i32 to index
      %swap3A_921 = arith.constant 0 : index
      %swap3A_922 = tpu.vector_load %arg9[%swap3A_920, %swap3A_921] {strides = array<i32>} : memref<128x128xf32, #tpu.memory_space<vmem>>, vector<16xf32>,
      tpu.vector_store %arg9[%swap3A_920, %swap3A_921], %broadcast_in_dim3A_915 {strides = array<i32>} : memref<128x128xf32, #tpu.memory_space<vmem>>, vector<16xf32>,
      %mul3A_923 = arith.constant 16 : i32
      %mul3A_924 = arith.muli %add3A_23, %mul3A_923 : i32
      %add3A_925 = arith.constant 13 : i32
      %add3A_926 = arith.addi %mul3A_924, %add3A_925 : i32
      %swap3A_927 = arith.index_cast %add3A_926 : i32 to index
      %swap3A_928 = arith.constant 16 : index
      %swap3A_929 = tpu.vector_load %arg9[%swap3A_927, %swap3A_928] {strides = array<i32>} : memref<128x128xf32, #tpu.memory_space<vmem>>, vector<16xf32>,
      tpu.vector_store %arg9[%swap3A_927, %swap3A_928], %broadcast_in_dim3A_915 {strides = array<i32>} : memref<128x128xf32, #tpu.memory_space<vmem>>, vector<16xf32>,
      %mul3A_930 = arith.constant 16 : i32
      %mul3A_931 = arith.muli %add3A_23, %mul3A_930 : i32
      %add3A_932 = arith.constant 13 : i32
      %add3A_933 = arith.addi %mul3A_931, %add3A_932 : i32
      %swap3A_934 = arith.index_cast %add3A_933 : i32 to index
      %swap3A_935 = arith.constant 32 : index
      %swap3A_936 = tpu.vector_load %arg9[%swap3A_934, %swap3A_935] {strides = array<i32>} : memref<128x128xf32, #tpu.memory_space<vmem>>, vector<16xf32>,
      tpu.vector_store %arg9[%swap3A_934, %swap3A_935], %broadcast_in_dim3A_915 {strides = array<i32>} : memref<128x128xf32, #tpu.memory_space<vmem>>, vector<16xf32>,
      %mul3A_937 = arith.constant 16 : i32
      %mul3A_938 = arith.muli %add3A_23, %mul3A_937 : i32
      %add3A_939 = arith.constant 13 : i32
      %add3A_940 = arith.addi %mul3A_938, %add3A_939 : i32
      %swap3A_941 = arith.index_cast %add3A_940 : i32 to index
      %swap3A_942 = arith.constant 48 : index
      %swap3A_943 = tpu.vector_load %arg9[%swap3A_941, %swap3A_942] {strides = array<i32>} : memref<128x128xf32, #tpu.memory_space<vmem>>, vector<16xf32>,
      tpu.vector_store %arg9[%swap3A_941, %swap3A_942], %broadcast_in_dim3A_915 {strides = array<i32>} : memref<128x128xf32, #tpu.memory_space<vmem>>, vector<16xf32>,
      %mul3A_944 = arith.constant 16 : i32
      %mul3A_945 = arith.muli %add3A_23, %mul3A_944 : i32
      %add3A_946 = arith.constant 13 : i32
      %add3A_947 = arith.addi %mul3A_945, %add3A_946 : i32
      %swap3A_948 = arith.index_cast %add3A_947 : i32 to index
      %swap3A_949 = arith.constant 64 : index
      %swap3A_950 = tpu.vector_load %arg9[%swap3A_948, %swap3A_949] {strides = array<i32>} : memref<128x128xf32, #tpu.memory_space<vmem>>, vector<16xf32>,
      tpu.vector_store %arg9[%swap3A_948, %swap3A_949], %broadcast_in_dim3A_915 {strides = array<i32>} : memref<128x128xf32, #tpu.memory_space<vmem>>, vector<16xf32>,
      %mul3A_951 = arith.constant 16 : i32
      %mul3A_952 = arith.muli %add3A_23, %mul3A_951 : i32
      %add3A_953 = arith.constant 13 : i32
      %add3A_954 = arith.addi %mul3A_952, %add3A_953 : i32
      %swap3A_955 = arith.index_cast %add3A_954 : i32 to index
      %swap3A_956 = arith.constant 80 : index
      %swap3A_957 = tpu.vector_load %arg9[%swap3A_955, %swap3A_956] {strides = array<i32>} : memref<128x128xf32, #tpu.memory_space<vmem>>, vector<16xf32>,
      tpu.vector_store %arg9[%swap3A_955, %swap3A_956], %broadcast_in_dim3A_915 {strides = array<i32>} : memref<128x128xf32, #tpu.memory_space<vmem>>, vector<16xf32>,
      %mul3A_958 = arith.constant 16 : i32
      %mul3A_959 = arith.muli %add3A_23, %mul3A_958 : i32
      %add3A_960 = arith.constant 13 : i32
      %add3A_961 = arith.addi %mul3A_959, %add3A_960 : i32
      %swap3A_962 = arith.index_cast %add3A_961 : i32 to index
      %swap3A_963 = arith.constant 96 : index
      %swap3A_964 = tpu.vector_load %arg9[%swap3A_962, %swap3A_963] {strides = array<i32>} : memref<128x128xf32, #tpu.memory_space<vmem>>, vector<16xf32>,
      tpu.vector_store %arg9[%swap3A_962, %swap3A_963], %broadcast_in_dim3A_915 {strides = array<i32>} : memref<128x128xf32, #tpu.memory_space<vmem>>, vector<16xf32>,
      %mul3A_965 = arith.constant 16 : i32
      %mul3A_966 = arith.muli %add3A_23, %mul3A_965 : i32
      %add3A_967 = arith.constant 13 : i32
      %add3A_968 = arith.addi %mul3A_966, %add3A_967 : i32
      %swap3A_969 = arith.index_cast %add3A_968 : i32 to index
      %swap3A_970 = arith.constant 112 : index
      %swap3A_971 = tpu.vector_load %arg9[%swap3A_969, %swap3A_970] {strides = array<i32>} : memref<128x128xf32, #tpu.memory_space<vmem>>, vector<16xf32>,
      tpu.vector_store %arg9[%swap3A_969, %swap3A_970], %broadcast_in_dim3A_915 {strides = array<i32>} : memref<128x128xf32, #tpu.memory_space<vmem>>, vector<16xf32>,
      %eq3A_972 = arith.constant 14 : i32
      %eq3A_973 = vector.broadcast %eq3A_972 : i32 to vector<16xi32>
      %eq3A_974 = arith.cmpi eq, %iota3A, %eq3A_973 : vector<16xi32>
      %jit3A_975 = arith.constant 0.000000e+00 : f32
      %broadcast_in_dim3A_976 = vector.broadcast %jit3A_975 : f32 to vector<16xf32>
      %select_n3A_977 = arith.select %eq3A_974, %get3A_35, %broadcast_in_dim3A_976 : vector<16xi1>, vector<16xf32>
      %reduce_sum3A_978 = arith.constant true
      %reduce_sum3A_979 = vector.broadcast %reduce_sum3A_978 : i1 to vector<16xi1>
      %reduce_sum3A_980 = tpu.scan <sum>, %select_n3A_977 masked %reduce_sum3A_979 : vector<16xf32>, vector<16xi1> -> vector<16xf32>
      %reduce_sum3A_981 = vector.extract %reduce_sum3A_980[15] : f32 from vector<16xf32>
      %broadcast_in_dim3A_982 = vector.broadcast %reduce_sum3A_981 : f32 to vector<16xf32>
      %mul3A_983 = arith.constant 16 : i32
      %mul3A_984 = arith.muli %add3A_23, %mul3A_983 : i32
      %add3A_985 = arith.constant 14 : i32
      %add3A_986 = arith.addi %mul3A_984, %add3A_985 : i32
      %swap3A_987 = arith.index_cast %add3A_986 : i32 to index
      %swap3A_988 = arith.constant 0 : index
      %swap3A_989 = tpu.vector_load %arg9[%swap3A_987, %swap3A_988] {strides = array<i32>} : memref<128x128xf32, #tpu.memory_space<vmem>>, vector<16xf32>,
      tpu.vector_store %arg9[%swap3A_987, %swap3A_988], %broadcast_in_dim3A_982 {strides = array<i32>} : memref<128x128xf32, #tpu.memory_space<vmem>>, vector<16xf32>,
      %mul3A_990 = arith.constant 16 : i32
      %mul3A_991 = arith.muli %add3A_23, %mul3A_990 : i32
      %add3A_992 = arith.constant 14 : i32
      %add3A_993 = arith.addi %mul3A_991, %add3A_992 : i32
      %swap3A_994 = arith.index_cast %add3A_993 : i32 to index
      %swap3A_995 = arith.constant 16 : index
      %swap3A_996 = tpu.vector_load %arg9[%swap3A_994, %swap3A_995] {strides = array<i32>} : memref<128x128xf32, #tpu.memory_space<vmem>>, vector<16xf32>,
      tpu.vector_store %arg9[%swap3A_994, %swap3A_995], %broadcast_in_dim3A_982 {strides = array<i32>} : memref<128x128xf32, #tpu.memory_space<vmem>>, vector<16xf32>,
      %mul3A_997 = arith.constant 16 : i32
      %mul3A_998 = arith.muli %add3A_23, %mul3A_997 : i32
      %add3A_999 = arith.constant 14 : i32
      %add3A_1000 = arith.addi %mul3A_998, %add3A_999 : i32
      %swap3A_1001 = arith.index_cast %add3A_1000 : i32 to index
      %swap3A_1002 = arith.constant 32 : index
      %swap3A_1003 = tpu.vector_load %arg9[%swap3A_1001, %swap3A_1002] {strides = array<i32>} : memref<128x128xf32, #tpu.memory_space<vmem>>, vector<16xf32>,
      tpu.vector_store %arg9[%swap3A_1001, %swap3A_1002], %broadcast_in_dim3A_982 {strides = array<i32>} : memref<128x128xf32, #tpu.memory_space<vmem>>, vector<16xf32>,
      %mul3A_1004 = arith.constant 16 : i32
      %mul3A_1005 = arith.muli %add3A_23, %mul3A_1004 : i32
      %add3A_1006 = arith.constant 14 : i32
      %add3A_1007 = arith.addi %mul3A_1005, %add3A_1006 : i32
      %swap3A_1008 = arith.index_cast %add3A_1007 : i32 to index
      %swap3A_1009 = arith.constant 48 : index
      %swap3A_1010 = tpu.vector_load %arg9[%swap3A_1008, %swap3A_1009] {strides = array<i32>} : memref<128x128xf32, #tpu.memory_space<vmem>>, vector<16xf32>,
      tpu.vector_store %arg9[%swap3A_1008, %swap3A_1009], %broadcast_in_dim3A_982 {strides = array<i32>} : memref<128x128xf32, #tpu.memory_space<vmem>>, vector<16xf32>,
      %mul3A_1011 = arith.constant 16 : i32
      %mul3A_1012 = arith.muli %add3A_23, %mul3A_1011 : i32
      %add3A_1013 = arith.constant 14 : i32
      %add3A_1014 = arith.addi %mul3A_1012, %add3A_1013 : i32
      %swap3A_1015 = arith.index_cast %add3A_1014 : i32 to index
      %swap3A_1016 = arith.constant 64 : index
      %swap3A_1017 = tpu.vector_load %arg9[%swap3A_1015, %swap3A_1016] {strides = array<i32>} : memref<128x128xf32, #tpu.memory_space<vmem>>, vector<16xf32>,
      tpu.vector_store %arg9[%swap3A_1015, %swap3A_1016], %broadcast_in_dim3A_982 {strides = array<i32>} : memref<128x128xf32, #tpu.memory_space<vmem>>, vector<16xf32>,
      %mul3A_1018 = arith.constant 16 : i32
      %mul3A_1019 = arith.muli %add3A_23, %mul3A_1018 : i32
      %add3A_1020 = arith.constant 14 : i32
      %add3A_1021 = arith.addi %mul3A_1019, %add3A_1020 : i32
      %swap3A_1022 = arith.index_cast %add3A_1021 : i32 to index
      %swap3A_1023 = arith.constant 80 : index
      %swap3A_1024 = tpu.vector_load %arg9[%swap3A_1022, %swap3A_1023] {strides = array<i32>} : memref<128x128xf32, #tpu.memory_space<vmem>>, vector<16xf32>,
      tpu.vector_store %arg9[%swap3A_1022, %swap3A_1023], %broadcast_in_dim3A_982 {strides = array<i32>} : memref<128x128xf32, #tpu.memory_space<vmem>>, vector<16xf32>,
      %mul3A_1025 = arith.constant 16 : i32
      %mul3A_1026 = arith.muli %add3A_23, %mul3A_1025 : i32
      %add3A_1027 = arith.constant 14 : i32
      %add3A_1028 = arith.addi %mul3A_1026, %add3A_1027 : i32
      %swap3A_1029 = arith.index_cast %add3A_1028 : i32 to index
      %swap3A_1030 = arith.constant 96 : index
      %swap3A_1031 = tpu.vector_load %arg9[%swap3A_1029, %swap3A_1030] {strides = array<i32>} : memref<128x128xf32, #tpu.memory_space<vmem>>, vector<16xf32>,
      tpu.vector_store %arg9[%swap3A_1029, %swap3A_1030], %broadcast_in_dim3A_982 {strides = array<i32>} : memref<128x128xf32, #tpu.memory_space<vmem>>, vector<16xf32>,
      %mul3A_1032 = arith.constant 16 : i32
      %mul3A_1033 = arith.muli %add3A_23, %mul3A_1032 : i32
      %add3A_1034 = arith.constant 14 : i32
      %add3A_1035 = arith.addi %mul3A_1033, %add3A_1034 : i32
      %swap3A_1036 = arith.index_cast %add3A_1035 : i32 to index
      %swap3A_1037 = arith.constant 112 : index
      %swap3A_1038 = tpu.vector_load %arg9[%swap3A_1036, %swap3A_1037] {strides = array<i32>} : memref<128x128xf32, #tpu.memory_space<vmem>>, vector<16xf32>,
      tpu.vector_store %arg9[%swap3A_1036, %swap3A_1037], %broadcast_in_dim3A_982 {strides = array<i32>} : memref<128x128xf32, #tpu.memory_space<vmem>>, vector<16xf32>,
      %eq3A_1039 = arith.constant 15 : i32
      %eq3A_1040 = vector.broadcast %eq3A_1039 : i32 to vector<16xi32>
      %eq3A_1041 = arith.cmpi eq, %iota3A, %eq3A_1040 : vector<16xi32>
      %jit3A_1042 = arith.constant 0.000000e+00 : f32
      %broadcast_in_dim3A_1043 = vector.broadcast %jit3A_1042 : f32 to vector<16xf32>
      %select_n3A_1044 = arith.select %eq3A_1041, %get3A_35, %broadcast_in_dim3A_1043 : vector<16xi1>, vector<16xf32>
      %reduce_sum3A_1045 = arith.constant true
      %reduce_sum3A_1046 = vector.broadcast %reduce_sum3A_1045 : i1 to vector<16xi1>
      %reduce_sum3A_1047 = tpu.scan <sum>, %select_n3A_1044 masked %reduce_sum3A_1046 : vector<16xf32>, vector<16xi1> -> vector<16xf32>
      %reduce_sum3A_1048 = vector.extract %reduce_sum3A_1047[15] : f32 from vector<16xf32>
      %broadcast_in_dim3A_1049 = vector.broadcast %reduce_sum3A_1048 : f32 to vector<16xf32>
      %mul3A_1050 = arith.constant 16 : i32
      %mul3A_1051 = arith.muli %add3A_23, %mul3A_1050 : i32
      %add3A_1052 = arith.constant 15 : i32
      %add3A_1053 = arith.addi %mul3A_1051, %add3A_1052 : i32
      %swap3A_1054 = arith.index_cast %add3A_1053 : i32 to index
      %swap3A_1055 = arith.constant 0 : index
      %swap3A_1056 = tpu.vector_load %arg9[%swap3A_1054, %swap3A_1055] {strides = array<i32>} : memref<128x128xf32, #tpu.memory_space<vmem>>, vector<16xf32>,
      tpu.vector_store %arg9[%swap3A_1054, %swap3A_1055], %broadcast_in_dim3A_1049 {strides = array<i32>} : memref<128x128xf32, #tpu.memory_space<vmem>>, vector<16xf32>,
      %mul3A_1057 = arith.constant 16 : i32
      %mul3A_1058 = arith.muli %add3A_23, %mul3A_1057 : i32
      %add3A_1059 = arith.constant 15 : i32
      %add3A_1060 = arith.addi %mul3A_1058, %add3A_1059 : i32
      %swap3A_1061 = arith.index_cast %add3A_1060 : i32 to index
      %swap3A_1062 = arith.constant 16 : index
      %swap3A_1063 = tpu.vector_load %arg9[%swap3A_1061, %swap3A_1062] {strides = array<i32>} : memref<128x128xf32, #tpu.memory_space<vmem>>, vector<16xf32>,
      tpu.vector_store %arg9[%swap3A_1061, %swap3A_1062], %broadcast_in_dim3A_1049 {strides = array<i32>} : memref<128x128xf32, #tpu.memory_space<vmem>>, vector<16xf32>,
      %mul3A_1064 = arith.constant 16 : i32
      %mul3A_1065 = arith.muli %add3A_23, %mul3A_1064 : i32
      %add3A_1066 = arith.constant 15 : i32
      %add3A_1067 = arith.addi %mul3A_1065, %add3A_1066 : i32
      %swap3A_1068 = arith.index_cast %add3A_1067 : i32 to index
      %swap3A_1069 = arith.constant 32 : index
      %swap3A_1070 = tpu.vector_load %arg9[%swap3A_1068, %swap3A_1069] {strides = array<i32>} : memref<128x128xf32, #tpu.memory_space<vmem>>, vector<16xf32>,
      tpu.vector_store %arg9[%swap3A_1068, %swap3A_1069], %broadcast_in_dim3A_1049 {strides = array<i32>} : memref<128x128xf32, #tpu.memory_space<vmem>>, vector<16xf32>,
      %mul3A_1071 = arith.constant 16 : i32
      %mul3A_1072 = arith.muli %add3A_23, %mul3A_1071 : i32
      %add3A_1073 = arith.constant 15 : i32
      %add3A_1074 = arith.addi %mul3A_1072, %add3A_1073 : i32
      %swap3A_1075 = arith.index_cast %add3A_1074 : i32 to index
      %swap3A_1076 = arith.constant 48 : index
      %swap3A_1077 = tpu.vector_load %arg9[%swap3A_1075, %swap3A_1076] {strides = array<i32>} : memref<128x128xf32, #tpu.memory_space<vmem>>, vector<16xf32>,
      tpu.vector_store %arg9[%swap3A_1075, %swap3A_1076], %broadcast_in_dim3A_1049 {strides = array<i32>} : memref<128x128xf32, #tpu.memory_space<vmem>>, vector<16xf32>,
      %mul3A_1078 = arith.constant 16 : i32
      %mul3A_1079 = arith.muli %add3A_23, %mul3A_1078 : i32
      %add3A_1080 = arith.constant 15 : i32
      %add3A_1081 = arith.addi %mul3A_1079, %add3A_1080 : i32
      %swap3A_1082 = arith.index_cast %add3A_1081 : i32 to index
      %swap3A_1083 = arith.constant 64 : index
      %swap3A_1084 = tpu.vector_load %arg9[%swap3A_1082, %swap3A_1083] {strides = array<i32>} : memref<128x128xf32, #tpu.memory_space<vmem>>, vector<16xf32>,
      tpu.vector_store %arg9[%swap3A_1082, %swap3A_1083], %broadcast_in_dim3A_1049 {strides = array<i32>} : memref<128x128xf32, #tpu.memory_space<vmem>>, vector<16xf32>,
      %mul3A_1085 = arith.constant 16 : i32
      %mul3A_1086 = arith.muli %add3A_23, %mul3A_1085 : i32
      %add3A_1087 = arith.constant 15 : i32
      %add3A_1088 = arith.addi %mul3A_1086, %add3A_1087 : i32
      %swap3A_1089 = arith.index_cast %add3A_1088 : i32 to index
      %swap3A_1090 = arith.constant 80 : index
      %swap3A_1091 = tpu.vector_load %arg9[%swap3A_1089, %swap3A_1090] {strides = array<i32>} : memref<128x128xf32, #tpu.memory_space<vmem>>, vector<16xf32>,
      tpu.vector_store %arg9[%swap3A_1089, %swap3A_1090], %broadcast_in_dim3A_1049 {strides = array<i32>} : memref<128x128xf32, #tpu.memory_space<vmem>>, vector<16xf32>,
      %mul3A_1092 = arith.constant 16 : i32
      %mul3A_1093 = arith.muli %add3A_23, %mul3A_1092 : i32
      %add3A_1094 = arith.constant 15 : i32
      %add3A_1095 = arith.addi %mul3A_1093, %add3A_1094 : i32
      %swap3A_1096 = arith.index_cast %add3A_1095 : i32 to index
      %swap3A_1097 = arith.constant 96 : index
      %swap3A_1098 = tpu.vector_load %arg9[%swap3A_1096, %swap3A_1097] {strides = array<i32>} : memref<128x128xf32, #tpu.memory_space<vmem>>, vector<16xf32>,
      tpu.vector_store %arg9[%swap3A_1096, %swap3A_1097], %broadcast_in_dim3A_1049 {strides = array<i32>} : memref<128x128xf32, #tpu.memory_space<vmem>>, vector<16xf32>,
      %mul3A_1099 = arith.constant 16 : i32
      %mul3A_1100 = arith.muli %add3A_23, %mul3A_1099 : i32
      %add3A_1101 = arith.constant 15 : i32
      %add3A_1102 = arith.addi %mul3A_1100, %add3A_1101 : i32
      %swap3A_1103 = arith.index_cast %add3A_1102 : i32 to index
      %swap3A_1104 = arith.constant 112 : index
      %swap3A_1105 = tpu.vector_load %arg9[%swap3A_1103, %swap3A_1104] {strides = array<i32>} : memref<128x128xf32, #tpu.memory_space<vmem>>, vector<16xf32>,
      tpu.vector_store %arg9[%swap3A_1103, %swap3A_1104], %broadcast_in_dim3A_1049 {strides = array<i32>} : memref<128x128xf32, #tpu.memory_space<vmem>>, vector<16xf32>,
    }
    %scan3A_9 = arith.constant 8 : i32
    %dma_wait3A = arith.constant 0 : i32
    %dma_wait3A_10 = tpu.memref_slice %arg2[%mul3A_2, %dma_wait3A] : memref<4096x384xi32, #tpu.memory_space<hbm>> -> memref<128x384xi32, #tpu.memory_space<hbm>>
    %dma_wait3A_11 = arith.constant 0 : i32
    %dma_wait3A_12 = tpu.memref_slice %arg2[%mul3A_2, %dma_wait3A_11] : memref<4096x384xi32, #tpu.memory_space<hbm>> -> memref<128x384xi32, #tpu.memory_space<hbm>>
    tpu.wait_dma2 semaphore(%arg11 : memref<!tpu.dma_semaphore, #tpu.memory_space<semaphore_mem>>) src(%dma_wait3A_12 : memref<128x384xi32, #tpu.memory_space<hbm>>) dst(%arg10 : memref<128x384xi32, #tpu.memory_space<vmem>>)
    %dma_start3A_13 = arith.constant 0 : i32
    %dma_start3A_14 = arith.constant 0 : i32
    %dma_start3A_15 = tpu.memref_slice %arg5[%dma_start3A_13, %dma_start3A_14] : memref<5128x384xi32, #tpu.memory_space<hbm>> -> memref<5128x384xi32, #tpu.memory_space<hbm>>
    tpu.enqueue_indirect_dma source(%arg10 : memref<128x384xi32, #tpu.memory_space<vmem>>) target(%dma_start3A_15 : memref<5128x384xi32, #tpu.memory_space<hbm>>) offsets(%arg7 : memref<128xi32, #tpu.memory_space<vmem>>) semaphore(%arg11 : memref<!tpu.dma_semaphore, #tpu.memory_space<semaphore_mem>>)
    "tpu.region"() ({
      %run_scoped3A = tpu.sem_alloc : memref<!tpu.dma_semaphore, #tpu.memory_space<semaphore_mem>>
      %dma_start3A_19 = arith.constant 0 : i32
      %dma_start3A_20 = arith.constant 0 : i32
      %dma_start3A_21 = tpu.memref_slice %arg6[%dma_start3A_19, %dma_start3A_20] : memref<5128x128xf32, #tpu.memory_space<hbm>> -> memref<5128x128xf32, #tpu.memory_space<hbm>>
      tpu.enqueue_indirect_dma source(%arg9 : memref<128x128xf32, #tpu.memory_space<vmem>>) target(%dma_start3A_21 : memref<5128x128xf32, #tpu.memory_space<hbm>>) offsets(%arg7 : memref<128xi32, #tpu.memory_space<vmem>>) semaphore(%run_scoped3A : memref<!tpu.dma_semaphore, #tpu.memory_space<semaphore_mem>>)
      %dma_wait3A_22 = arith.constant 0 : i32
      %dma_wait3A_23 = arith.constant 0 : i32
      %dma_wait3A_24 = tpu.memref_slice %arg6[%dma_wait3A_22, %dma_wait3A_23] : memref<5128x128xf32, #tpu.memory_space<hbm>> -> memref<5128x128xf32, #tpu.memory_space<hbm>>
      tpu.wait_indirect_dma semaphore(%run_scoped3A : memref<!tpu.dma_semaphore, #tpu.memory_space<semaphore_mem>>) src(%arg9 : memref<128x128xf32, #tpu.memory_space<vmem>>) dst(%dma_wait3A_24 : memref<5128x128xf32, #tpu.memory_space<hbm>>)
      tpu.yield
    }) : () -> ()
    %dma_wait3A_16 = arith.constant 0 : i32
    %dma_wait3A_17 = arith.constant 0 : i32
    %dma_wait3A_18 = tpu.memref_slice %arg5[%dma_wait3A_16, %dma_wait3A_17] : memref<5128x384xi32, #tpu.memory_space<hbm>> -> memref<5128x384xi32, #tpu.memory_space<hbm>>
    tpu.wait_indirect_dma semaphore(%arg11 : memref<!tpu.dma_semaphore, #tpu.memory_space<semaphore_mem>>) src(%arg10 : memref<128x384xi32, #tpu.memory_space<vmem>>) dst(%dma_wait3A_18 : memref<5128x384xi32, #tpu.memory_space<hbm>>)
    return
  }
}

#map = affine_map<(d0, d1) -> (0, 0)>
module attributes {stable_mosaic.version = 14 : i64} {
  func.func @_combine_body(%arg0: i32, %arg1: i32, %arg2: memref<5200x768xf32, #tpu.memory_space<hbm>>, %arg3: memref<32x128xi32, #tpu.memory_space<hbm>>, %arg4: memref<4096x768xf32, #tpu.memory_space<hbm>>, %arg5: memref<128xi32, #tpu.memory_space<vmem>>, %arg6: memref<128x768xf32, #tpu.memory_space<vmem>>, %arg7: memref<!tpu.dma_semaphore, #tpu.memory_space<semaphore_mem>>) attributes {dimension_semantics = [#tpu.dimension_semantics<core_parallel>, #tpu.dimension_semantics<subcore_parallel>], iteration_bounds = array<i64: 2, 16>, scalar_prefetch = 0 : i64, scratch_operands = 3 : i64, tpu.core_type = #tpu.core_type<sc_vector_subcore>, window_params = [{transform_indices = #map}, {transform_indices = #map}, {transform_indices = #map}]} {
    %mul3A = arith.constant 2 : i32
    %mul3A_0 = arith.muli %arg1, %mul3A : i32
    %add3A = arith.addi %mul3A_0, %arg0 : i32
    %mul3A_1 = arith.constant 128 : i32
    %mul3A_2 = arith.muli %add3A, %mul3A_1 : i32
    "tpu.region"() ({
      %run_scoped3A = tpu.sem_alloc : memref<!tpu.dma_semaphore, #tpu.memory_space<semaphore_mem>>
      %dma_start3A_11 = arith.constant 0 : i32
      %dma_start3A_12 = tpu.memref_slice %arg3[%add3A, %dma_start3A_11] : memref<32x128xi32, #tpu.memory_space<hbm>> -> memref<1x128xi32, #tpu.memory_space<hbm>>
      %dma_start3A_13 = tpu.memref_squeeze %dma_start3A_12 : memref<1x128xi32, #tpu.memory_space<hbm>> -> memref<128xi32, #tpu.memory_space<hbm>>
      %dma_start3A_14 = arith.constant 0 : i32
      %dma_start3A_15 = tpu.memref_slice %arg3[%add3A, %dma_start3A_14] : memref<32x128xi32, #tpu.memory_space<hbm>> -> memref<1x128xi32, #tpu.memory_space<hbm>>
      %dma_start3A_16 = tpu.memref_squeeze %dma_start3A_15 : memref<1x128xi32, #tpu.memory_space<hbm>> -> memref<128xi32, #tpu.memory_space<hbm>>
      tpu.enqueue_dma source(%dma_start3A_16 : memref<128xi32, #tpu.memory_space<hbm>>) target(%arg5 : memref<128xi32, #tpu.memory_space<vmem>>) target_semaphore(%run_scoped3A : memref<!tpu.dma_semaphore, #tpu.memory_space<semaphore_mem>>)
      %dma_wait3A_17 = arith.constant 0 : i32
      %dma_wait3A_18 = tpu.memref_slice %arg3[%add3A, %dma_wait3A_17] : memref<32x128xi32, #tpu.memory_space<hbm>> -> memref<1x128xi32, #tpu.memory_space<hbm>>
      %dma_wait3A_19 = tpu.memref_squeeze %dma_wait3A_18 : memref<1x128xi32, #tpu.memory_space<hbm>> -> memref<128xi32, #tpu.memory_space<hbm>>
      %dma_wait3A_20 = arith.constant 0 : i32
      %dma_wait3A_21 = tpu.memref_slice %arg3[%add3A, %dma_wait3A_20] : memref<32x128xi32, #tpu.memory_space<hbm>> -> memref<1x128xi32, #tpu.memory_space<hbm>>
      %dma_wait3A_22 = tpu.memref_squeeze %dma_wait3A_21 : memref<1x128xi32, #tpu.memory_space<hbm>> -> memref<128xi32, #tpu.memory_space<hbm>>
      tpu.wait_dma2 semaphore(%run_scoped3A : memref<!tpu.dma_semaphore, #tpu.memory_space<semaphore_mem>>) src(%dma_wait3A_22 : memref<128xi32, #tpu.memory_space<hbm>>) dst(%arg5 : memref<128xi32, #tpu.memory_space<vmem>>)
      tpu.yield
    }) : () -> ()
    %scan3A = arith.constant 0 : i32
    %scan3A_3 = arith.constant 8 : i32
    %scan3A_4 = arith.addi %scan3A, %scan3A_3 : i32
    %scan3A_5 = arith.constant 1 : i32
    scf.for %scan3A_11 = %scan3A to %scan3A_4 step %scan3A_5  : i32 {
      %mul3A_12 = arith.constant 1 : i32
      %mul3A_13 = arith.muli %scan3A_11, %mul3A_12 : i32
      %add3A_14 = arith.constant 0 : i32
      %add3A_15 = arith.addi %add3A_14, %mul3A_13 : i32
      %mul3A_16 = arith.constant 16 : i32
      %mul3A_17 = arith.muli %add3A_15, %mul3A_16 : i32
      %get3A = arith.index_cast %mul3A_17 : i32 to index
      %get3A_18 = tpu.vector_load %arg5[%get3A] {strides = array<i32>} : memref<128xi32, #tpu.memory_space<vmem>>, vector<16xi32>,
      %lt3A = arith.constant 0 : i32
      %lt3A_19 = vector.broadcast %lt3A : i32 to vector<16xi32>
      %lt3A_20 = arith.cmpi slt, %get3A_18, %lt3A_19 : vector<16xi32>
      %jit3A = arith.constant 5120 : i32
      %broadcast_in_dim3A = vector.broadcast %jit3A : i32 to vector<16xi32>
      %select_n3A = arith.select %lt3A_20, %broadcast_in_dim3A, %get3A_18 : vector<16xi1>, vector<16xi32>
      %mul3A_21 = arith.constant 16 : i32
      %mul3A_22 = arith.muli %add3A_15, %mul3A_21 : i32
      %swap3A = arith.index_cast %mul3A_22 : i32 to index
      %swap3A_23 = tpu.vector_load %arg5[%swap3A] {strides = array<i32>} : memref<128xi32, #tpu.memory_space<vmem>>, vector<16xi32>,
      tpu.vector_store %arg5[%swap3A], %select_n3A {strides = array<i32>} : memref<128xi32, #tpu.memory_space<vmem>>, vector<16xi32>,
    }
    %scan3A_6 = arith.constant 8 : i32
    %dma_start3A = arith.constant 0 : i32
    %dma_start3A_7 = arith.constant 0 : i32
    %dma_start3A_8 = tpu.memref_slice %arg2[%dma_start3A, %dma_start3A_7] : memref<5200x768xf32, #tpu.memory_space<hbm>> -> memref<5200x768xf32, #tpu.memory_space<hbm>>
    tpu.enqueue_indirect_dma source(%dma_start3A_8 : memref<5200x768xf32, #tpu.memory_space<hbm>>) target(%arg6 : memref<128x768xf32, #tpu.memory_space<vmem>>) offsets(%arg5 : memref<128xi32, #tpu.memory_space<vmem>>) semaphore(%arg7 : memref<!tpu.dma_semaphore, #tpu.memory_space<semaphore_mem>>)
    %dma_wait3A = arith.constant 0 : i32
    %dma_wait3A_9 = arith.constant 0 : i32
    %dma_wait3A_10 = tpu.memref_slice %arg2[%dma_wait3A, %dma_wait3A_9] : memref<5200x768xf32, #tpu.memory_space<hbm>> -> memref<5200x768xf32, #tpu.memory_space<hbm>>
    tpu.wait_indirect_dma semaphore(%arg7 : memref<!tpu.dma_semaphore, #tpu.memory_space<semaphore_mem>>) src(%dma_wait3A_10 : memref<5200x768xf32, #tpu.memory_space<hbm>>) dst(%arg6 : memref<128x768xf32, #tpu.memory_space<vmem>>)
    "tpu.region"() ({
      %run_scoped3A = tpu.sem_alloc : memref<!tpu.dma_semaphore, #tpu.memory_space<semaphore_mem>>
      %dma_start3A_11 = arith.constant 0 : i32
      %dma_start3A_12 = tpu.memref_slice %arg4[%mul3A_2, %dma_start3A_11] : memref<4096x768xf32, #tpu.memory_space<hbm>> -> memref<128x768xf32, #tpu.memory_space<hbm>>
      %dma_start3A_13 = arith.constant 0 : i32
      %dma_start3A_14 = tpu.memref_slice %arg4[%mul3A_2, %dma_start3A_13] : memref<4096x768xf32, #tpu.memory_space<hbm>> -> memref<128x768xf32, #tpu.memory_space<hbm>>
      tpu.enqueue_dma source(%arg6 : memref<128x768xf32, #tpu.memory_space<vmem>>) target(%dma_start3A_14 : memref<128x768xf32, #tpu.memory_space<hbm>>) target_semaphore(%run_scoped3A : memref<!tpu.dma_semaphore, #tpu.memory_space<semaphore_mem>>)
      %dma_wait3A_15 = arith.constant 0 : i32
      %dma_wait3A_16 = tpu.memref_slice %arg4[%mul3A_2, %dma_wait3A_15] : memref<4096x768xf32, #tpu.memory_space<hbm>> -> memref<128x768xf32, #tpu.memory_space<hbm>>
      %dma_wait3A_17 = arith.constant 0 : i32
      %dma_wait3A_18 = tpu.memref_slice %arg4[%mul3A_2, %dma_wait3A_17] : memref<4096x768xf32, #tpu.memory_space<hbm>> -> memref<128x768xf32, #tpu.memory_space<hbm>>
      tpu.wait_dma2 semaphore(%run_scoped3A : memref<!tpu.dma_semaphore, #tpu.memory_space<semaphore_mem>>) src(%arg6 : memref<128x768xf32, #tpu.memory_space<vmem>>) dst(%dma_wait3A_18 : memref<128x768xf32, #tpu.memory_space<hbm>>)
      tpu.yield
    }) : () -> ()
    return
  }
}

module attributes {stable_mosaic.version = 14 : i64} {
  func.func @_router_body(%arg0: i32, %arg1: memref<1024x768xf32, #tpu.memory_space<vmem>>, %arg2: memref<768x64xf32, #tpu.memory_space<vmem>>, %arg3: memref<8x128xi32, #tpu.memory_space<vmem>>, %arg4: memref<8x128xf32, #tpu.memory_space<vmem>>, %arg5: memref<1024x384xi32, #tpu.memory_space<vmem>>, %arg6: memref<8x64xi32, #tpu.memory_space<vmem>>) attributes {dimension_semantics = [#tpu.dimension_semantics<arbitrary>], iteration_bounds = array<i64: 4>, scalar_prefetch = 0 : i64, scratch_operands = 1 : i64, tpu.core_type = #tpu.core_type<tc>, window_params = [{transform_indices = @transform_0, window_bounds = array<i64: 1024, 768>}, {pipeline_mode = #tpu.pipeline_mode<synchronous>, transform_indices = @transform_1, window_bounds = array<i64: 768, 64>}, {transform_indices = @transform_2, window_bounds = array<i64: 8, 128>}, {transform_indices = @transform_3, window_bounds = array<i64: 8, 128>}, {transform_indices = @transform_4, window_bounds = array<i64: 1024, 384>}]} {
    %eq3A = arith.constant 0 : i32
    %eq3A_0 = arith.cmpi eq, %arg0, %eq3A : i32
    %convert_element_type3A = arith.extui %eq3A_0 : i1 to i32
    %cond3A = arith.constant 0 : i32
    %cond3A_1 = arith.cmpi ne, %convert_element_type3A, %cond3A : i32
    scf.if %cond3A_1 {
      %broadcast_in_dim3A_144 = arith.constant 0 : i32
      %broadcast_in_dim3A_145 = vector.broadcast %broadcast_in_dim3A_144 : i32 to vector<8x64xi32>
      %swap3A_146 = arith.constant 0 : index
      %swap3A_147 = arith.constant 0 : index
      %swap3A_148 = vector.load %arg6[%swap3A_146, %swap3A_147] : memref<8x64xi32, #tpu.memory_space<vmem>>, vector<8x64xi32>
      tpu.vector_store %arg6[%swap3A_146, %swap3A_147], %broadcast_in_dim3A_145 {strides = array<i32>} : memref<8x64xi32, #tpu.memory_space<vmem>>, vector<8x64xi32>,
    } else {
    }
    %get3A = arith.constant 0 : index
    %get3A_2 = arith.constant 0 : index
    %get3A_3 = vector.load %arg1[%get3A, %get3A_2] : memref<1024x768xf32, #tpu.memory_space<vmem>>, vector<1024x768xf32>
    %slice3A = vector.extract_strided_slice %get3A_3 {offsets = [0, 0], sizes = [1024, 384], strides = [1, 1]} : vector<1024x768xf32> to vector<1024x384xf32>
    %bitcast_convert_type3A = tpu.bitcast %slice3A : vector<1024x384xf32> -> vector<1024x384xi32>
    %slice3A_4 = vector.extract_strided_slice %get3A_3 {offsets = [0, 384], sizes = [1024, 384], strides = [1, 1]} : vector<1024x768xf32> to vector<1024x384xf32>
    %bitcast_convert_type3A_5 = tpu.bitcast %slice3A_4 : vector<1024x384xf32> -> vector<1024x384xi32>
    %add3A = arith.constant 32767 : i32
    %add3A_6 = vector.broadcast %add3A : i32 to vector<1024x384xi32>
    %add3A_7 = arith.addi %bitcast_convert_type3A, %add3A_6 : vector<1024x384xi32>
    %shift_right_logical3A = arith.constant 16 : i32
    %shift_right_logical3A_8 = vector.broadcast %shift_right_logical3A : i32 to vector<1024x384xi32>
    %shift_right_logical3A_9 = arith.shrui %bitcast_convert_type3A, %shift_right_logical3A_8 : vector<1024x384xi32>
    %and3A = arith.constant 1 : i32
    %and3A_10 = vector.broadcast %and3A : i32 to vector<1024x384xi32>
    %and3A_11 = arith.andi %shift_right_logical3A_9, %and3A_10 : vector<1024x384xi32>
    %add3A_12 = arith.addi %add3A_7, %and3A_11 : vector<1024x384xi32>
    %shift_right_logical3A_13 = arith.constant 16 : i32
    %shift_right_logical3A_14 = vector.broadcast %shift_right_logical3A_13 : i32 to vector<1024x384xi32>
    %shift_right_logical3A_15 = arith.shrui %add3A_12, %shift_right_logical3A_14 : vector<1024x384xi32>
    %add3A_16 = arith.constant 32767 : i32
    %add3A_17 = vector.broadcast %add3A_16 : i32 to vector<1024x384xi32>
    %add3A_18 = arith.addi %bitcast_convert_type3A_5, %add3A_17 : vector<1024x384xi32>
    %shift_right_logical3A_19 = arith.constant 16 : i32
    %shift_right_logical3A_20 = vector.broadcast %shift_right_logical3A_19 : i32 to vector<1024x384xi32>
    %shift_right_logical3A_21 = arith.shrui %bitcast_convert_type3A_5, %shift_right_logical3A_20 : vector<1024x384xi32>
    %and3A_22 = arith.constant 1 : i32
    %and3A_23 = vector.broadcast %and3A_22 : i32 to vector<1024x384xi32>
    %and3A_24 = arith.andi %shift_right_logical3A_21, %and3A_23 : vector<1024x384xi32>
    %add3A_25 = arith.addi %add3A_18, %and3A_24 : vector<1024x384xi32>
    %and3A_26 = arith.constant -65536 : i32
    %and3A_27 = vector.broadcast %and3A_26 : i32 to vector<1024x384xi32>
    %and3A_28 = arith.andi %add3A_25, %and3A_27 : vector<1024x384xi32>
    %or3A = arith.ori %and3A_28, %shift_right_logical3A_15 : vector<1024x384xi32>
    %swap3A = arith.constant 0 : index
    %swap3A_29 = arith.constant 0 : index
    %swap3A_30 = vector.load %arg5[%swap3A, %swap3A_29] : memref<1024x384xi32, #tpu.memory_space<vmem>>, vector<1024x384xi32>
    tpu.vector_store %arg5[%swap3A, %swap3A_29], %or3A {strides = array<i32>} : memref<1024x384xi32, #tpu.memory_space<vmem>>, vector<1024x384xi32>,
    %get3A_31 = arith.constant 0 : index
    %get3A_32 = arith.constant 0 : index
    %get3A_33 = vector.load %arg2[%get3A_31, %get3A_32] : memref<768x64xf32, #tpu.memory_space<vmem>>, vector<768x64xf32>
    %dot_general3A = arith.constant dense<0.000000e+00> : vector<1024x64xf32>
    %dot_general3A_34 = tpu.matmul %get3A_3, %get3A_33, %dot_general3A {dimension_numbers = #tpu.dot_dimension_numbers<[1], [0], [0], [1], [0, 0, 1, 1], [], []>, transpose_lhs_hint = false} : vector<1024x768xf32>, vector<768x64xf32>, vector<1024x64xf32> -> vector<1024x64xf32>
    %reduce_max3A = arith.constant dense<0xFF800000> : vector<1024xf32>
    %reduce_max3A_35 = vector.multi_reduction <maximumf>, %dot_general3A_34, %reduce_max3A [1] : vector<1024x64xf32> to vector<1024xf32>
    %broadcast_in_dim3A = vector.shape_cast %reduce_max3A_35 : vector<1024xf32> to vector<1024x1xf32>
    %iota3A = tpu.iota {dimensions = array<i32: 1>} : vector<1024x64xi32>
    %eq3A_36 = vector.broadcast %broadcast_in_dim3A : vector<1024x1xf32> to vector<1024x64xf32>
    %eq3A_37 = arith.cmpf oeq, %dot_general3A_34, %eq3A_36 : vector<1024x64xf32>
    %jit3A = arith.constant 64 : i32
    %broadcast_in_dim3A_38 = vector.broadcast %jit3A : i32 to vector<1024x64xi32>
    %select_n3A = arith.select %eq3A_37, %iota3A, %broadcast_in_dim3A_38 : vector<1024x64xi1>, vector<1024x64xi32>
    %reduce_min3A = arith.constant dense<2147483647> : vector<1024xi32>
    %reduce_min3A_39 = vector.multi_reduction <minsi>, %select_n3A, %reduce_min3A [1] : vector<1024x64xi32> to vector<1024xi32>
    %broadcast_in_dim3A_40 = vector.shape_cast %reduce_min3A_39 : vector<1024xi32> to vector<1024x1xi32>
    %sub3A = vector.broadcast %broadcast_in_dim3A : vector<1024x1xf32> to vector<1024x64xf32>
    %sub3A_41 = arith.subf %dot_general3A_34, %sub3A : vector<1024x64xf32>
    %exp3A = math.exp %sub3A_41 : vector<1024x64xf32>
    %reduce_sum3A = arith.constant dense<0.000000e+00> : vector<1024xf32>
    %reduce_sum3A_42 = vector.multi_reduction <add>, %exp3A, %reduce_sum3A [1] : vector<1024x64xf32> to vector<1024xf32>
    %broadcast_in_dim3A_43 = vector.shape_cast %reduce_sum3A_42 : vector<1024xf32> to vector<1024x1xf32>
    %div3A = arith.constant 1.000000e+00 : f32
    %div3A_44 = vector.broadcast %div3A : f32 to vector<1024x1xf32>
    %div3A_45 = arith.divf %div3A_44, %broadcast_in_dim3A_43 : vector<1024x1xf32>
    %eq3A_46 = vector.broadcast %broadcast_in_dim3A_40 : vector<1024x1xi32> to vector<1024x64xi32>
    %eq3A_47 = arith.cmpi eq, %iota3A, %eq3A_46 : vector<1024x64xi32>
    %convert_element_type3A_48 = arith.extui %eq3A_47 : vector<1024x64xi1> to vector<1024x64xi32>
    %broadcast_in_dim3A_49 = arith.constant 0 : i32
    %broadcast_in_dim3A_50 = vector.broadcast %broadcast_in_dim3A_49 : i32 to vector<1x64xi32>
    %slice3A_51 = vector.extract_strided_slice %convert_element_type3A_48 {offsets = [0, 0], sizes = [1023, 64], strides = [1, 1]} : vector<1024x64xi32> to vector<1023x64xi32>
    %concatenate3A = tpu.concatenate %broadcast_in_dim3A_50, %slice3A_51 in 0 : vector<1x64xi32>, vector<1023x64xi32> -> vector<1024x64xi32>
    %add3A_52 = arith.addi %convert_element_type3A_48, %concatenate3A : vector<1024x64xi32>
    %broadcast_in_dim3A_53 = arith.constant 0 : i32
    %broadcast_in_dim3A_54 = vector.broadcast %broadcast_in_dim3A_53 : i32 to vector<2x64xi32>
    %slice3A_55 = vector.extract_strided_slice %add3A_52 {offsets = [0, 0], sizes = [1022, 64], strides = [1, 1]} : vector<1024x64xi32> to vector<1022x64xi32>
    %concatenate3A_56 = tpu.concatenate %broadcast_in_dim3A_54, %slice3A_55 in 0 : vector<2x64xi32>, vector<1022x64xi32> -> vector<1024x64xi32>
    %add3A_57 = arith.addi %add3A_52, %concatenate3A_56 : vector<1024x64xi32>
    %broadcast_in_dim3A_58 = arith.constant 0 : i32
    %broadcast_in_dim3A_59 = vector.broadcast %broadcast_in_dim3A_58 : i32 to vector<4x64xi32>
    %slice3A_60 = vector.extract_strided_slice %add3A_57 {offsets = [0, 0], sizes = [1020, 64], strides = [1, 1]} : vector<1024x64xi32> to vector<1020x64xi32>
    %concatenate3A_61 = tpu.concatenate %broadcast_in_dim3A_59, %slice3A_60 in 0 : vector<4x64xi32>, vector<1020x64xi32> -> vector<1024x64xi32>
    %add3A_62 = arith.addi %add3A_57, %concatenate3A_61 : vector<1024x64xi32>
    %broadcast_in_dim3A_63 = arith.constant 0 : i32
    %broadcast_in_dim3A_64 = vector.broadcast %broadcast_in_dim3A_63 : i32 to vector<8x64xi32>
    %slice3A_65 = vector.extract_strided_slice %add3A_62 {offsets = [0, 0], sizes = [1016, 64], strides = [1, 1]} : vector<1024x64xi32> to vector<1016x64xi32>
    %concatenate3A_66 = tpu.concatenate %broadcast_in_dim3A_64, %slice3A_65 in 0 : vector<8x64xi32>, vector<1016x64xi32> -> vector<1024x64xi32>
    %add3A_67 = arith.addi %add3A_62, %concatenate3A_66 : vector<1024x64xi32>
    %broadcast_in_dim3A_68 = arith.constant 0 : i32
    %broadcast_in_dim3A_69 = vector.broadcast %broadcast_in_dim3A_68 : i32 to vector<16x64xi32>
    %slice3A_70 = vector.extract_strided_slice %add3A_67 {offsets = [0, 0], sizes = [1008, 64], strides = [1, 1]} : vector<1024x64xi32> to vector<1008x64xi32>
    %concatenate3A_71 = tpu.concatenate %broadcast_in_dim3A_69, %slice3A_70 in 0 : vector<16x64xi32>, vector<1008x64xi32> -> vector<1024x64xi32>
    %add3A_72 = arith.addi %add3A_67, %concatenate3A_71 : vector<1024x64xi32>
    %broadcast_in_dim3A_73 = arith.constant 0 : i32
    %broadcast_in_dim3A_74 = vector.broadcast %broadcast_in_dim3A_73 : i32 to vector<32x64xi32>
    %slice3A_75 = vector.extract_strided_slice %add3A_72 {offsets = [0, 0], sizes = [992, 64], strides = [1, 1]} : vector<1024x64xi32> to vector<992x64xi32>
    %concatenate3A_76 = tpu.concatenate %broadcast_in_dim3A_74, %slice3A_75 in 0 : vector<32x64xi32>, vector<992x64xi32> -> vector<1024x64xi32>
    %add3A_77 = arith.addi %add3A_72, %concatenate3A_76 : vector<1024x64xi32>
    %broadcast_in_dim3A_78 = arith.constant 0 : i32
    %broadcast_in_dim3A_79 = vector.broadcast %broadcast_in_dim3A_78 : i32 to vector<64x64xi32>
    %slice3A_80 = vector.extract_strided_slice %add3A_77 {offsets = [0, 0], sizes = [960, 64], strides = [1, 1]} : vector<1024x64xi32> to vector<960x64xi32>
    %concatenate3A_81 = tpu.concatenate %broadcast_in_dim3A_79, %slice3A_80 in 0 : vector<64x64xi32>, vector<960x64xi32> -> vector<1024x64xi32>
    %add3A_82 = arith.addi %add3A_77, %concatenate3A_81 : vector<1024x64xi32>
    %broadcast_in_dim3A_83 = arith.constant 0 : i32
    %broadcast_in_dim3A_84 = vector.broadcast %broadcast_in_dim3A_83 : i32 to vector<128x64xi32>
    %slice3A_85 = vector.extract_strided_slice %add3A_82 {offsets = [0, 0], sizes = [896, 64], strides = [1, 1]} : vector<1024x64xi32> to vector<896x64xi32>
    %concatenate3A_86 = tpu.concatenate %broadcast_in_dim3A_84, %slice3A_85 in 0 : vector<128x64xi32>, vector<896x64xi32> -> vector<1024x64xi32>
    %add3A_87 = arith.addi %add3A_82, %concatenate3A_86 : vector<1024x64xi32>
    %broadcast_in_dim3A_88 = arith.constant 0 : i32
    %broadcast_in_dim3A_89 = vector.broadcast %broadcast_in_dim3A_88 : i32 to vector<256x64xi32>
    %slice3A_90 = vector.extract_strided_slice %add3A_87 {offsets = [0, 0], sizes = [768, 64], strides = [1, 1]} : vector<1024x64xi32> to vector<768x64xi32>
    %concatenate3A_91 = tpu.concatenate %broadcast_in_dim3A_89, %slice3A_90 in 0 : vector<256x64xi32>, vector<768x64xi32> -> vector<1024x64xi32>
    %add3A_92 = arith.addi %add3A_87, %concatenate3A_91 : vector<1024x64xi32>
    %broadcast_in_dim3A_93 = arith.constant 0 : i32
    %broadcast_in_dim3A_94 = vector.broadcast %broadcast_in_dim3A_93 : i32 to vector<512x64xi32>
    %slice3A_95 = vector.extract_strided_slice %add3A_92 {offsets = [0, 0], sizes = [512, 64], strides = [1, 1]} : vector<1024x64xi32> to vector<512x64xi32>
    %concatenate3A_96 = tpu.concatenate %broadcast_in_dim3A_94, %slice3A_95 in 0 : vector<512x64xi32>, vector<512x64xi32> -> vector<1024x64xi32>
    %add3A_97 = arith.addi %add3A_92, %concatenate3A_96 : vector<1024x64xi32>
    %get3A_98 = arith.constant 0 : index
    %get3A_99 = arith.constant 0 : index
    %get3A_100 = vector.load %arg6[%get3A_98, %get3A_99] : memref<8x64xi32, #tpu.memory_space<vmem>>, vector<1x64xi32>
    %mul3A = vector.broadcast %get3A_100 : vector<1x64xi32> to vector<1024x64xi32>
    %mul3A_101 = arith.muli %mul3A, %convert_element_type3A_48 : vector<1024x64xi32>
    %reduce_sum3A_102 = arith.constant dense<0> : vector<1024xi32>
    %reduce_sum3A_103 = vector.multi_reduction <add>, %mul3A_101, %reduce_sum3A_102 [1] : vector<1024x64xi32> to vector<1024xi32>
    %broadcast_in_dim3A_104 = vector.shape_cast %reduce_sum3A_103 : vector<1024xi32> to vector<1024x1xi32>
    %mul3A_105 = arith.muli %add3A_97, %convert_element_type3A_48 : vector<1024x64xi32>
    %reduce_sum3A_106 = arith.constant dense<0> : vector<1024xi32>
    %reduce_sum3A_107 = vector.multi_reduction <add>, %mul3A_105, %reduce_sum3A_106 [1] : vector<1024x64xi32> to vector<1024xi32>
    %broadcast_in_dim3A_108 = vector.shape_cast %reduce_sum3A_107 : vector<1024xi32> to vector<1024x1xi32>
    %sub3A_109 = arith.constant 1 : i32
    %sub3A_110 = vector.broadcast %sub3A_109 : i32 to vector<1024x1xi32>
    %sub3A_111 = arith.subi %broadcast_in_dim3A_108, %sub3A_110 : vector<1024x1xi32>
    %add3A_112 = arith.addi %sub3A_111, %broadcast_in_dim3A_104 : vector<1024x1xi32>
    %get3A_113 = arith.constant 0 : index
    %get3A_114 = arith.constant 0 : index
    %get3A_115 = vector.load %arg6[%get3A_113, %get3A_114] : memref<8x64xi32, #tpu.memory_space<vmem>>, vector<1x64xi32>
    %reduce_sum3A_116 = arith.constant dense<0> : vector<64xi32>
    %reduce_sum3A_117 = vector.multi_reduction <add>, %convert_element_type3A_48, %reduce_sum3A_116 [0] : vector<1024x64xi32> to vector<64xi32>
    %broadcast_in_dim3A_118 = vector.shape_cast %reduce_sum3A_117 : vector<64xi32> to vector<1x64xi32>
    %add3A_119 = arith.addi %get3A_115, %broadcast_in_dim3A_118 : vector<1x64xi32>
    %swap3A_120 = arith.constant 0 : index
    %swap3A_121 = arith.constant 0 : index
    %swap3A_122 = vector.load %arg6[%swap3A_120, %swap3A_121] : memref<8x64xi32, #tpu.memory_space<vmem>>, vector<1x64xi32>
    tpu.vector_store %arg6[%swap3A_120, %swap3A_121], %add3A_119 {strides = array<i32>} : memref<8x64xi32, #tpu.memory_space<vmem>>, vector<1x64xi32>,
    %lt3A = arith.constant 80 : i32
    %lt3A_123 = vector.broadcast %lt3A : i32 to vector<1024x1xi32>
    %lt3A_124 = arith.cmpi slt, %add3A_112, %lt3A_123 : vector<1024x1xi32>
    %mul3A_125 = arith.constant 80 : i32
    %mul3A_126 = vector.broadcast %mul3A_125 : i32 to vector<1024x1xi32>
    %mul3A_127 = arith.muli %broadcast_in_dim3A_40, %mul3A_126 : vector<1024x1xi32>
    %min3A = arith.constant 79 : i32
    %min3A_128 = vector.broadcast %min3A : i32 to vector<1024x1xi32>
    %min3A_129 = arith.minsi %add3A_112, %min3A_128 : vector<1024x1xi32>
    %add3A_130 = arith.addi %mul3A_127, %min3A_129 : vector<1024x1xi32>
    %jit3A_131 = arith.constant -1 : i32
    %broadcast_in_dim3A_132 = vector.broadcast %jit3A_131 : i32 to vector<1024x1xi32>
    %select_n3A_133 = arith.select %lt3A_124, %add3A_130, %broadcast_in_dim3A_132 : vector<1024x1xi1>, vector<1024x1xi32>
    %reshape3A = vector.shape_cast %select_n3A_133 : vector<1024x1xi32> to vector<8x128xi32>
    %swap3A_134 = arith.constant 0 : index
    %swap3A_135 = arith.constant 0 : index
    %swap3A_136 = vector.load %arg3[%swap3A_134, %swap3A_135] : memref<8x128xi32, #tpu.memory_space<vmem>>, vector<8x128xi32>
    tpu.vector_store %arg3[%swap3A_134, %swap3A_135], %reshape3A {strides = array<i32>} : memref<8x128xi32, #tpu.memory_space<vmem>>, vector<8x128xi32>,
    %jit3A_137 = arith.constant 0.000000e+00 : f32
    %broadcast_in_dim3A_138 = vector.broadcast %jit3A_137 : f32 to vector<1024x1xf32>
    %select_n3A_139 = arith.select %lt3A_124, %div3A_45, %broadcast_in_dim3A_138 : vector<1024x1xi1>, vector<1024x1xf32>
    %reshape3A_140 = vector.shape_cast %select_n3A_139 : vector<1024x1xf32> to vector<8x128xf32>
    %swap3A_141 = arith.constant 0 : index
    %swap3A_142 = arith.constant 0 : index
    %swap3A_143 = vector.load %arg4[%swap3A_141, %swap3A_142] : memref<8x128xf32, #tpu.memory_space<vmem>>, vector<8x128xf32>
    tpu.vector_store %arg4[%swap3A_141, %swap3A_142], %reshape3A_140 {strides = array<i32>} : memref<8x128xf32, #tpu.memory_space<vmem>>, vector<8x128xf32>,
    return
  }
  func.func @transform_0(%arg0: i32) -> (i32, i32) {
    %c0_i32 = arith.constant 0 : i32
    %c0_i32_0 = arith.constant 0 : i32
    return %arg0, %c0_i32 : i32, i32
  }
  func.func @transform_1(%arg0: i32) -> (i32, i32) {
    %c0_i32 = arith.constant 0 : i32
    %c0_i32_0 = arith.constant 0 : i32
    %c0_i32_1 = arith.constant 0 : i32
    return %c0_i32, %c0_i32_0 : i32, i32
  }
  func.func @transform_2(%arg0: i32) -> (i32, i32) {
    %c0_i32 = arith.constant 0 : i32
    %c0_i32_0 = arith.constant 0 : i32
    return %arg0, %c0_i32 : i32, i32
  }
  func.func @transform_3(%arg0: i32) -> (i32, i32) {
    %c0_i32 = arith.constant 0 : i32
    %c0_i32_0 = arith.constant 0 : i32
    return %arg0, %c0_i32 : i32, i32
  }
  func.func @transform_4(%arg0: i32) -> (i32, i32) {
    %c0_i32 = arith.constant 0 : i32
    %c0_i32_0 = arith.constant 0 : i32
    return %arg0, %c0_i32 : i32, i32
  }
}

module attributes {stable_mosaic.version = 14 : i64} {
  func.func @_ffn_body(%arg0: i32, %arg1: memref<80x384xi32, #tpu.memory_space<vmem>>, %arg2: memref<1x768x1536xf32, #tpu.memory_space<vmem>>, %arg3: memref<1x1x1536xf32, #tpu.memory_space<vmem>>, %arg4: memref<1x1536x768xf32, #tpu.memory_space<vmem>>, %arg5: memref<1x1x768xf32, #tpu.memory_space<vmem>>, %arg6: memref<80x128xf32, #tpu.memory_space<vmem>>, %arg7: memref<80x768xf32, #tpu.memory_space<vmem>>) attributes {dimension_semantics = [#tpu.dimension_semantics<arbitrary>], iteration_bounds = array<i64: 65>, scalar_prefetch = 0 : i64, scratch_operands = 0 : i64, tpu.core_type = #tpu.core_type<tc>, window_params = [{transform_indices = @transform_0, window_bounds = array<i64: 80, 384>}, {transform_indices = @transform_1, window_bounds = array<i64: 1, 768, 1536>}, {transform_indices = @transform_2, window_bounds = array<i64: 1, 1, 1536>}, {transform_indices = @transform_3, window_bounds = array<i64: 1, 1536, 768>}, {transform_indices = @transform_4, window_bounds = array<i64: 1, 1, 768>}, {transform_indices = @transform_5, window_bounds = array<i64: 80, 128>}, {transform_indices = @transform_6, window_bounds = array<i64: 80, 768>}]} {
    %lt3A = arith.constant 64 : i32
    %lt3A_0 = arith.cmpi slt, %arg0, %lt3A : i32
    %convert_element_type3A = arith.extui %lt3A_0 : i1 to i32
    %cond3A = arith.constant 0 : i32
    %cond3A_1 = arith.cmpi ne, %convert_element_type3A, %cond3A : i32
    scf.if %cond3A_1 {
      %get3A = arith.constant 0 : index
      %get3A_6 = arith.constant 0 : index
      %get3A_7 = vector.load %arg1[%get3A, %get3A_6] : memref<80x384xi32, #tpu.memory_space<vmem>>, vector<80x384xi32>
      %shift_left3A = arith.constant 16 : i32
      %shift_left3A_8 = vector.broadcast %shift_left3A : i32 to vector<80x384xi32>
      %shift_left3A_9 = arith.shli %get3A_7, %shift_left3A_8 : vector<80x384xi32>
      %bitcast_convert_type3A = tpu.bitcast %shift_left3A_9 : vector<80x384xi32> -> vector<80x384xf32>
      %and3A = arith.constant -65536 : i32
      %and3A_10 = vector.broadcast %and3A : i32 to vector<80x384xi32>
      %and3A_11 = arith.andi %get3A_7, %and3A_10 : vector<80x384xi32>
      %bitcast_convert_type3A_12 = tpu.bitcast %and3A_11 : vector<80x384xi32> -> vector<80x384xf32>
      %concatenate3A = tpu.concatenate %bitcast_convert_type3A, %bitcast_convert_type3A_12 in 1 : vector<80x384xf32>, vector<80x384xf32> -> vector<80x768xf32>
      %get3A_13 = arith.constant 0 : index
      %get3A_14 = arith.constant 0 : index
      %get3A_15 = arith.constant 0 : index
      %get3A_16 = vector.load %arg2[%get3A_13, %get3A_14, %get3A_15] : memref<1x768x1536xf32, #tpu.memory_space<vmem>>, vector<1x768x1536xf32>
      %get3A_17 = vector.shape_cast %get3A_16 : vector<1x768x1536xf32> to vector<768x1536xf32>
      %dot_general3A = arith.constant dense<0.000000e+00> : vector<80x1536xf32>
      %dot_general3A_18 = tpu.matmul %concatenate3A, %get3A_17, %dot_general3A {dimension_numbers = #tpu.dot_dimension_numbers<[1], [0], [0], [1], [0, 0, 1, 1], [], []>, transpose_lhs_hint = false} : vector<80x768xf32>, vector<768x1536xf32>, vector<80x1536xf32> -> vector<80x1536xf32>
      %get3A_19 = arith.constant 0 : index
      %get3A_20 = arith.constant 0 : index
      %get3A_21 = arith.constant 0 : index
      %get3A_22 = vector.load %arg3[%get3A_19, %get3A_20, %get3A_21] : memref<1x1x1536xf32, #tpu.memory_space<vmem>>, vector<1x1x1536xf32>
      %get3A_23 = vector.shape_cast %get3A_22 : vector<1x1x1536xf32> to vector<1x1536xf32>
      %add3A = vector.broadcast %get3A_23 : vector<1x1536xf32> to vector<80x1536xf32>
      %add3A_24 = arith.addf %dot_general3A_18, %add3A : vector<80x1536xf32>
      %max3A = arith.constant 0.000000e+00 : f32
      %max3A_25 = vector.broadcast %max3A : f32 to vector<80x1536xf32>
      %max3A_26 = arith.maximumf %add3A_24, %max3A_25 : vector<80x1536xf32>
      %get3A_27 = arith.constant 0 : index
      %get3A_28 = arith.constant 0 : index
      %get3A_29 = arith.constant 0 : index
      %get3A_30 = vector.load %arg4[%get3A_27, %get3A_28, %get3A_29] : memref<1x1536x768xf32, #tpu.memory_space<vmem>>, vector<1x1536x768xf32>
      %get3A_31 = vector.shape_cast %get3A_30 : vector<1x1536x768xf32> to vector<1536x768xf32>
      %dot_general3A_32 = arith.constant dense<0.000000e+00> : vector<80x768xf32>
      %dot_general3A_33 = tpu.matmul %max3A_26, %get3A_31, %dot_general3A_32 {dimension_numbers = #tpu.dot_dimension_numbers<[1], [0], [0], [1], [0, 0, 1, 1], [], []>, transpose_lhs_hint = false} : vector<80x1536xf32>, vector<1536x768xf32>, vector<80x768xf32> -> vector<80x768xf32>
      %get3A_34 = arith.constant 0 : index
      %get3A_35 = arith.constant 0 : index
      %get3A_36 = arith.constant 0 : index
      %get3A_37 = vector.load %arg5[%get3A_34, %get3A_35, %get3A_36] : memref<1x1x768xf32, #tpu.memory_space<vmem>>, vector<1x1x768xf32>
      %get3A_38 = vector.shape_cast %get3A_37 : vector<1x1x768xf32> to vector<1x768xf32>
      %add3A_39 = vector.broadcast %get3A_38 : vector<1x768xf32> to vector<80x768xf32>
      %add3A_40 = arith.addf %dot_general3A_33, %add3A_39 : vector<80x768xf32>
      %get3A_41 = arith.constant 0 : index
      %get3A_42 = arith.constant 0 : index
      %get3A_43 = vector.load %arg6[%get3A_41, %get3A_42] : memref<80x128xf32, #tpu.memory_space<vmem>>, vector<80x1xf32>
      %mul3A = vector.broadcast %get3A_43 : vector<80x1xf32> to vector<80x768xf32>
      %mul3A_44 = arith.mulf %add3A_40, %mul3A : vector<80x768xf32>
      %swap3A = arith.constant 0 : index
      %swap3A_45 = arith.constant 0 : index
      %swap3A_46 = vector.load %arg7[%swap3A, %swap3A_45] : memref<80x768xf32, #tpu.memory_space<vmem>>, vector<80x768xf32>
      tpu.vector_store %arg7[%swap3A, %swap3A_45], %mul3A_44 {strides = array<i32>} : memref<80x768xf32, #tpu.memory_space<vmem>>, vector<80x768xf32>,
    } else {
    }
    %eq3A = arith.constant 64 : i32
    %eq3A_2 = arith.cmpi eq, %arg0, %eq3A : i32
    %convert_element_type3A_3 = arith.extui %eq3A_2 : i1 to i32
    %cond3A_4 = arith.constant 0 : i32
    %cond3A_5 = arith.cmpi ne, %convert_element_type3A_3, %cond3A_4 : i32
    scf.if %cond3A_5 {
      %broadcast_in_dim3A = arith.constant 0.000000e+00 : f32
      %broadcast_in_dim3A_6 = vector.broadcast %broadcast_in_dim3A : f32 to vector<80x768xf32>
      %swap3A = arith.constant 0 : index
      %swap3A_7 = arith.constant 0 : index
      %swap3A_8 = vector.load %arg7[%swap3A, %swap3A_7] : memref<80x768xf32, #tpu.memory_space<vmem>>, vector<80x768xf32>
      tpu.vector_store %arg7[%swap3A, %swap3A_7], %broadcast_in_dim3A_6 {strides = array<i32>} : memref<80x768xf32, #tpu.memory_space<vmem>>, vector<80x768xf32>,
    } else {
    }
    return
  }
  func.func @transform_0(%arg0: i32) -> (i32, i32) {
    %min3A = arith.constant 63 : i32
    %min3A_0 = arith.minsi %arg0, %min3A : i32
    %c0_i32 = arith.constant 0 : i32
    %c0_i32_1 = arith.constant 0 : i32
    return %min3A_0, %c0_i32 : i32, i32
  }
  func.func @transform_1(%arg0: i32) -> (i32, i32, i32) {
    %min3A = arith.constant 63 : i32
    %min3A_0 = arith.minsi %arg0, %min3A : i32
    %c0_i32 = arith.constant 0 : i32
    %c0_i32_1 = arith.constant 0 : i32
    %c0_i32_2 = arith.constant 0 : i32
    return %min3A_0, %c0_i32, %c0_i32_1 : i32, i32, i32
  }
  func.func @transform_2(%arg0: i32) -> (i32, i32, i32) {
    %min3A = arith.constant 63 : i32
    %min3A_0 = arith.minsi %arg0, %min3A : i32
    %c0_i32 = arith.constant 0 : i32
    %c0_i32_1 = arith.constant 0 : i32
    %c0_i32_2 = arith.constant 0 : i32
    return %min3A_0, %c0_i32, %c0_i32_1 : i32, i32, i32
  }
  func.func @transform_3(%arg0: i32) -> (i32, i32, i32) {
    %min3A = arith.constant 63 : i32
    %min3A_0 = arith.minsi %arg0, %min3A : i32
    %c0_i32 = arith.constant 0 : i32
    %c0_i32_1 = arith.constant 0 : i32
    %c0_i32_2 = arith.constant 0 : i32
    return %min3A_0, %c0_i32, %c0_i32_1 : i32, i32, i32
  }
  func.func @transform_4(%arg0: i32) -> (i32, i32, i32) {
    %min3A = arith.constant 63 : i32
    %min3A_0 = arith.minsi %arg0, %min3A : i32
    %c0_i32 = arith.constant 0 : i32
    %c0_i32_1 = arith.constant 0 : i32
    %c0_i32_2 = arith.constant 0 : i32
    return %min3A_0, %c0_i32, %c0_i32_1 : i32, i32, i32
  }
  func.func @transform_5(%arg0: i32) -> (i32, i32) {
    %min3A = arith.constant 63 : i32
    %min3A_0 = arith.minsi %arg0, %min3A : i32
    %c0_i32 = arith.constant 0 : i32
    %c0_i32_1 = arith.constant 0 : i32
    return %min3A_0, %c0_i32 : i32, i32
  }
  func.func @transform_6(%arg0: i32) -> (i32, i32) {
    %c0_i32 = arith.constant 0 : i32
    %c0_i32_0 = arith.constant 0 : i32
    return %arg0, %c0_i32 : i32, i32
  }
}

</mosaic_0001>

<sc_bundles>
// kernel: kernel.6.cloned.1.call-start
scs
__scs_entry_jumppad:
0x0: {  	(pc) =	sbr.rel $0x88, $3  }
0x1: {  	(tag) =	ssettag $0x0;
	lr =	simm.s32 $0x1  }
0x2: {  	[smem:$0x3F9B] =	sst lr;
	_ =	strace $0xD0000000  }
0x3: {  	_ = 	snop  }
0x4: {  	_ = 	snop  }
0x5: {  	_ = 	snop  }
0x6: {  	_ = 	snop  }
0x7: {  	_ = 	snop  }
__scs_overlays_trampoline_lowered:
0x8: {  	[smem:$0x3FAA] =	sst s0  }
0x9: {  	[smem:$0x3FAB] =	sst s1  }
0xa: {  	[smem:$0x3FAC] =	sst s2  }
0xb: {  	[smem:$0x3FAD] =	sst s3  }
0xc: {  	[smem:$0x3FAE] =	sst s4  }
0xd: {  	[smem:$0x3FAF] =	sst s5  }
0xe: {  	[smem:$0x3FB0] =	sst s6  }
0xf: {  	[smem:$0x3FB1] =	sst s7  }
0x10: {  	[smem:$0x3FB2] =	sst s8  }
0x11: {  	[smem:$0x3FB3] =	sst s9;
	s0 =	simm.s32 @!p0 $0x0  }
0x12: {  	s1 =	sld [smem:$0x3F99];
	s0 =	simm.s32 @p0 $0x1  }
0x13: {  	[smem:$0x3FB4] =	sst s0;
	s0 =	simm.s32 @!p1 $0x0  }
0x14: {  	s2 =	sld [smem:$0x3F98];
	s0 =	simm.s32 @p1 $0x1  }
0x15: {  	[smem:$0x3FB5] =	sst s0;
	s0 =	simm.s32 @!p2 $0x0  }
0x16: {  	s3 =	sld [smem:$0x3FDB];
	s0 =	simm.s32 @p2 $0x1  }
0x17: {  	s4 =	simm.s32 $0x1BF5;
	[smem:$0x3FB7] =	sst s0  }
0x18: {  	s0 =	sld [smem:$0x3F9A];
	_ =	swait.ge [sflag:s4], $0x0  }
0x19: {  	s7 =	sld [smem:$0x3F9B]  }
0x1a: {  	s8 =	sadd.s32 $0xFFFFE003, lr  }
0x1b: {  	s9 =	sadd.s32 $0xFFFFFEF7, lr;
	s5 =	simm.s32 $0xFFFFFFFF;
	p2 =	slt.u32 s8, $0xFFFFF086  }
0x1c: {  	p1 =	slt.u32 s9, $0xF7A;
	s5 =	simm.s32 @!p2 $0x0  }
0x1d: {  	s5 =	simm.s32 @p1 $0x1;
	p0 =	seq.s32 s7, s2  }
0x1e: {  	s7 =	smul.u32 @!p0 $0xF7A, s2;
	p2 =	seq.s32 @!p0 s5, $0x0  }
0x1f: {  	s9 =	smul.u32 $0xF7A, s1;
	s8 =	simm.s32 @!p0 $0x1BF5;
	p2 =	por !p2, p0  }
0x20: {  	[sflag:s8] =	ssyncset.s32 @!p0 $0xFFFFF086;
	s6 =	sadd.s32 @!p0 s3, s7;
	s7 =	simm.s32 @!p0 $0x108  }
0x21: {  	s3 =	sadd.s32 s3, s9;
	s6 =	sadd.s32 @!p0 $0x88, s6;
	s7 =	simm.s32 @p2 $0x1082  }
0x22: {  	[simem:s7], [sflag:s8] =	dma.local @!p0 [hbm:s6], $0xF7A  }
0x23: {  	s9 =	sor.u32 $0xD0000000, s2;
	s6 =	simm.s32 $0x108;
	_ =	swait.ge @!p0 [sflag:s8], $0x0  }
0x24: {  	s3 =	sadd.s32 $0x88, s3;
	s6 =	simm.s32 @!p1 $0x1082;
	[sflag:s4] =	ssyncset.s32 $0xFFFFF086  }
0x25: {  	[simem:s6], [sflag:s4] =	dma.local [hbm:s3], $0xF7A  }
0x26: {  	[smem:$0x3F9B] =	sst s1;
	(tag) =	ssettag s2;
	_ =	strace s9  }
0x27: {  	s1 =	sld [smem:$0x3FAB]  }
0x28: {  	s2 =	sld [smem:$0x3FAC]  }
0x29: {  	s4 =	sld [smem:$0x3FAE]  }
0x2a: {  	p0 =	seq.s32 s5, $0x0;
	s5 =	sld [smem:$0x3FAF]  }
0x2b: {  	s6 =	sld [smem:$0x3FB0]  }
0x2c: {  	s7 =	sld [smem:$0x3FB1]  }
0x2d: {  	s3 =	simm.s32 $0x108;
	s8 =	sld [smem:$0x3FB2]  }
0x2e: {  	s3 =	simm.s32 @!p0 $0x1082;
	s9 =	sld [smem:$0x3FB3]  }
0x2f: {  	lr =	sadd.s32 s0, s3;
	s0 =	sld [smem:$0x3FAA]  }
0x30: {  	s3 =	sld [smem:$0x3FAD]  }
0x31: {  	[smem:$0x3FB6] =	sst s10  }
0x32: {  	s10 =	sld [smem:$0x3FB4];
	_ =	sdelay $0x3  }
0x33: {  	p0 =	seq.s32 s10, $0x1;
	s10 =	sld [smem:$0x3FB6];
	_ =	sdelay $0x3  }
0x34: {  	[smem:$0x3FB6] =	sst s10  }
0x35: {  	s10 =	sld [smem:$0x3FB5];
	_ =	sdelay $0x3  }
0x36: {  	p1 =	seq.s32 s10, $0x1;
	s10 =	sld [smem:$0x3FB6];
	_ =	sdelay $0x3  }
0x37: {  	[smem:$0x3FB6] =	sst s10  }
0x38: {  	s10 =	sld [smem:$0x3FB7]  }
0x39: {  	_ = 	snop;
	(pc) =	sbr.ind lr, $3  }
0x3a: {  	_ = 	snop  }
0x3b: {  	_ = 	snop  }
0x3c: {  	p2 =	seq.s32 s10, $0x1;
	s10 =	sld [smem:$0x3FB6]  }
0x3d: {  	_ =	shalt  }
0x3e: {  	_ =	shalt  }
0x3f: {  	_ =	shalt  }
0x40: {  	_ =	shalt  }
0x41: {  	_ =	shalt  }
0x42: {  	_ =	shalt  }
0x43: {  	_ =	shalt  }
0x44: {  	_ =	shalt  }
0x45: {  	_ =	shalt  }
0x46: {  	_ =	shalt  }
0x47: {  	_ =	shalt  }
0x48: {  	_ =	shalt  }
0x49: {  	_ =	shalt  }
0x4a: {  	_ =	shalt  }
0x4b: {  	_ =	shalt  }
0x4c: {  	_ =	shalt  }
0x4d: {  	_ =	shalt  }
0x4e: {  	_ =	shalt  }
0x4f: {  	_ =	shalt  }
0x50: {  	_ =	shalt  }
0x51: {  	_ =	shalt  }
0x52: {  	_ =	shalt  }
0x53: {  	_ =	shalt  }
0x54: {  	_ =	shalt  }
0x55: {  	_ =	shalt  }
0x56: {  	_ =	shalt  }
0x57: {  	_ =	shalt  }
0x58: {  	_ =	shalt  }
0x59: {  	_ =	shalt  }
0x5a: {  	_ =	shalt  }
0x5b: {  	_ =	shalt  }
0x5c: {  	_ =	shalt  }
0x5d: {  	_ =	shalt  }
0x5e: {  	_ =	shalt  }
0x5f: {  	_ =	shalt  }
0x60: {  	_ =	shalt  }
0x61: {  	_ =	shalt  }
0x62: {  	_ =	shalt  }
0x63: {  	_ =	shalt  }
0x64: {  	_ =	shalt  }
0x65: {  	_ =	shalt  }
0x66: {  	_ =	shalt  }
0x67: {  	_ =	shalt  }
0x68: {  	_ =	shalt  }
0x69: {  	_ =	shalt  }
0x6a: {  	_ =	shalt  }
0x6b: {  	_ =	shalt  }
0x6c: {  	_ =	shalt  }
0x6d: {  	_ =	shalt  }
0x6e: {  	_ =	shalt  }
0x6f: {  	_ =	shalt  }
0x70: {  	_ =	shalt  }
0x71: {  	_ =	shalt  }
0x72: {  	_ =	shalt  }
0x73: {  	_ =	shalt  }
0x74: {  	_ =	shalt  }
0x75: {  	_ =	shalt  }
0x76: {  	_ =	shalt  }
0x77: {  	_ =	shalt  }
0x78: {  	_ =	shalt  }
0x79: {  	_ =	shalt  }
0x7a: {  	_ =	shalt  }
0x7b: {  	_ =	shalt  }
0x7c: {  	_ =	shalt  }
0x7d: {  	_ =	shalt  }
0x7e: {  	_ =	shalt  }
0x7f: {  	_ =	shalt  }
0x80: {  	_ =	shalt  }
0x81: {  	_ =	shalt  }
0x82: {  	_ =	shalt  }
0x83: {  	_ =	shalt  }
0x84: {  	_ =	shalt  }
0x85: {  	_ =	shalt  }
0x86: {  	_ =	shalt  }
0x87: {  	_ =	shalt  }
.Lfunc_end0:
.L_simem_size_0:
called_computation_lowered:
.L_overlay_start_0:
0x88: {  	s2 =	sld [smem:$0x3FD9]  }
0x89: {  	s3 =	sld [smem:$0x3FFE];
	_ =	sdelay $0x1  }
0x8a: {  	s1 =	srdreg.scid  }
0x8b: {  	s0 =	sand.u32 $0x1, s1  }
0x8c: {  	s17 =	sshll.u32 s0, $0xA;
	s2 =	sadd.s32 s3, s2  }
0x8d: {  	s2 =	sadd.s32 s2, s17  }
0x8e: {  	[smem:$0x3FC2] =	sst s2  }
0x8f: {  	_ = 	snop  }
0x90: {  	s2 =	sld [smem:$0x3FD0];
	(tm) =	ssettm $0x1  }
0x91: {  	s18 =	sld [smem:$0x3FFB];
	_ =	sdelay $0x3  }
0x92: {  	_ =	strace s18  }
0x93: {  	s3 =	sld [smem:$0x3FFC];
	_ =	sdelay $0x3  }
0x94: {  	_ =	strace s3  }
0x95: {  	s3 =	sld [smem:$0x3FFD];
	_ =	sdelay $0x3  }
0x96: {  	_ =	strace s3  }
0x97: {  	_ =	strace $0x8FFFFFFF  }
0x98: {  	s19 =	sld [smem:$0x3FDB];
	_ =	sdelay $0x1  }
0x99: {  	s4 =	simm.s32 $_scs_section_size  }
0x9a: {  	s5 =	simm.s32 $_size__tile_overlayer_lowered;
	s6 =	simm.s32 $_tile_overlayer_lowered  }
0x9b: {  	s22 =	simm.s32 $0x1BFF;
	s21 =	sshll.u32 s6, $0x1;
	s3 =	sadd.s32 s4, s19  }
0x9c: {  	s7 =	simm.s32 $0x0;
	s20 =	sshll.u32 s5, $0x1;
	s5 =	sadd.s32 s21, s3  }
0x9d: {  	[timem:s7], [sflag:s22] =	dma.local [hbm:s5], s20  }
0x9e: {  	_ =	swait.ge [sflag:s22], s20  }
0x9f: {  	s4 =	ssub.s32 $0x0, s20;
	[sflag:s22] =	ssyncset.done $0x0  }
0xa0: {  	[sflag:s22] =	ssyncadd.s32 s4;
	_ =	sdelay $0x1  }
0xa1: {  	s23 =	simm.s32 $0x1B8B  }
0xa2: {  	_ =	swait.ge [sflag:s23], $0x1  }
0xa3: {  	[sflag:s23] =	ssyncset.done $0x0  }
0xa4: {  	s25 =	simm.s32 $0x1B8E;
	s24 =	sld [smem:$0x3FFE];
	[sflag:s23] =	ssyncadd.s32 $0xFFFFFFFF  }
0xa5: {  	s26 =	simm.s32 $execute0_lowered;
	[smem:$0x3FD2] =	sst s25  }
0xa6: {  	s5 =	sshll.u32 s26, $0x1;
	_ =	strace $0x80000046;
	[dreg:$0x1] =	wrdreg $0xFFFFFFFF  }
0xa7: {  	s28 =	simm.s32 $_size_execute0_lowered;
	s3 =	sadd.s32 s3, s5;
	[dreg:$0x0] =	wrdreg $0x0  }
0xa8: {  	s5 =	sshll.u32 s28, $0x1;
	[dreg:$0x2] =	wrdreg s3  }
0xa9: {  	[dreg:$0x3] =	wrdreg s5  }
0xaa: {  	[dreg:$0x4] =	wrdreg $0xC0  }
0xab: {  	_ =	task [dreg:s7], $0x5FFFF  }
0xac: {  	[dreg:$0x1] =	wrdreg $0xFFFFFFFF  }
0xad: {  	[dreg:$0x0] =	wrdreg $0x60  }
0xae: {  	[dreg:$0x2] =	wrdreg s24  }
0xaf: {  	[dreg:$0x3] =	wrdreg s2  }
0xb0: {  	[dreg:$0x4] =	wrdreg $0x9  }
0xb1: {  	_ =	task.clear_ibuf [dreg:s7], $0x5FFFF;
	_ =	strace $0x90000046  }
0xb2: {  	s29 =	simm.s32 $0x9;
	_ =	strace $0x80000048  }
0xb3: {  	_ =	swait.ge [sflag:s29], $0x1  }
0xb4: {  	[sflag:s29] =	ssyncadd.s32 $0xFFFFFFFF  }
0xb5: {  	_ =	strace $0x90000048  }
0xb6: {  	_ =	sfence  }
0xb7: {  	s30 =	sld [smem:$0x0];
	_ =	sdelay $0x2  }
0xb8: {  	s31 =	sshll.u32 s1, $0xD;
	s1 =	sshrl.u32 s1, $0x2  }
0xb9: {  	s3 =	sand.u32 $0x4000, s31;
	s1 =	sadd.s32 s1, s30  }
0xba: {  	s0 =	sor.u32 s3, s0;
	s1 =	sshll.u32 s1, $0x11  }
0xbb: {  	s0 =	sor.u32 s1, s0  }
0xbc: {  	s0 =	sadd.s32 $0x8F2B, s0  }
0xbd: {  	[sflag:s0] =	ssyncadd.remote.s32 $0x1  }
0xbe: {  	_ =	sfence.sel $0xFFFF  }
0xbf: {  	[dreg:$0x0] =	wrdreg $0xFFFFFFFF;
	(pc) =	sbr.abs _section_cstart, $3  }
0xc0: {  	[dreg:$0x1] =	wrdreg $0xFFFFFFFF  }
0xc1: {  	_ =	task.clear_ibuf [dreg:s7], $0x2FFFF;
	_ =	strace $0x9FFFFFFF  }
0xc2: {  	(tm) =	ssettm $0x7FFFFFFF  }
0xc3: {  	_ =	shalt  }
tec
execute0_lowered:
.L_overlay_start_1:
0x0: {  	(tag) =	ssettag $0x1  }
0x1: {  	s0 =	rddreg [dreg:$0x0];
	s1 =	srdreg.scid  }
0x2: {  	s3 =	stileid.u32;
	s2 =	rddreg [dreg:$0x1]  }
0x3: {  	s10 =	simm.s32 $0x2;
	s11 =	simm.s32 $0x80;
	s12 =	simm.s32 $0x4100  }
0x4: {  	s13 =	simm.s32 $0x1;
	s14 =	simm.s32 $0xB900;
	s15 =	simm.s32 $0xC100  }
0x5: {  	s16 =	simm.s32 $0xC500;
	s17 =	simm.s32 $0xCD00;
	s18 =	simm.s32 $0xD100  }
0x6: {  	s19 =	simm.s32 $0xD900;
	s20 =	simm.s32 $0xDD00;
	s21 =	simm.s32 $0xE500  }
0x7: {  	vm0 =	vmmov $0x1;
	vm2 =	vcmask $0x70C;
	s22 =	simm.s32 $0xE900;
	s23 =	simm.s32 $0xF100;
	s24 =	simm.s32 $0xF500  }
0x8: {  	vm3 =	vcmask $0xB10;
	vm4 =	vcmask $0xF14;
	vm5 =	vcmask $0x1318;
	s25 =	simm.s32 $0xFD00;
	s26 =	simm.s32 $0x100;
	s28 =	simm.s32 $0x0  }
0x9: {  	vm6 =	vcmask $0x171C;
	vm7 =	vcmask $0x1B20;
	vm8 =	vcmask $0x1F24;
	s1 =	sand.u32 $0x1, s1;
	s4 =	sshll.u32 s3, $0x1;
	s3 =	simm.s32 $0x0  }
0xa: {  	vm9 =	vcmask $0x2328;
	vm10 =	vcmask $0x272C;
	vm11 =	vcmask $0x2B30;
	s8 =	sadd.s32 $0x100, s2;
	s4 =	sor.u32 s1, s4;
	[smem:$0x7FF] =	sst s3  }
0xb: {  	vm12 =	vcmask $0x2F34;
	vm1 =	vmmov $0xffff;
	v3 =	vimm.s32 $0x0;
	s1 =	ssub.s32 $0x2, s1;
	s5 =	smul.u32 $0x1800, s4;
	s4 =	sshll.u32 s4, $0x4  }
0xc: {  	v2 =	vlaneseq.u32;
	vm13 =	vcmask $0x3338;
	v3 =	vsel vm1, $0xFFFFFFFF, v3;
	_ =	strace $0x80000047;
	s30 =	sshrl.u32 s1, $0x1;
	s6 =	sadd.s32 s4, s0  }
0xd: {  	vm14 =	vcmask $0x373C;
	vm1 =	vmmov $0xff;
	[tilespmem:$0x1FFE0] =	vst v3;
	v3 =	vimm.s32 $0x0;
	s4 =	sadd.s32 $0x32200, s0;
	s31 =	ssub.s32 s1, s30;
	s1 =	simm.s32 $0xAD00  }
0xe: {  	vm15 =	vmmov $0x7fff;
	v1 =	vshrl.u32 v2, $0x3;
	v3 =	vsel vm1, $0xFFFFFFFF, v3;
	s7 =	sadd.s32 s5, s0;
	s5 =	sadd.s32 $0x31E00, s6;
	s6 =	sadd.s32 $0x32000, s6  }
0xf: {  	v0 =	vand.u32 $0x7, v2;
	v2 =	vor.u32 $0x8, v2;
	v1 =	vmul.u32 $0x8, v1;
	s9 =	smax.u32 s31, $0x1;
	s0 =	simm.s32 $0xB500;
	[tilespmem:$0x1FFF0] =	vst v3;
	s7 =	sadd.s32 $0x1E00, s7  }
.LBB2_1:
0x10: {  	[tilespmem:s3], [sflag:$0x2] =	stream.linear.gather [hbm4b:s5+s3], $0x80, $0x38;
	[tilespmem:$0x10100] =	vst v63  }
0x11: {  	_ =	swait.ge [sflag:s10], $0x80  }
0x12: {  	[sflag:s10] =	ssyncset.done $0x0  }
0x13: {  	[sflag:s10] =	ssyncadd.s32 $0xFFFFFF80  }
0x14: {  	[tilespmem:s11], [sflag:$0x2] =	stream.linear.gather [hbm4b:s6+s3], $0x80, $0x38;
	[tilespmem:$0x10100] =	vst v63  }
0x15: {  	_ =	swait.ge [sflag:s10], $0x80  }
0x16: {  	[sflag:s10] =	ssyncset.done $0x0  }
0x17: {  	s30 =	simm.s32 $0x0;
	[sflag:s10] =	ssyncadd.s32 $0xFFFFFF80  }
0x18: {  	[tilespmem:s12], [sflag:$0x1] =	stream.linear.gather [hbm4b:s7+s3], $0xC000, $0x38;
	[tilespmem:$0x10100] =	vst v63  }
0x19: {  	v4 =	vld [tilespmem:s30+$0x80];
	_ =	sdelay $0x4  }
0x1a: {  	v3 =	vsel vm15, $0x0, v4  }
0x1b: {  	(xrf2) =	vadd.scan.msk.f32 $0xffff, v3;
	_ =	sdelay $0x3  }
0x1c: {  	v3 =	vsel vm14, $0x0, v4  }
0x1d: {  	(xrf2) =	vadd.scan.msk.f32 $0xffff, v3;
	v3 =	vld [tilespmem:s30+$0x0];
	_ =	sdelay $0x4  }
0x1e: {  	vm1 =	vlt.s32 v3, $0x0;
	v6, _, _ =	vpop (xrf2)  }
0x1f: {  	v7 =	vsel vm1, $0x1400, v3;
	v3 =	vbroadcast v6, $0xF  }
0x20: {  	s29 =	simm.s32 $0x500;
	[tilespmem:s30+$0x0] =	vst v7  }
0x21: {  	[tilespmem:s29+$0x3F0] =	vst v3  }
0x22: {  	[tilespmem:s29+$0x3E0] =	vst v3  }
0x23: {  	v5 =	vsel vm13, $0x0, v4;
	[tilespmem:s29+$0x3D0] =	vst v3  }
0x24: {  	(xrf2) =	vadd.scan.msk.f32 $0xffff, v5;
	[tilespmem:s29+$0x3C0] =	vst v3  }
0x25: {  	[tilespmem:s29+$0x3B0] =	vst v3  }
0x26: {  	v37, _, _ =	vpop (xrf2);
	[tilespmem:s29+$0x3A0] =	vst v3  }
0x27: {  	v5 =	vbroadcast v37, $0xF;
	[tilespmem:s29+$0x390] =	vst v3  }
0x28: {  	[tilespmem:s29+$0x380] =	vst v3  }
0x29: {  	[tilespmem:s29+$0x370] =	vst v5  }
0x2a: {  	[tilespmem:s29+$0x360] =	vst v5  }
0x2b: {  	v38 =	vsel vm12, $0x0, v4;
	[tilespmem:s29+$0x350] =	vst v5  }
0x2c: {  	(xrf2) =	vadd.scan.msk.f32 $0xffff, v38;
	[tilespmem:s29+$0x340] =	vst v5  }
0x2d: {  	[tilespmem:s29+$0x330] =	vst v5  }
0x2e: {  	[tilespmem:s29+$0x320] =	vst v5;
	v39, _, _ =	vpop (xrf2)  }
0x2f: {  	[tilespmem:s29+$0x310] =	vst v5;
	v6 =	vbroadcast v39, $0xF  }
0x30: {  	[tilespmem:s29+$0x300] =	vst v5  }
0x31: {  	[tilespmem:s29+$0x2F0] =	vst v6  }
0x32: {  	[tilespmem:s29+$0x2E0] =	vst v6  }
0x33: {  	v40 =	vsel vm11, $0x0, v4;
	[tilespmem:s29+$0x2D0] =	vst v6  }
0x34: {  	(xrf2) =	vadd.scan.msk.f32 $0xffff, v40;
	[tilespmem:s29+$0x2C0] =	vst v6  }
0x35: {  	[tilespmem:s29+$0x2B0] =	vst v6  }
0x36: {  	v41, _, _ =	vpop (xrf2);
	[tilespmem:s29+$0x2A0] =	vst v6  }
0x37: {  	v5 =	vbroadcast v41, $0xF;
	[tilespmem:s29+$0x290] =	vst v6  }
0x38: {  	[tilespmem:s29+$0x280] =	vst v6  }
0x39: {  	[tilespmem:s29+$0x270] =	vst v5  }
0x3a: {  	[tilespmem:s29+$0x260] =	vst v5  }
0x3b: {  	v42 =	vsel vm10, $0x0, v4;
	[tilespmem:s29+$0x250] =	vst v5  }
0x3c: {  	(xrf2) =	vadd.scan.msk.f32 $0xffff, v42;
	[tilespmem:s29+$0x240] =	vst v5  }
0x3d: {  	[tilespmem:s29+$0x230] =	vst v5  }
0x3e: {  	[tilespmem:s29+$0x220] =	vst v5;
	v43, _, _ =	vpop (xrf2)  }
0x3f: {  	[tilespmem:s29+$0x210] =	vst v5;
	v6 =	vbroadcast v43, $0xF  }
0x40: {  	[tilespmem:s29+$0x200] =	vst v5  }
0x41: {  	[tilespmem:s29+$0x1F0] =	vst v6  }
0x42: {  	[tilespmem:s29+$0x1E0] =	vst v6  }
0x43: {  	v44 =	vsel vm9, $0x0, v4;
	[tilespmem:s29+$0x1D0] =	vst v6  }
0x44: {  	(xrf2) =	vadd.scan.msk.f32 $0xffff, v44;
	[tilespmem:s29+$0x1C0] =	vst v6  }
0x45: {  	[tilespmem:s29+$0x1B0] =	vst v6  }
0x46: {  	v45, _, _ =	vpop (xrf2);
	[tilespmem:s29+$0x1A0] =	vst v6  }
0x47: {  	v5 =	vbroadcast v45, $0xF;
	[tilespmem:s29+$0x190] =	vst v6  }
0x48: {  	[tilespmem:s29+$0x180] =	vst v6  }
0x49: {  	[tilespmem:s29+$0x170] =	vst v5  }
0x4a: {  	[tilespmem:s29+$0x160] =	vst v5  }
0x4b: {  	v46 =	vsel vm8, $0x0, v4;
	[tilespmem:s29+$0x150] =	vst v5  }
0x4c: {  	(xrf2) =	vadd.scan.msk.f32 $0xffff, v46;
	[tilespmem:s29+$0x140] =	vst v5  }
0x4d: {  	[tilespmem:s29+$0x130] =	vst v5  }
0x4e: {  	[tilespmem:s29+$0x120] =	vst v5;
	v47, _, _ =	vpop (xrf2)  }
0x4f: {  	[tilespmem:s29+$0x110] =	vst v5;
	v6 =	vbroadcast v47, $0xF  }
0x50: {  	[tilespmem:s29+$0x100] =	vst v5  }
0x51: {  	[tilespmem:s29+$0xF0] =	vst v6  }
0x52: {  	[tilespmem:s29+$0xE0] =	vst v6  }
0x53: {  	v48 =	vsel vm7, $0x0, v4;
	[tilespmem:s29+$0xD0] =	vst v6  }
0x54: {  	(xrf2) =	vadd.scan.msk.f32 $0xffff, v48;
	[tilespmem:s29+$0xC0] =	vst v6  }
0x55: {  	[tilespmem:s29+$0xB0] =	vst v6  }
0x56: {  	v49, _, _ =	vpop (xrf2);
	[tilespmem:s29+$0xA0] =	vst v6  }
0x57: {  	v5 =	vbroadcast v49, $0xF;
	[tilespmem:s29+$0x90] =	vst v6  }
0x58: {  	[tilespmem:s29+$0x80] =	vst v6  }
0x59: {  	[tilespmem:s29+$0x70] =	vst v5  }
0x5a: {  	[tilespmem:s29+$0x60] =	vst v5  }
0x5b: {  	v50 =	vsel vm6, $0x0, v4;
	[tilespmem:s29+$0x50] =	vst v5  }
0x5c: {  	(xrf2) =	vadd.scan.msk.f32 $0xffff, v50;
	[tilespmem:s29+$0x40] =	vst v5  }
0x5d: {  	[tilespmem:s29+$0x30] =	vst v5  }
0x5e: {  	[tilespmem:s29+$0x20] =	vst v5;
	v51, _, _ =	vpop (xrf2)  }
0x5f: {  	[tilespmem:s29+$0x10] =	vst v5;
	v6 =	vbroadcast v51, $0xF  }
0x60: {  	[tilespmem:s29+$0x0] =	vst v5  }
0x61: {  	[tilespmem:s29+$0xFFFFFFF0] =	vst v6  }
0x62: {  	[tilespmem:s29+$0xFFFFFFE0] =	vst v6  }
0x63: {  	v52 =	vsel vm5, $0x0, v4;
	[tilespmem:s29+$0xFFFFFFD0] =	vst v6  }
0x64: {  	(xrf2) =	vadd.scan.msk.f32 $0xffff, v52;
	[tilespmem:s29+$0xFFFFFFC0] =	vst v6  }
0x65: {  	[tilespmem:s29+$0xFFFFFFB0] =	vst v6  }
0x66: {  	v53, _, _ =	vpop (xrf2);
	[tilespmem:s29+$0xFFFFFFA0] =	vst v6  }
0x67: {  	v5 =	vbroadcast v53, $0xF;
	[tilespmem:s29+$0xFFFFFF90] =	vst v6  }
0x68: {  	[tilespmem:s29+$0xFFFFFF80] =	vst v6  }
0x69: {  	[tilespmem:s29+$0xFFFFFF70] =	vst v5  }
0x6a: {  	[tilespmem:s29+$0xFFFFFF60] =	vst v5  }
0x6b: {  	v54 =	vsel vm4, $0x0, v4;
	[tilespmem:s29+$0xFFFFFF50] =	vst v5  }
0x6c: {  	(xrf2) =	vadd.scan.msk.f32 $0xffff, v54;
	[tilespmem:s29+$0xFFFFFF40] =	vst v5  }
0x6d: {  	[tilespmem:s29+$0xFFFFFF30] =	vst v5  }
0x6e: {  	[tilespmem:s29+$0xFFFFFF20] =	vst v5;
	v55, _, _ =	vpop (xrf2)  }
0x6f: {  	[tilespmem:s29+$0xFFFFFF10] =	vst v5;
	v6 =	vbroadcast v55, $0xF  }
0x70: {  	[tilespmem:s29+$0xFFFFFF00] =	vst v5  }
0x71: {  	[tilespmem:s29+$0xFFFFFEF0] =	vst v6  }
0x72: {  	[tilespmem:s29+$0xFFFFFEE0] =	vst v6  }
0x73: {  	v56 =	vsel vm3, $0x0, v4;
	[tilespmem:s29+$0xFFFFFED0] =	vst v6  }
0x74: {  	(xrf2) =	vadd.scan.msk.f32 $0xffff, v56;
	[tilespmem:s29+$0xFFFFFEC0] =	vst v6  }
0x75: {  	[tilespmem:s29+$0xFFFFFEB0] =	vst v6  }
0x76: {  	v57, _, _ =	vpop (xrf2);
	[tilespmem:s29+$0xFFFFFEA0] =	vst v6  }
0x77: {  	v5 =	vbroadcast v57, $0xF;
	[tilespmem:s29+$0xFFFFFE90] =	vst v6  }
0x78: {  	[tilespmem:s29+$0xFFFFFE80] =	vst v6  }
0x79: {  	[tilespmem:s29+$0xFFFFFE70] =	vst v5  }
0x7a: {  	[tilespmem:s29+$0xFFFFFE60] =	vst v5  }
0x7b: {  	v58 =	vsel vm2, $0x0, v4;
	[tilespmem:s29+$0xFFFFFE50] =	vst v5  }
0x7c: {  	(xrf2) =	vadd.scan.msk.f32 $0xffff, v58;
	[tilespmem:s29+$0xFFFFFE40] =	vst v5  }
0x7d: {  	[tilespmem:s29+$0xFFFFFE30] =	vst v5  }
0x7e: {  	[tilespmem:s29+$0xFFFFFE20] =	vst v5;
	v59, _, _ =	vpop (xrf2)  }
0x7f: {  	[tilespmem:s29+$0xFFFFFE10] =	vst v5;
	v6 =	vbroadcast v59, $0xF  }
0x80: {  	[tilespmem:s29+$0xFFFFFE00] =	vst v5  }
0x81: {  	[tilespmem:s29+$0xFFFFFDF0] =	vst v6  }
0x82: {  	vm1 =	vcmask $0x308;
	[tilespmem:s29+$0xFFFFFDE0] =	vst v6  }
0x83: {  	v60 =	vsel vm1, $0x0, v4;
	[tilespmem:s29+$0xFFFFFDD0] =	vst v6  }
0x84: {  	(xrf2) =	vadd.scan.msk.f32 $0xffff, v60;
	[tilespmem:s29+$0xFFFFFDC0] =	vst v6  }
0x85: {  	[tilespmem:s29+$0xFFFFFDB0] =	vst v6  }
0x86: {  	v61, _, _ =	vpop (xrf2);
	[tilespmem:s29+$0xFFFFFDA0] =	vst v6  }
0x87: {  	v5 =	vbroadcast v61, $0xF;
	[tilespmem:s29+$0xFFFFFD90] =	vst v6  }
0x88: {  	[tilespmem:s29+$0xFFFFFD80] =	vst v6  }
0x89: {  	[tilespmem:s29+$0xFFFFFD70] =	vst v5  }
0x8a: {  	[tilespmem:s29+$0xFFFFFD60] =	vst v5  }
0x8b: {  	v4 =	vnsel vm0, $0x0, v4;
	[tilespmem:s29+$0xFFFFFD50] =	vst v5  }
0x8c: {  	(xrf2) =	vadd.scan.msk.f32 $0xffff, v4;
	[tilespmem:s29+$0xFFFFFD40] =	vst v5  }
0x8d: {  	[tilespmem:s29+$0xFFFFFD30] =	vst v5  }
0x8e: {  	[tilespmem:s29+$0xFFFFFD20] =	vst v5;
	v62, _, _ =	vpop (xrf2)  }
0x8f: {  	[tilespmem:s29+$0xFFFFFD10] =	vst v5;
	v4 =	vbroadcast v62, $0xF  }
0x90: {  	[tilespmem:s29+$0xFFFFFD00] =	vst v5  }
0x91: {  	[tilespmem:s29+$0xFFFFFCF0] =	vst v4  }
0x92: {  	[tilespmem:s29+$0xFFFFFCE0] =	vst v4  }
0x93: {  	[tilespmem:s29+$0xFFFFFCD0] =	vst v4  }
0x94: {  	[tilespmem:s29+$0xFFFFFCC0] =	vst v4  }
0x95: {  	[tilespmem:s29+$0xFFFFFCB0] =	vst v4  }
0x96: {  	v63, _, _ =	vpop (xrf2);
	[tilespmem:s29+$0xFFFFFCA0] =	vst v4  }
0x97: {  	v5 =	vbroadcast v63, $0xF;
	[tilespmem:s29+$0xFFFFFC90] =	vst v4  }
0x98: {  	[tilespmem:s29+$0xFFFFFC80] =	vst v4  }
0x99: {  	[tilespmem:s29+$0xFFFFFC70] =	vst v5  }
0x9a: {  	[tilespmem:s29+$0xFFFFFC60] =	vst v5  }
0x9b: {  	[tilespmem:s29+$0xFFFFFC50] =	vst v5  }
0x9c: {  	[tilespmem:s29+$0xFFFFFC40] =	vst v5  }
0x9d: {  	[tilespmem:s29+$0xFFFFFC30] =	vst v5  }
0x9e: {  	[tilespmem:s29+$0xFFFFFC20] =	vst v5  }
0x9f: {  	[tilespmem:s29+$0xFFFFFC10] =	vst v5  }
0xa0: {  	s31 =	simm.s32 $0x10;
	s30 =	simm.s32 $0x80;
	[tilespmem:s29+$0xFFFFFC00] =	vst v5  }
.LBB2_2:
0xa1: {  	p0 =	sne.s32 s30, $0x1C0;
	v3 =	vld [tilespmem:s31+$0x80];
	_ =	sdelay $0x3  }
0xa2: {  	vm1 =	vcmask $0x308  }
0xa3: {  	v4 =	vsel vm13, $0x0, v3;
	v5 =	vsel vm14, $0x0, v3;
	v6 =	vsel vm15, $0x0, v3  }
0xa4: {  	v7 =	vsel vm10, $0x0, v3;
	v8 =	vsel vm11, $0x0, v3;
	v9 =	vsel vm12, $0x0, v3;
	(xrf2) =	vadd.scan.msk.f32 $0xffff, v6  }
0xa5: {  	v10 =	vsel vm8, $0x0, v3;
	v11 =	vsel vm9, $0x0, v3;
	v6 =	vsel vm7, $0x0, v3  }
0xa6: {  	v12 =	vsel vm4, $0x0, v3;
	v13 =	vsel vm5, $0x0, v3;
	v14 =	vsel vm6, $0x0, v3  }
0xa7: {  	v15 =	vsel vm1, $0x0, v3;
	v16 =	vsel vm2, $0x0, v3;
	v17 =	vsel vm3, $0x0, v3;
	(xrf2) =	vadd.scan.msk.f32 $0xffff, v5  }
0xa8: {  	v5 =	vnsel vm0, $0x0, v3  }
0xa9: {  	v3 =	vld [tilespmem:s31+$0x0]  }
0xaa: {  	(xrf2) =	vadd.scan.msk.f32 $0xffff, v4;
	_ =	sdelay $0x2  }
0xab: {  	(xrf2) =	vadd.scan.msk.f32 $0xffff, v9  }
0xac: {  	vm1 =	vlt.s32 v3, $0x0;
	v4, _, _ =	vpop (xrf2)  }
0xad: {  	v9 =	vsel vm1, $0x1400, v3;
	v3 =	vbroadcast v4, $0xF  }
0xae: {  	s29 =	sadd.s32 $0x800, s29;
	[tilespmem:s31+$0x0] =	vst v9;
	(xrf2) =	vadd.scan.msk.f32 $0xffff, v8  }
0xaf: {  	[tilespmem:s29+$0x3F0] =	vst v3;
	v4, _, _ =	vpop (xrf2)  }
0xb0: {  	v4 =	vbroadcast v4, $0xF;
	[tilespmem:s29+$0x3E0] =	vst v3  }
0xb1: {  	[tilespmem:s29+$0x3D0] =	vst v3;
	(xrf2) =	vadd.scan.msk.f32 $0xffff, v7  }
0xb2: {  	[tilespmem:s29+$0x370] =	vst v4;
	v7, _, _ =	vpop (xrf2)  }
0xb3: {  	v7 =	vbroadcast v7, $0xF;
	[tilespmem:s29+$0x360] =	vst v4  }
0xb4: {  	[tilespmem:s29+$0x350] =	vst v4;
	(xrf2) =	vadd.scan.msk.f32 $0xffff, v11  }
0xb5: {  	[tilespmem:s29+$0x340] =	vst v4;
	v8, _, _ =	vpop (xrf2)  }
0xb6: {  	v8 =	vbroadcast v8, $0xF;
	[tilespmem:s29+$0x330] =	vst v4  }
0xb7: {  	[tilespmem:s29+$0x320] =	vst v4;
	(xrf2) =	vadd.scan.msk.f32 $0xffff, v10  }
0xb8: {  	[tilespmem:s29+$0x310] =	vst v4;
	v9, _, _ =	vpop (xrf2)  }
0xb9: {  	v9 =	vbroadcast v9, $0xF;
	[tilespmem:s29+$0x300] =	vst v4  }
0xba: {  	[tilespmem:s29+$0x2F0] =	vst v7;
	(xrf2) =	vadd.scan.msk.f32 $0xffff, v6  }
0xbb: {  	[tilespmem:s29+$0x2E0] =	vst v7;
	v4, _, _ =	vpop (xrf2)  }
0xbc: {  	v4 =	vbroadcast v4, $0xF;
	[tilespmem:s29+$0x2D0] =	vst v7  }
0xbd: {  	[tilespmem:s29+$0x2C0] =	vst v7;
	(xrf2) =	vadd.scan.msk.f32 $0xffff, v14  }
0xbe: {  	[tilespmem:s29+$0x2B0] =	vst v7;
	v6, _, _ =	vpop (xrf2)  }
0xbf: {  	v10 =	vbroadcast v6, $0xF;
	[tilespmem:s29+$0x2A0] =	vst v7  }
0xc0: {  	[tilespmem:s29+$0x290] =	vst v7;
	(xrf2) =	vadd.scan.msk.f32 $0xffff, v13  }
0xc1: {  	[tilespmem:s29+$0x280] =	vst v7;
	v6, _, _ =	vpop (xrf2)  }
0xc2: {  	v11 =	vbroadcast v6, $0xF;
	[tilespmem:s29+$0x270] =	vst v8  }
0xc3: {  	[tilespmem:s29+$0x260] =	vst v8;
	(xrf2) =	vadd.scan.msk.f32 $0xffff, v12  }
0xc4: {  	[tilespmem:s29+$0x250] =	vst v8;
	v6, _, _ =	vpop (xrf2)  }
0xc5: {  	v12 =	vbroadcast v6, $0xF;
	[tilespmem:s29+$0x240] =	vst v8  }
0xc6: {  	[tilespmem:s29+$0x230] =	vst v8;
	(xrf2) =	vadd.scan.msk.f32 $0xffff, v17  }
0xc7: {  	[tilespmem:s29+$0x220] =	vst v8;
	v6, _, _ =	vpop (xrf2)  }
0xc8: {  	v13 =	vbroadcast v6, $0xF;
	[tilespmem:s29+$0x210] =	vst v8  }
0xc9: {  	[tilespmem:s29+$0x200] =	vst v8;
	(xrf2) =	vadd.scan.msk.f32 $0xffff, v16  }
0xca: {  	[tilespmem:s29+$0x1F0] =	vst v9;
	v6, _, _ =	vpop (xrf2)  }
0xcb: {  	v8 =	vbroadcast v6, $0xF;
	[tilespmem:s29+$0x1E0] =	vst v9  }
0xcc: {  	[tilespmem:s29+$0x1D0] =	vst v9;
	(xrf2) =	vadd.scan.msk.f32 $0xffff, v15  }
0xcd: {  	[tilespmem:s29+$0x1C0] =	vst v9;
	v6, _, _ =	vpop (xrf2)  }
0xce: {  	v14 =	vbroadcast v6, $0xF;
	[tilespmem:s29+$0x1B0] =	vst v9  }
0xcf: {  	[tilespmem:s29+$0x1A0] =	vst v9;
	(xrf2) =	vadd.scan.msk.f32 $0xffff, v5  }
0xd0: {  	[tilespmem:s29+$0x190] =	vst v9;
	v5, _, _ =	vpop (xrf2)  }
0xd1: {  	v7 =	vbroadcast v5, $0xF;
	[tilespmem:s29+$0x180] =	vst v9  }
0xd2: {  	[tilespmem:s29+$0x170] =	vst v4  }
0xd3: {  	[tilespmem:s29+$0x160] =	vst v4;
	v5, _, _ =	vpop (xrf2)  }
0xd4: {  	v6 =	vbroadcast v5, $0xF;
	[tilespmem:s29+$0x150] =	vst v4  }
0xd5: {  	[tilespmem:s29+$0x140] =	vst v4  }
0xd6: {  	[tilespmem:s29+$0x130] =	vst v4;
	v5, _, _ =	vpop (xrf2)  }
0xd7: {  	v5 =	vbroadcast v5, $0xF;
	[tilespmem:s29+$0x120] =	vst v4  }
0xd8: {  	[tilespmem:s29+$0x110] =	vst v4  }
0xd9: {  	[tilespmem:s29+$0x100] =	vst v4;
	v4, _, _ =	vpop (xrf2)  }
0xda: {  	v4 =	vbroadcast v4, $0xF;
	[tilespmem:s29+$0xF0] =	vst v10  }
0xdb: {  	[tilespmem:s29+$0xE0] =	vst v10  }
0xdc: {  	[tilespmem:s29+$0xD0] =	vst v10  }
0xdd: {  	[tilespmem:s29+$0xC0] =	vst v10  }
0xde: {  	[tilespmem:s29+$0xB0] =	vst v10  }
0xdf: {  	[tilespmem:s29+$0xA0] =	vst v10  }
0xe0: {  	[tilespmem:s29+$0x90] =	vst v10  }
0xe1: {  	[tilespmem:s29+$0x80] =	vst v10  }
0xe2: {  	[tilespmem:s29+$0x70] =	vst v11  }
0xe3: {  	[tilespmem:s29+$0x60] =	vst v11  }
0xe4: {  	[tilespmem:s29+$0x50] =	vst v11  }
0xe5: {  	[tilespmem:s29+$0x40] =	vst v11  }
0xe6: {  	[tilespmem:s29+$0x30] =	vst v11  }
0xe7: {  	[tilespmem:s29+$0x20] =	vst v11  }
0xe8: {  	[tilespmem:s29+$0x10] =	vst v11  }
0xe9: {  	[tilespmem:s29+$0x0] =	vst v11  }
0xea: {  	[tilespmem:s29+$0xFFFFFFF0] =	vst v12  }
0xeb: {  	[tilespmem:s29+$0xFFFFFFE0] =	vst v12  }
0xec: {  	[tilespmem:s29+$0xFFFFFFD0] =	vst v12  }
0xed: {  	[tilespmem:s29+$0xFFFFFFC0] =	vst v12  }
0xee: {  	[tilespmem:s29+$0xFFFFFFB0] =	vst v12  }
0xef: {  	[tilespmem:s29+$0xFFFFFFA0] =	vst v12  }
0xf0: {  	[tilespmem:s29+$0xFFFFFF90] =	vst v12  }
0xf1: {  	[tilespmem:s29+$0xFFFFFF80] =	vst v12  }
0xf2: {  	[tilespmem:s29+$0xFFFFFF70] =	vst v13  }
0xf3: {  	[tilespmem:s29+$0xFFFFFF60] =	vst v13  }
0xf4: {  	[tilespmem:s29+$0xFFFFFF50] =	vst v13  }
0xf5: {  	[tilespmem:s29+$0xFFFFFF40] =	vst v13  }
0xf6: {  	[tilespmem:s29+$0xFFFFFF30] =	vst v13  }
0xf7: {  	[tilespmem:s29+$0xFFFFFF20] =	vst v13  }
0xf8: {  	[tilespmem:s29+$0xFFFFFF10] =	vst v13  }
0xf9: {  	[tilespmem:s29+$0xFFFFFF00] =	vst v13  }
0xfa: {  	[tilespmem:s29+$0xFFFFFEF0] =	vst v8  }
0xfb: {  	[tilespmem:s29+$0xFFFFFEE0] =	vst v8  }
0xfc: {  	[tilespmem:s29+$0xFFFFFED0] =	vst v8  }
0xfd: {  	[tilespmem:s29+$0xFFFFFEC0] =	vst v8  }
0xfe: {  	[tilespmem:s29+$0xFFFFFEB0] =	vst v8  }
0xff: {  	[tilespmem:s29+$0xFFFFFEA0] =	vst v8  }
0x100: {  	[tilespmem:s29+$0xFFFFFE90] =	vst v8  }
0x101: {  	[tilespmem:s29+$0xFFFFFE80] =	vst v8  }
0x102: {  	[tilespmem:s29+$0xFFFFFE70] =	vst v14  }
0x103: {  	[tilespmem:s29+$0xFFFFFE60] =	vst v14  }
0x104: {  	[tilespmem:s29+$0xFFFFFE50] =	vst v14  }
0x105: {  	[tilespmem:s29+$0xFFFFFE40] =	vst v14  }
0x106: {  	[tilespmem:s29+$0xFFFFFE30] =	vst v14  }
0x107: {  	[tilespmem:s29+$0xFFFFFE20] =	vst v14  }
0x108: {  	[tilespmem:s29+$0xFFFFFE10] =	vst v14  }
0x109: {  	[tilespmem:s29+$0xFFFFFE00] =	vst v14  }
0x10a: {  	[tilespmem:s29+$0xFFFFFDF0] =	vst v7  }
0x10b: {  	[tilespmem:s29+$0xFFFFFDE0] =	vst v7  }
0x10c: {  	[tilespmem:s29+$0xFFFFFDD0] =	vst v7  }
0x10d: {  	[tilespmem:s29+$0xFFFFFDC0] =	vst v7  }
0x10e: {  	[tilespmem:s29+$0xFFFFFDB0] =	vst v7  }
0x10f: {  	[tilespmem:s29+$0xFFFFFDA0] =	vst v7  }
0x110: {  	[tilespmem:s29+$0xFFFFFD90] =	vst v7  }
0x111: {  	[tilespmem:s29+$0xFFFFFD80] =	vst v7  }
0x112: {  	[tilespmem:s29+$0xFFFFFD70] =	vst v6  }
0x113: {  	[tilespmem:s29+$0xFFFFFD60] =	vst v6  }
0x114: {  	[tilespmem:s29+$0xFFFFFD50] =	vst v6  }
0x115: {  	[tilespmem:s29+$0xFFFFFD40] =	vst v6  }
0x116: {  	[tilespmem:s29+$0xFFFFFD30] =	vst v6  }
0x117: {  	[tilespmem:s29+$0xFFFFFD20] =	vst v6  }
0x118: {  	[tilespmem:s29+$0xFFFFFD10] =	vst v6  }
0x119: {  	[tilespmem:s29+$0xFFFFFD00] =	vst v6  }
0x11a: {  	[tilespmem:s29+$0xFFFFFCF0] =	vst v5  }
0x11b: {  	[tilespmem:s29+$0xFFFFFCE0] =	vst v5  }
0x11c: {  	[tilespmem:s29+$0xFFFFFCD0] =	vst v5  }
0x11d: {  	[tilespmem:s29+$0xFFFFFCC0] =	vst v5  }
0x11e: {  	[tilespmem:s29+$0xFFFFFCB0] =	vst v5  }
0x11f: {  	[tilespmem:s29+$0xFFFFFCA0] =	vst v5  }
0x120: {  	[tilespmem:s29+$0xFFFFFC90] =	vst v5  }
0x121: {  	[tilespmem:s29+$0xFFFFFC80] =	vst v5  }
0x122: {  	[tilespmem:s29+$0xFFFFFC70] =	vst v4  }
0x123: {  	[tilespmem:s29+$0xFFFFFC60] =	vst v4  }
0x124: {  	[tilespmem:s29+$0xFFFFFC50] =	vst v4  }
0x125: {  	[tilespmem:s29+$0xFFFFFC40] =	vst v4  }
0x126: {  	[tilespmem:s29+$0xFFFFFC30] =	vst v4  }
0x127: {  	[tilespmem:s29+$0xFFFFFC20] =	vst v4  }
0x128: {  	[tilespmem:s29+$0xFFFFFC10] =	vst v4  }
0x129: {  	[tilespmem:s29+$0xFFFFFC00] =	vst v4  }
.Ltmp0:
0x12a: {  	[tilespmem:s29+$0x3C0] =	vst v3;
	(pc) =	sbr.rel @p0 .LBB2_2-.Ltmp0, $4  }
0x12b: {  	[tilespmem:s29+$0x3B0] =	vst v3  }
0x12c: {  	[tilespmem:s29+$0x3A0] =	vst v3  }
0x12d: {  	[tilespmem:s29+$0x390] =	vst v3  }
0x12e: {  	s31 =	sshra.s32 s30, $0x2;
	s30 =	sadd.s32 $0x40, s30;
	[tilespmem:s29+$0x380] =	vst v3  }
0x12f: {  	v4 =	vld [tilespmem:s31+$0x80];
	_ =	sdelay $0x4  }
0x130: {  	v3 =	vsel vm15, $0x0, v4  }
0x131: {  	(xrf2) =	vadd.scan.msk.f32 $0xffff, v3;
	_ =	sdelay $0x3  }
0x132: {  	v3 =	vsel vm14, $0x0, v4  }
0x133: {  	(xrf2) =	vadd.scan.msk.f32 $0xffff, v3;
	v3 =	vld [tilespmem:s31+$0x0];
	_ =	sdelay $0x4  }
0x134: {  	vm1 =	vlt.s32 v3, $0x0;
	v6, _, _ =	vpop (xrf2)  }
0x135: {  	v7 =	vsel vm1, $0x1400, v3;
	v3 =	vbroadcast v6, $0xF  }
0x136: {  	s29 =	sadd.s32 $0x800, s29;
	[tilespmem:s31+$0x0] =	vst v7  }
0x137: {  	[tilespmem:s29+$0x3F0] =	vst v3  }
0x138: {  	[tilespmem:s29+$0x3E0] =	vst v3  }
0x139: {  	v5 =	vsel vm13, $0x0, v4;
	[tilespmem:s29+$0x3D0] =	vst v3  }
0x13a: {  	(xrf2) =	vadd.scan.msk.f32 $0xffff, v5;
	[tilespmem:s29+$0x3C0] =	vst v3  }
0x13b: {  	[tilespmem:s29+$0x3B0] =	vst v3  }
0x13c: {  	v53, _, _ =	vpop (xrf2);
	[tilespmem:s29+$0x3A0] =	vst v3  }
0x13d: {  	v5 =	vbroadcast v53, $0xF;
	[tilespmem:s29+$0x390] =	vst v3  }
0x13e: {  	[tilespmem:s29+$0x380] =	vst v3  }
0x13f: {  	[tilespmem:s29+$0x370] =	vst v5  }
0x140: {  	[tilespmem:s29+$0x360] =	vst v5  }
0x141: {  	v54 =	vsel vm12, $0x0, v4;
	[tilespmem:s29+$0x350] =	vst v5  }
0x142: {  	(xrf2) =	vadd.scan.msk.f32 $0xffff, v54;
	[tilespmem:s29+$0x340] =	vst v5  }
0x143: {  	[tilespmem:s29+$0x330] =	vst v5  }
0x144: {  	[tilespmem:s29+$0x320] =	vst v5;
	v55, _, _ =	vpop (xrf2)  }
0x145: {  	[tilespmem:s29+$0x310] =	vst v5;
	v6 =	vbroadcast v55, $0xF  }
0x146: {  	[tilespmem:s29+$0x300] =	vst v5  }
0x147: {  	[tilespmem:s29+$0x2F0] =	vst v6  }
0x148: {  	[tilespmem:s29+$0x2E0] =	vst v6  }
0x149: {  	v56 =	vsel vm11, $0x0, v4;
	[tilespmem:s29+$0x2D0] =	vst v6  }
0x14a: {  	(xrf2) =	vadd.scan.msk.f32 $0xffff, v56;
	[tilespmem:s29+$0x2C0] =	vst v6  }
0x14b: {  	[tilespmem:s29+$0x2B0] =	vst v6  }
0x14c: {  	v57, _, _ =	vpop (xrf2);
	[tilespmem:s29+$0x2A0] =	vst v6  }
0x14d: {  	v5 =	vbroadcast v57, $0xF;
	[tilespmem:s29+$0x290] =	vst v6  }
0x14e: {  	[tilespmem:s29+$0x280] =	vst v6  }
0x14f: {  	[tilespmem:s29+$0x270] =	vst v5  }
0x150: {  	[tilespmem:s29+$0x260] =	vst v5  }
0x151: {  	v58 =	vsel vm10, $0x0, v4;
	[tilespmem:s29+$0x250] =	vst v5  }
0x152: {  	(xrf2) =	vadd.scan.msk.f32 $0xffff, v58;
	[tilespmem:s29+$0x240] =	vst v5  }
0x153: {  	[tilespmem:s29+$0x230] =	vst v5  }
0x154: {  	[tilespmem:s29+$0x220] =	vst v5;
	v59, _, _ =	vpop (xrf2)  }
0x155: {  	[tilespmem:s29+$0x210] =	vst v5;
	v6 =	vbroadcast v59, $0xF  }
0x156: {  	[tilespmem:s29+$0x200] =	vst v5  }
0x157: {  	[tilespmem:s29+$0x1F0] =	vst v6  }
0x158: {  	[tilespmem:s29+$0x1E0] =	vst v6  }
0x159: {  	v60 =	vsel vm9, $0x0, v4;
	[tilespmem:s29+$0x1D0] =	vst v6  }
0x15a: {  	(xrf2) =	vadd.scan.msk.f32 $0xffff, v60;
	[tilespmem:s29+$0x1C0] =	vst v6  }
0x15b: {  	[tilespmem:s29+$0x1B0] =	vst v6  }
0x15c: {  	v61, _, _ =	vpop (xrf2);
	[tilespmem:s29+$0x1A0] =	vst v6  }
0x15d: {  	v5 =	vbroadcast v61, $0xF;
	[tilespmem:s29+$0x190] =	vst v6  }
0x15e: {  	[tilespmem:s29+$0x180] =	vst v6  }
0x15f: {  	[tilespmem:s29+$0x170] =	vst v5  }
0x160: {  	[tilespmem:s29+$0x160] =	vst v5  }
0x161: {  	v62 =	vsel vm8, $0x0, v4;
	[tilespmem:s29+$0x150] =	vst v5  }
0x162: {  	(xrf2) =	vadd.scan.msk.f32 $0xffff, v62;
	[tilespmem:s29+$0x140] =	vst v5  }
0x163: {  	[tilespmem:s29+$0x130] =	vst v5  }
0x164: {  	[tilespmem:s29+$0x120] =	vst v5;
	v63, _, _ =	vpop (xrf2)  }
0x165: {  	[tilespmem:s29+$0x110] =	vst v5;
	v6 =	vbroadcast v63, $0xF  }
0x166: {  	[tilespmem:s29+$0x100] =	vst v5  }
0x167: {  	[tilespmem:s29+$0xF0] =	vst v6  }
0x168: {  	[tilespmem:s29+$0xE0] =	vst v6  }
0x169: {  	v8 =	vsel vm7, $0x0, v4;
	[tilespmem:s29+$0xD0] =	vst v6  }
0x16a: {  	(xrf2) =	vadd.scan.msk.f32 $0xffff, v8;
	[tilespmem:s29+$0xC0] =	vst v6  }
0x16b: {  	[tilespmem:s29+$0xB0] =	vst v6  }
0x16c: {  	v9, _, _ =	vpop (xrf2);
	[tilespmem:s29+$0xA0] =	vst v6  }
0x16d: {  	v5 =	vbroadcast v9, $0xF;
	[tilespmem:s29+$0x90] =	vst v6  }
0x16e: {  	[tilespmem:s29+$0x80] =	vst v6  }
0x16f: {  	[tilespmem:s29+$0x70] =	vst v5  }
0x170: {  	[tilespmem:s29+$0x60] =	vst v5  }
0x171: {  	v10 =	vsel vm6, $0x0, v4;
	[tilespmem:s29+$0x50] =	vst v5  }
0x172: {  	(xrf2) =	vadd.scan.msk.f32 $0xffff, v10;
	[tilespmem:s29+$0x40] =	vst v5  }
0x173: {  	[tilespmem:s29+$0x30] =	vst v5  }
0x174: {  	[tilespmem:s29+$0x20] =	vst v5;
	v11, _, _ =	vpop (xrf2)  }
0x175: {  	[tilespmem:s29+$0x10] =	vst v5;
	v6 =	vbroadcast v11, $0xF  }
0x176: {  	[tilespmem:s29+$0x0] =	vst v5  }
0x177: {  	[tilespmem:s29+$0xFFFFFFF0] =	vst v6  }
0x178: {  	[tilespmem:s29+$0xFFFFFFE0] =	vst v6  }
0x179: {  	v12 =	vsel vm5, $0x0, v4;
	[tilespmem:s29+$0xFFFFFFD0] =	vst v6  }
0x17a: {  	(xrf2) =	vadd.scan.msk.f32 $0xffff, v12;
	[tilespmem:s29+$0xFFFFFFC0] =	vst v6  }
0x17b: {  	[tilespmem:s29+$0xFFFFFFB0] =	vst v6  }
0x17c: {  	v13, _, _ =	vpop (xrf2);
	[tilespmem:s29+$0xFFFFFFA0] =	vst v6  }
0x17d: {  	v5 =	vbroadcast v13, $0xF;
	[tilespmem:s29+$0xFFFFFF90] =	vst v6  }
0x17e: {  	[tilespmem:s29+$0xFFFFFF80] =	vst v6  }
0x17f: {  	[tilespmem:s29+$0xFFFFFF70] =	vst v5  }
0x180: {  	[tilespmem:s29+$0xFFFFFF60] =	vst v5  }
0x181: {  	v14 =	vsel vm4, $0x0, v4;
	[tilespmem:s29+$0xFFFFFF50] =	vst v5  }
0x182: {  	(xrf2) =	vadd.scan.msk.f32 $0xffff, v14;
	[tilespmem:s29+$0xFFFFFF40] =	vst v5  }
0x183: {  	[tilespmem:s29+$0xFFFFFF30] =	vst v5  }
0x184: {  	[tilespmem:s29+$0xFFFFFF20] =	vst v5;
	v15, _, _ =	vpop (xrf2)  }
0x185: {  	[tilespmem:s29+$0xFFFFFF10] =	vst v5;
	v6 =	vbroadcast v15, $0xF  }
0x186: {  	[tilespmem:s29+$0xFFFFFF00] =	vst v5  }
0x187: {  	[tilespmem:s29+$0xFFFFFEF0] =	vst v6  }
0x188: {  	[tilespmem:s29+$0xFFFFFEE0] =	vst v6  }
0x189: {  	v16 =	vsel vm3, $0x0, v4;
	[tilespmem:s29+$0xFFFFFED0] =	vst v6  }
0x18a: {  	(xrf2) =	vadd.scan.msk.f32 $0xffff, v16;
	[tilespmem:s29+$0xFFFFFEC0] =	vst v6  }
0x18b: {  	[tilespmem:s29+$0xFFFFFEB0] =	vst v6  }
0x18c: {  	v17, _, _ =	vpop (xrf2);
	[tilespmem:s29+$0xFFFFFEA0] =	vst v6  }
0x18d: {  	v5 =	vbroadcast v17, $0xF;
	[tilespmem:s29+$0xFFFFFE90] =	vst v6  }
0x18e: {  	[tilespmem:s29+$0xFFFFFE80] =	vst v6  }
0x18f: {  	[tilespmem:s29+$0xFFFFFE70] =	vst v5  }
0x190: {  	[tilespmem:s29+$0xFFFFFE60] =	vst v5  }
0x191: {  	v18 =	vsel vm2, $0x0, v4;
	[tilespmem:s29+$0xFFFFFE50] =	vst v5  }
0x192: {  	(xrf2) =	vadd.scan.msk.f32 $0xffff, v18;
	[tilespmem:s29+$0xFFFFFE40] =	vst v5  }
0x193: {  	[tilespmem:s29+$0xFFFFFE30] =	vst v5  }
0x194: {  	[tilespmem:s29+$0xFFFFFE20] =	vst v5;
	v19, _, _ =	vpop (xrf2)  }
0x195: {  	[tilespmem:s29+$0xFFFFFE10] =	vst v5;
	v6 =	vbroadcast v19, $0xF  }
0x196: {  	[tilespmem:s29+$0xFFFFFE00] =	vst v5  }
0x197: {  	[tilespmem:s29+$0xFFFFFDF0] =	vst v6  }
0x198: {  	vm1 =	vcmask $0x308;
	[tilespmem:s29+$0xFFFFFDE0] =	vst v6  }
0x199: {  	v20 =	vsel vm1, $0x0, v4;
	[tilespmem:s29+$0xFFFFFDD0] =	vst v6  }
0x19a: {  	(xrf2) =	vadd.scan.msk.f32 $0xffff, v20;
	[tilespmem:s29+$0xFFFFFDC0] =	vst v6  }
0x19b: {  	[tilespmem:s29+$0xFFFFFDB0] =	vst v6  }
0x19c: {  	v21, _, _ =	vpop (xrf2);
	[tilespmem:s29+$0xFFFFFDA0] =	vst v6  }
0x19d: {  	v5 =	vbroadcast v21, $0xF;
	[tilespmem:s29+$0xFFFFFD90] =	vst v6  }
0x19e: {  	[tilespmem:s29+$0xFFFFFD80] =	vst v6  }
0x19f: {  	[tilespmem:s29+$0xFFFFFD70] =	vst v5  }
0x1a0: {  	[tilespmem:s29+$0xFFFFFD60] =	vst v5  }
0x1a1: {  	v4 =	vnsel vm0, $0x0, v4;
	[tilespmem:s29+$0xFFFFFD50] =	vst v5  }
0x1a2: {  	(xrf2) =	vadd.scan.msk.f32 $0xffff, v4;
	[tilespmem:s29+$0xFFFFFD40] =	vst v5  }
0x1a3: {  	[tilespmem:s29+$0xFFFFFD30] =	vst v5  }
0x1a4: {  	[tilespmem:s29+$0xFFFFFD20] =	vst v5;
	v22, _, _ =	vpop (xrf2)  }
0x1a5: {  	[tilespmem:s29+$0xFFFFFD10] =	vst v5;
	v4 =	vbroadcast v22, $0xF  }
0x1a6: {  	[tilespmem:s29+$0xFFFFFD00] =	vst v5  }
0x1a7: {  	[tilespmem:s29+$0xFFFFFCF0] =	vst v4  }
0x1a8: {  	[tilespmem:s29+$0xFFFFFCE0] =	vst v4  }
0x1a9: {  	[tilespmem:s29+$0xFFFFFCD0] =	vst v4  }
0x1aa: {  	[tilespmem:s29+$0xFFFFFCC0] =	vst v4  }
0x1ab: {  	[tilespmem:s29+$0xFFFFFCB0] =	vst v4  }
0x1ac: {  	v23, _, _ =	vpop (xrf2);
	[tilespmem:s29+$0xFFFFFCA0] =	vst v4  }
0x1ad: {  	v5 =	vbroadcast v23, $0xF;
	[tilespmem:s29+$0xFFFFFC90] =	vst v4  }
0x1ae: {  	[tilespmem:s29+$0xFFFFFC80] =	vst v4  }
0x1af: {  	[tilespmem:s29+$0xFFFFFC70] =	vst v5  }
0x1b0: {  	[tilespmem:s29+$0xFFFFFC60] =	vst v5  }
0x1b1: {  	[tilespmem:s29+$0xFFFFFC50] =	vst v5  }
0x1b2: {  	[tilespmem:s29+$0xFFFFFC40] =	vst v5  }
0x1b3: {  	[tilespmem:s29+$0xFFFFFC30] =	vst v5  }
0x1b4: {  	[tilespmem:s29+$0xFFFFFC20] =	vst v5  }
0x1b5: {  	[tilespmem:s29+$0xFFFFFC10] =	vst v5  }
0x1b6: {  	[tilespmem:s29+$0xFFFFFC00] =	vst v5  }
0x1b7: {  	_ =	swait.ge [sflag:s13], $0xC000  }
0x1b8: {  	[sflag:s13] =	ssyncset.done $0x0  }
0x1b9: {  	[sflag:s13] =	ssyncadd.s32 $0xFFFF4000  }
0x1ba: {  	v3 =	vld [tilespmem:$0x0];
	_ =	sdelay $0x4  }
0x1bb: {  	v24 =	vshrl.u32 v3, $0x3  }
0x1bc: {  	v4 =	vmul.u32 $0x18, v24  }
0x1bd: {  	v3 =	vand.u32 $0x7, v3  }
0x1be: {  	v3 =	vor.u32 v3, v4  }
0x1bf: {  	v4 =	vperm.xlane v3, v0  }
0x1c0: {  	v25 =	vld [tilespmem:$0x1FFE0]  }
0x1c1: {  	v4 =	vadd.s32 v1, v4  }
0x1c2: {  	v26 =	vld [tilespmem:$0x1FFF0]  }
0x1c3: {  	v3 =	vperm.xlane v3, v2  }
0x1c4: {  	v27 =	vld [tilespmem:$0x1FFE0]  }
0x1c5: {  	vm1 =	vnez.u8 v25;
	v3 =	vadd.s32 v1, v3  }
0x1c6: {  	v28 =	vld [tilespmem:$0x1FFF0];
	[hbm4b:s2+s3] =	stream.indirect_vreg.scatter [tilespmem:s12], [sflag:$0x1], $0x80, v4, vm1, $0xb8  }
0x1c7: {  	s31 =	simm.s32 $0x4900;
	vm1 =	vnez.u8 v26  }
0x1c8: {  	[hbm4b:s8+s3] =	stream.indirect_vreg.scatter [tilespmem:s31], [sflag:$0x1], $0x80, v4, vm1, $0xb8;
	[tilespmem:$0x10100] =	vst v63  }
0x1c9: {  	s30 =	simm.s32 $0x4D00;
	vm1 =	vnez.u8 v27  }
0x1ca: {  	[hbm4b:s2+s3] =	stream.indirect_vreg.scatter [tilespmem:s30], [sflag:$0x1], $0x80, v3, vm1, $0xb8;
	[tilespmem:$0x10100] =	vst v63  }
0x1cb: {  	s31 =	simm.s32 $0x5500;
	vm1 =	vnez.u8 v28  }
0x1cc: {  	[hbm4b:s8+s3] =	stream.indirect_vreg.scatter [tilespmem:s31], [sflag:$0x1], $0x80, v3, vm1, $0xb8;
	[tilespmem:$0x10100] =	vst v63  }
0x1cd: {  	v3 =	vld [tilespmem:$0x10];
	_ =	sdelay $0x4  }
0x1ce: {  	v29 =	vshrl.u32 v3, $0x3  }
0x1cf: {  	v4 =	vmul.u32 $0x18, v29  }
0x1d0: {  	v3 =	vand.u32 $0x7, v3  }
0x1d1: {  	v3 =	vor.u32 v3, v4  }
0x1d2: {  	v4 =	vperm.xlane v3, v0  }
0x1d3: {  	v30 =	vld [tilespmem:$0x1FFE0]  }
0x1d4: {  	v4 =	vadd.s32 v1, v4  }
0x1d5: {  	v31 =	vld [tilespmem:$0x1FFF0]  }
0x1d6: {  	v3 =	vperm.xlane v3, v2  }
0x1d7: {  	v32 =	vld [tilespmem:$0x1FFE0]  }
0x1d8: {  	s30 =	simm.s32 $0x5900;
	vm1 =	vnez.u8 v30;
	v3 =	vadd.s32 v1, v3  }
0x1d9: {  	v33 =	vld [tilespmem:$0x1FFF0];
	[hbm4b:s2+s3] =	stream.indirect_vreg.scatter [tilespmem:s30], [sflag:$0x1], $0x80, v4, vm1, $0xb8  }
0x1da: {  	s31 =	simm.s32 $0x6100;
	vm1 =	vnez.u8 v31  }
0x1db: {  	[hbm4b:s8+s3] =	stream.indirect_vreg.scatter [tilespmem:s31], [sflag:$0x1], $0x80, v4, vm1, $0xb8;
	[tilespmem:$0x10100] =	vst v63  }
0x1dc: {  	s30 =	simm.s32 $0x6500;
	vm1 =	vnez.u8 v32  }
0x1dd: {  	[hbm4b:s2+s3] =	stream.indirect_vreg.scatter [tilespmem:s30], [sflag:$0x1], $0x80, v3, vm1, $0xb8;
	[tilespmem:$0x10100] =	vst v63  }
0x1de: {  	s31 =	simm.s32 $0x6D00;
	vm1 =	vnez.u8 v33  }
0x1df: {  	[hbm4b:s8+s3] =	stream.indirect_vreg.scatter [tilespmem:s31], [sflag:$0x1], $0x80, v3, vm1, $0xb8;
	[tilespmem:$0x10100] =	vst v63  }
0x1e0: {  	v3 =	vld [tilespmem:$0x20];
	_ =	sdelay $0x4  }
0x1e1: {  	v34 =	vshrl.u32 v3, $0x3  }
0x1e2: {  	v4 =	vmul.u32 $0x18, v34  }
0x1e3: {  	v3 =	vand.u32 $0x7, v3  }
0x1e4: {  	v3 =	vor.u32 v3, v4  }
0x1e5: {  	v4 =	vperm.xlane v3, v0  }
0x1e6: {  	v35 =	vld [tilespmem:$0x1FFE0]  }
0x1e7: {  	v4 =	vadd.s32 v1, v4  }
0x1e8: {  	v36 =	vld [tilespmem:$0x1FFF0]  }
0x1e9: {  	v3 =	vperm.xlane v3, v2  }
0x1ea: {  	v37 =	vld [tilespmem:$0x1FFE0]  }
0x1eb: {  	s30 =	simm.s32 $0x7100;
	vm1 =	vnez.u8 v35;
	v3 =	vadd.s32 v1, v3  }
0x1ec: {  	v38 =	vld [tilespmem:$0x1FFF0];
	[hbm4b:s2+s3] =	stream.indirect_vreg.scatter [tilespmem:s30], [sflag:$0x1], $0x80, v4, vm1, $0xb8  }
0x1ed: {  	s31 =	simm.s32 $0x7900;
	vm1 =	vnez.u8 v36  }
0x1ee: {  	[hbm4b:s8+s3] =	stream.indirect_vreg.scatter [tilespmem:s31], [sflag:$0x1], $0x80, v4, vm1, $0xb8;
	[tilespmem:$0x10100] =	vst v63  }
0x1ef: {  	s30 =	simm.s32 $0x7D00;
	vm1 =	vnez.u8 v37  }
0x1f0: {  	[hbm4b:s2+s3] =	stream.indirect_vreg.scatter [tilespmem:s30], [sflag:$0x1], $0x80, v3, vm1, $0xb8;
	[tilespmem:$0x10100] =	vst v63  }
0x1f1: {  	s31 =	simm.s32 $0x8500;
	vm1 =	vnez.u8 v38  }
0x1f2: {  	[hbm4b:s8+s3] =	stream.indirect_vreg.scatter [tilespmem:s31], [sflag:$0x1], $0x80, v3, vm1, $0xb8;
	[tilespmem:$0x10100] =	vst v63  }
0x1f3: {  	v3 =	vld [tilespmem:$0x30];
	_ =	sdelay $0x4  }
0x1f4: {  	v39 =	vshrl.u32 v3, $0x3  }
0x1f5: {  	v4 =	vmul.u32 $0x18, v39  }
0x1f6: {  	v3 =	vand.u32 $0x7, v3  }
0x1f7: {  	v3 =	vor.u32 v3, v4  }
0x1f8: {  	v4 =	vperm.xlane v3, v0  }
0x1f9: {  	v40 =	vld [tilespmem:$0x1FFE0]  }
0x1fa: {  	v4 =	vadd.s32 v1, v4  }
0x1fb: {  	v41 =	vld [tilespmem:$0x1FFF0]  }
0x1fc: {  	v3 =	vperm.xlane v3, v2  }
0x1fd: {  	v42 =	vld [tilespmem:$0x1FFE0]  }
0x1fe: {  	s30 =	simm.s32 $0x8900;
	vm1 =	vnez.u8 v40;
	v3 =	vadd.s32 v1, v3  }
0x1ff: {  	v43 =	vld [tilespmem:$0x1FFF0];
	[hbm4b:s2+s3] =	stream.indirect_vreg.scatter [tilespmem:s30], [sflag:$0x1], $0x80, v4, vm1, $0xb8  }
0x200: {  	s31 =	simm.s32 $0x9100;
	vm1 =	vnez.u8 v41  }
0x201: {  	[hbm4b:s8+s3] =	stream.indirect_vreg.scatter [tilespmem:s31], [sflag:$0x1], $0x80, v4, vm1, $0xb8;
	[tilespmem:$0x10100] =	vst v63  }
0x202: {  	s30 =	simm.s32 $0x9500;
	vm1 =	vnez.u8 v42  }
0x203: {  	[hbm4b:s2+s3] =	stream.indirect_vreg.scatter [tilespmem:s30], [sflag:$0x1], $0x80, v3, vm1, $0xb8;
	[tilespmem:$0x10100] =	vst v63  }
0x204: {  	s31 =	simm.s32 $0x9D00;
	vm1 =	vnez.u8 v43  }
0x205: {  	[hbm4b:s8+s3] =	stream.indirect_vreg.scatter [tilespmem:s31], [sflag:$0x1], $0x80, v3, vm1, $0xb8;
	[tilespmem:$0x10100] =	vst v63  }
0x206: {  	v3 =	vld [tilespmem:$0x40];
	_ =	sdelay $0x4  }
0x207: {  	v44 =	vshrl.u32 v3, $0x3  }
0x208: {  	v4 =	vmul.u32 $0x18, v44  }
0x209: {  	v3 =	vand.u32 $0x7, v3  }
0x20a: {  	v3 =	vor.u32 v3, v4  }
0x20b: {  	v4 =	vperm.xlane v3, v0  }
0x20c: {  	v45 =	vld [tilespmem:$0x1FFE0]  }
0x20d: {  	v4 =	vadd.s32 v1, v4  }
0x20e: {  	v46 =	vld [tilespmem:$0x1FFF0]  }
0x20f: {  	v3 =	vperm.xlane v3, v2  }
0x210: {  	v47 =	vld [tilespmem:$0x1FFE0]  }
0x211: {  	s30 =	simm.s32 $0xA100;
	vm1 =	vnez.u8 v45;
	v3 =	vadd.s32 v1, v3  }
0x212: {  	v48 =	vld [tilespmem:$0x1FFF0];
	[hbm4b:s2+s3] =	stream.indirect_vreg.scatter [tilespmem:s30], [sflag:$0x1], $0x80, v4, vm1, $0xb8  }
0x213: {  	s31 =	simm.s32 $0xA900;
	vm1 =	vnez.u8 v46  }
0x214: {  	[hbm4b:s8+s3] =	stream.indirect_vreg.scatter [tilespmem:s31], [sflag:$0x1], $0x80, v4, vm1, $0xb8;
	[tilespmem:$0x10100] =	vst v63  }
0x215: {  	vm1 =	vnez.u8 v47  }
0x216: {  	[hbm4b:s2+s3] =	stream.indirect_vreg.scatter [tilespmem:s1], [sflag:$0x1], $0x80, v3, vm1, $0xb8;
	[tilespmem:$0x10100] =	vst v63  }
0x217: {  	vm1 =	vnez.u8 v48  }
0x218: {  	[hbm4b:s8+s3] =	stream.indirect_vreg.scatter [tilespmem:s0], [sflag:$0x1], $0x80, v3, vm1, $0xb8;
	[tilespmem:$0x10100] =	vst v63  }
0x219: {  	v3 =	vld [tilespmem:$0x50];
	_ =	sdelay $0x4  }
0x21a: {  	v49 =	vshrl.u32 v3, $0x3  }
0x21b: {  	v4 =	vmul.u32 $0x18, v49  }
0x21c: {  	v3 =	vand.u32 $0x7, v3  }
0x21d: {  	v3 =	vor.u32 v3, v4  }
0x21e: {  	v4 =	vperm.xlane v3, v0  }
0x21f: {  	v50 =	vld [tilespmem:$0x1FFE0]  }
0x220: {  	v4 =	vadd.s32 v1, v4  }
0x221: {  	v51 =	vld [tilespmem:$0x1FFF0]  }
0x222: {  	v3 =	vperm.xlane v3, v2  }
0x223: {  	v52 =	vld [tilespmem:$0x1FFE0]  }
0x224: {  	vm1 =	vnez.u8 v50;
	v3 =	vadd.s32 v1, v3  }
0x225: {  	v53 =	vld [tilespmem:$0x1FFF0];
	[hbm4b:s2+s3] =	stream.indirect_vreg.scatter [tilespmem:s14], [sflag:$0x1], $0x80, v4, vm1, $0xb8  }
0x226: {  	vm1 =	vnez.u8 v51  }
0x227: {  	[hbm4b:s8+s3] =	stream.indirect_vreg.scatter [tilespmem:s15], [sflag:$0x1], $0x80, v4, vm1, $0xb8;
	[tilespmem:$0x10100] =	vst v63  }
0x228: {  	vm1 =	vnez.u8 v52  }
0x229: {  	[hbm4b:s2+s3] =	stream.indirect_vreg.scatter [tilespmem:s16], [sflag:$0x1], $0x80, v3, vm1, $0xb8;
	[tilespmem:$0x10100] =	vst v63  }
0x22a: {  	vm1 =	vnez.u8 v53  }
0x22b: {  	[hbm4b:s8+s3] =	stream.indirect_vreg.scatter [tilespmem:s17], [sflag:$0x1], $0x80, v3, vm1, $0xb8;
	[tilespmem:$0x10100] =	vst v63  }
0x22c: {  	v3 =	vld [tilespmem:$0x60];
	_ =	sdelay $0x4  }
0x22d: {  	v54 =	vshrl.u32 v3, $0x3  }
0x22e: {  	v4 =	vmul.u32 $0x18, v54  }
0x22f: {  	v3 =	vand.u32 $0x7, v3  }
0x230: {  	v3 =	vor.u32 v3, v4  }
0x231: {  	v4 =	vperm.xlane v3, v0  }
0x232: {  	v55 =	vld [tilespmem:$0x1FFE0]  }
0x233: {  	v4 =	vadd.s32 v1, v4  }
0x234: {  	v56 =	vld [tilespmem:$0x1FFF0]  }
0x235: {  	v3 =	vperm.xlane v3, v2  }
0x236: {  	v57 =	vld [tilespmem:$0x1FFE0]  }
0x237: {  	vm1 =	vnez.u8 v55;
	v3 =	vadd.s32 v1, v3  }
0x238: {  	v58 =	vld [tilespmem:$0x1FFF0];
	[hbm4b:s2+s3] =	stream.indirect_vreg.scatter [tilespmem:s18], [sflag:$0x1], $0x80, v4, vm1, $0xb8  }
0x239: {  	vm1 =	vnez.u8 v56  }
0x23a: {  	[hbm4b:s8+s3] =	stream.indirect_vreg.scatter [tilespmem:s19], [sflag:$0x1], $0x80, v4, vm1, $0xb8;
	[tilespmem:$0x10100] =	vst v63  }
0x23b: {  	vm1 =	vnez.u8 v57  }
0x23c: {  	[hbm4b:s2+s3] =	stream.indirect_vreg.scatter [tilespmem:s20], [sflag:$0x1], $0x80, v3, vm1, $0xb8;
	[tilespmem:$0x10100] =	vst v63  }
0x23d: {  	vm1 =	vnez.u8 v58  }
0x23e: {  	[hbm4b:s8+s3] =	stream.indirect_vreg.scatter [tilespmem:s21], [sflag:$0x1], $0x80, v3, vm1, $0xb8;
	[tilespmem:$0x10100] =	vst v63  }
0x23f: {  	v3 =	vld [tilespmem:$0x70];
	_ =	sdelay $0x4  }
0x240: {  	v59 =	vshrl.u32 v3, $0x3  }
0x241: {  	v4 =	vmul.u32 $0x18, v59  }
0x242: {  	v3 =	vand.u32 $0x7, v3  }
0x243: {  	v3 =	vor.u32 v3, v4  }
0x244: {  	v4 =	vperm.xlane v3, v0  }
0x245: {  	v60 =	vld [tilespmem:$0x1FFE0]  }
0x246: {  	v4 =	vadd.s32 v1, v4  }
0x247: {  	v61 =	vld [tilespmem:$0x1FFF0]  }
0x248: {  	v3 =	vperm.xlane v3, v2  }
0x249: {  	v62 =	vld [tilespmem:$0x1FFE0]  }
0x24a: {  	vm1 =	vnez.u8 v60;
	v3 =	vadd.s32 v1, v3  }
0x24b: {  	v63 =	vld [tilespmem:$0x1FFF0];
	[hbm4b:s2+s3] =	stream.indirect_vreg.scatter [tilespmem:s22], [sflag:$0x1], $0x80, v4, vm1, $0xb8  }
0x24c: {  	vm1 =	vnez.u8 v61  }
0x24d: {  	[hbm4b:s8+s3] =	stream.indirect_vreg.scatter [tilespmem:s23], [sflag:$0x1], $0x80, v4, vm1, $0xb8;
	[tilespmem:$0x10100] =	vst v63  }
0x24e: {  	vm1 =	vnez.u8 v62  }
0x24f: {  	[hbm4b:s2+s3] =	stream.indirect_vreg.scatter [tilespmem:s24], [sflag:$0x1], $0x80, v3, vm1, $0xb8;
	[tilespmem:$0x10100] =	vst v63  }
0x250: {  	vm1 =	vnez.u8 v63  }
0x251: {  	[hbm4b:s8+s3] =	stream.indirect_vreg.scatter [tilespmem:s25], [sflag:$0x1], $0x80, v3, vm1, $0xb8;
	[tilespmem:$0x10100] =	vst v63  }
0x252: {  	s28 =	sadd.s32 $0x1, s28  }
0x253: {  	[hbm4b:s4+s11] =	stream.indirect.scatter [tilespmem:s26], [sflag:$0x2], $0x80, s3, s11, $0xb8;
	[tilespmem:$0x10100] =	vst v63  }
0x254: {  	p0 =	sne.s32 s28, s9;
	_ =	swait.ge [sflag:s10], $0x4000  }
.Ltmp1:
0x255: {  	[sflag:s10] =	ssyncset.done $0x0;
	(pc) =	sbr.rel @p0 .LBB2_1-.Ltmp1, $4  }
0x256: {  	[sflag:s10] =	ssyncadd.s32 $0xFFFFC000  }
0x257: {  	_ =	swait.ge [sflag:s13], $0xC000  }
0x258: {  	[sflag:s13] =	ssyncset.done $0x0  }
0x259: {  	[sflag:s13] =	ssyncadd.s32 $0xFFFF4000  }
0x25a: {  	_ =	sfence.sel $0x180000  }
0x25b: {  	[bflag:$0x0] =	sbarrier.arrive $0xFFFF  }
0x25c: {  	_ =	strace $0x90000047  }
0x25d: {  	s0 =	stileid.u32;
	[bflag:$0x2] =	sbarrier.arrive $0xFFFF  }
0x25e: {  	p0 =	sne.s32 s0, $0x0;
	s0 =	rddreg [dreg:$0x2]  }
0x25f: {  	s0 =	sadd.s32 @!p0 $0x100000, s0  }
0x260: {  	[sflag:s0] =	ssyncadd.tile.s32 @!p0 $0x1;
	_ =	shalt  }
.Lfunc_end2:
_tile_overlayer_lowered:
.L_overlay_start_2:
0x261: {  	(tag) =	ssettag $0x2  }
0x262: {  	s0 =	rddreg [dreg:$0x0];
	s2 =	stileid.u32  }
0x263: {  	s1 =	rddreg [dreg:$0x1];
	p0 =	sne.s32 s2, $0x0  }
0x264: {  	s3 =	rddreg [dreg:$0x2];
	[bflag:$0x3] =	sbarrier.arrive $0xFFFF;
	s2 =	simm.s32 @!p0 $0x1C02  }
0x265: {  	[timem:s3], [sflag:s2] =	dma.local @!p0 [hbm:s0], s1  }
0x266: {  	s0 =	simm.s32 @!p0 $0x2  }
0x267: {  	_ =	swait.ge @!p0 [sflag:s0], s1  }
0x268: {  	s1 =	ssub.s32 @!p0 $0x0, s1;
	[sflag:s0] =	ssyncset.done @!p0 $0x0  }
0x269: {  	[sflag:s0] =	ssyncadd.s32 @!p0 s1  }
0x26a: {  	[bflag:$0x3] =	sbarrier.arrive $0xFFFF  }
0x26b: {  	_ =	shalt  }

// kernel: kernel.9.cloned.1.call-start
scs
__scs_entry_jumppad:
0x0: {  	(pc) =	sbr.rel $0x88, $3  }
0x1: {  	(tag) =	ssettag $0x0;
	lr =	simm.s32 $0x1  }
0x2: {  	[smem:$0x3F9B] =	sst lr;
	_ =	strace $0xD0000000  }
0x3: {  	_ = 	snop  }
0x4: {  	_ = 	snop  }
0x5: {  	_ = 	snop  }
0x6: {  	_ = 	snop  }
0x7: {  	_ = 	snop  }
__scs_overlays_trampoline_lowered:
0x8: {  	[smem:$0x3FAA] =	sst s0  }
0x9: {  	[smem:$0x3FAB] =	sst s1  }
0xa: {  	[smem:$0x3FAC] =	sst s2  }
0xb: {  	[smem:$0x3FAD] =	sst s3  }
0xc: {  	[smem:$0x3FAE] =	sst s4  }
0xd: {  	[smem:$0x3FAF] =	sst s5  }
0xe: {  	[smem:$0x3FB0] =	sst s6  }
0xf: {  	[smem:$0x3FB1] =	sst s7  }
0x10: {  	[smem:$0x3FB2] =	sst s8  }
0x11: {  	[smem:$0x3FB3] =	sst s9;
	s0 =	simm.s32 @!p0 $0x0  }
0x12: {  	s1 =	sld [smem:$0x3F99];
	s0 =	simm.s32 @p0 $0x1  }
0x13: {  	[smem:$0x3FB4] =	sst s0;
	s0 =	simm.s32 @!p1 $0x0  }
0x14: {  	s2 =	sld [smem:$0x3F98];
	s0 =	simm.s32 @p1 $0x1  }
0x15: {  	[smem:$0x3FB5] =	sst s0;
	s0 =	simm.s32 @!p2 $0x0  }
0x16: {  	s3 =	sld [smem:$0x3FDB];
	s0 =	simm.s32 @p2 $0x1  }
0x17: {  	s4 =	simm.s32 $0x1BF5;
	[smem:$0x3FB7] =	sst s0  }
0x18: {  	s0 =	sld [smem:$0x3F9A];
	_ =	swait.ge [sflag:s4], $0x0  }
0x19: {  	s7 =	sld [smem:$0x3F9B]  }
0x1a: {  	s8 =	sadd.s32 $0xFFFFE003, lr  }
0x1b: {  	s9 =	sadd.s32 $0xFFFFFEF7, lr;
	s5 =	simm.s32 $0xFFFFFFFF;
	p2 =	slt.u32 s8, $0xFFFFF086  }
0x1c: {  	p1 =	slt.u32 s9, $0xF7A;
	s5 =	simm.s32 @!p2 $0x0  }
0x1d: {  	s5 =	simm.s32 @p1 $0x1;
	p0 =	seq.s32 s7, s2  }
0x1e: {  	s7 =	smul.u32 @!p0 $0xF7A, s2;
	p2 =	seq.s32 @!p0 s5, $0x0  }
0x1f: {  	s9 =	smul.u32 $0xF7A, s1;
	s8 =	simm.s32 @!p0 $0x1BF5;
	p2 =	por !p2, p0  }
0x20: {  	[sflag:s8] =	ssyncset.s32 @!p0 $0xFFFFF086;
	s6 =	sadd.s32 @!p0 s3, s7;
	s7 =	simm.s32 @!p0 $0x108  }
0x21: {  	s3 =	sadd.s32 s3, s9;
	s6 =	sadd.s32 @!p0 $0x88, s6;
	s7 =	simm.s32 @p2 $0x1082  }
0x22: {  	[simem:s7], [sflag:s8] =	dma.local @!p0 [hbm:s6], $0xF7A  }
0x23: {  	s9 =	sor.u32 $0xD0000000, s2;
	s6 =	simm.s32 $0x108;
	_ =	swait.ge @!p0 [sflag:s8], $0x0  }
0x24: {  	s3 =	sadd.s32 $0x88, s3;
	s6 =	simm.s32 @!p1 $0x1082;
	[sflag:s4] =	ssyncset.s32 $0xFFFFF086  }
0x25: {  	[simem:s6], [sflag:s4] =	dma.local [hbm:s3], $0xF7A  }
0x26: {  	[smem:$0x3F9B] =	sst s1;
	(tag) =	ssettag s2;
	_ =	strace s9  }
0x27: {  	s1 =	sld [smem:$0x3FAB]  }
0x28: {  	s2 =	sld [smem:$0x3FAC]  }
0x29: {  	s4 =	sld [smem:$0x3FAE]  }
0x2a: {  	p0 =	seq.s32 s5, $0x0;
	s5 =	sld [smem:$0x3FAF]  }
0x2b: {  	s6 =	sld [smem:$0x3FB0]  }
0x2c: {  	s7 =	sld [smem:$0x3FB1]  }
0x2d: {  	s3 =	simm.s32 $0x108;
	s8 =	sld [smem:$0x3FB2]  }
0x2e: {  	s3 =	simm.s32 @!p0 $0x1082;
	s9 =	sld [smem:$0x3FB3]  }
0x2f: {  	lr =	sadd.s32 s0, s3;
	s0 =	sld [smem:$0x3FAA]  }
0x30: {  	s3 =	sld [smem:$0x3FAD]  }
0x31: {  	[smem:$0x3FB6] =	sst s10  }
0x32: {  	s10 =	sld [smem:$0x3FB4];
	_ =	sdelay $0x3  }
0x33: {  	p0 =	seq.s32 s10, $0x1;
	s10 =	sld [smem:$0x3FB6];
	_ =	sdelay $0x3  }
0x34: {  	[smem:$0x3FB6] =	sst s10  }
0x35: {  	s10 =	sld [smem:$0x3FB5];
	_ =	sdelay $0x3  }
0x36: {  	p1 =	seq.s32 s10, $0x1;
	s10 =	sld [smem:$0x3FB6];
	_ =	sdelay $0x3  }
0x37: {  	[smem:$0x3FB6] =	sst s10  }
0x38: {  	s10 =	sld [smem:$0x3FB7]  }
0x39: {  	_ = 	snop;
	(pc) =	sbr.ind lr, $3  }
0x3a: {  	_ = 	snop  }
0x3b: {  	_ = 	snop  }
0x3c: {  	p2 =	seq.s32 s10, $0x1;
	s10 =	sld [smem:$0x3FB6]  }
0x3d: {  	_ =	shalt  }
0x3e: {  	_ =	shalt  }
0x3f: {  	_ =	shalt  }
0x40: {  	_ =	shalt  }
0x41: {  	_ =	shalt  }
0x42: {  	_ =	shalt  }
0x43: {  	_ =	shalt  }
0x44: {  	_ =	shalt  }
0x45: {  	_ =	shalt  }
0x46: {  	_ =	shalt  }
0x47: {  	_ =	shalt  }
0x48: {  	_ =	shalt  }
0x49: {  	_ =	shalt  }
0x4a: {  	_ =	shalt  }
0x4b: {  	_ =	shalt  }
0x4c: {  	_ =	shalt  }
0x4d: {  	_ =	shalt  }
0x4e: {  	_ =	shalt  }
0x4f: {  	_ =	shalt  }
0x50: {  	_ =	shalt  }
0x51: {  	_ =	shalt  }
0x52: {  	_ =	shalt  }
0x53: {  	_ =	shalt  }
0x54: {  	_ =	shalt  }
0x55: {  	_ =	shalt  }
0x56: {  	_ =	shalt  }
0x57: {  	_ =	shalt  }
0x58: {  	_ =	shalt  }
0x59: {  	_ =	shalt  }
0x5a: {  	_ =	shalt  }
0x5b: {  	_ =	shalt  }
0x5c: {  	_ =	shalt  }
0x5d: {  	_ =	shalt  }
0x5e: {  	_ =	shalt  }
0x5f: {  	_ =	shalt  }
0x60: {  	_ =	shalt  }
0x61: {  	_ =	shalt  }
0x62: {  	_ =	shalt  }
0x63: {  	_ =	shalt  }
0x64: {  	_ =	shalt  }
0x65: {  	_ =	shalt  }
0x66: {  	_ =	shalt  }
0x67: {  	_ =	shalt  }
0x68: {  	_ =	shalt  }
0x69: {  	_ =	shalt  }
0x6a: {  	_ =	shalt  }
0x6b: {  	_ =	shalt  }
0x6c: {  	_ =	shalt  }
0x6d: {  	_ =	shalt  }
0x6e: {  	_ =	shalt  }
0x6f: {  	_ =	shalt  }
0x70: {  	_ =	shalt  }
0x71: {  	_ =	shalt  }
0x72: {  	_ =	shalt  }
0x73: {  	_ =	shalt  }
0x74: {  	_ =	shalt  }
0x75: {  	_ =	shalt  }
0x76: {  	_ =	shalt  }
0x77: {  	_ =	shalt  }
0x78: {  	_ =	shalt  }
0x79: {  	_ =	shalt  }
0x7a: {  	_ =	shalt  }
0x7b: {  	_ =	shalt  }
0x7c: {  	_ =	shalt  }
0x7d: {  	_ =	shalt  }
0x7e: {  	_ =	shalt  }
0x7f: {  	_ =	shalt  }
0x80: {  	_ =	shalt  }
0x81: {  	_ =	shalt  }
0x82: {  	_ =	shalt  }
0x83: {  	_ =	shalt  }
0x84: {  	_ =	shalt  }
0x85: {  	_ =	shalt  }
0x86: {  	_ =	shalt  }
0x87: {  	_ =	shalt  }
.Lfunc_end0:
.L_simem_size_0:
called_computation.1_lowered:
.L_overlay_start_0:
0x88: {  	s2 =	sld [smem:$0x3FD9]  }
0x89: {  	s3 =	sld [smem:$0x3FFE];
	_ =	sdelay $0x1  }
0x8a: {  	s1 =	srdreg.scid  }
0x8b: {  	s0 =	sand.u32 $0x1, s1  }
0x8c: {  	s17 =	sshll.u32 s0, $0xA;
	s2 =	sadd.s32 s3, s2  }
0x8d: {  	s2 =	sadd.s32 s2, s17  }
0x8e: {  	[smem:$0x3FC2] =	sst s2  }
0x8f: {  	_ = 	snop  }
0x90: {  	s2 =	sld [smem:$0x3FD0];
	(tm) =	ssettm $0x1  }
0x91: {  	s18 =	sld [smem:$0x3FFB];
	_ =	sdelay $0x3  }
0x92: {  	_ =	strace s18  }
0x93: {  	s3 =	sld [smem:$0x3FFC];
	_ =	sdelay $0x3  }
0x94: {  	_ =	strace s3  }
0x95: {  	s3 =	sld [smem:$0x3FFD];
	_ =	sdelay $0x3  }
0x96: {  	_ =	strace s3  }
0x97: {  	_ =	strace $0x8FFFFFFF  }
0x98: {  	s19 =	sld [smem:$0x3FDB];
	_ =	sdelay $0x1  }
0x99: {  	s4 =	simm.s32 $_scs_section_size  }
0x9a: {  	s5 =	simm.s32 $_size__tile_overlayer_lowered;
	s6 =	simm.s32 $_tile_overlayer_lowered  }
0x9b: {  	s22 =	simm.s32 $0x1BFF;
	s21 =	sshll.u32 s6, $0x1;
	s3 =	sadd.s32 s4, s19  }
0x9c: {  	s7 =	simm.s32 $0x0;
	s20 =	sshll.u32 s5, $0x1;
	s5 =	sadd.s32 s21, s3  }
0x9d: {  	[timem:s7], [sflag:s22] =	dma.local [hbm:s5], s20  }
0x9e: {  	_ =	swait.ge [sflag:s22], s20  }
0x9f: {  	s4 =	ssub.s32 $0x0, s20;
	[sflag:s22] =	ssyncset.done $0x0  }
0xa0: {  	[sflag:s22] =	ssyncadd.s32 s4;
	_ =	sdelay $0x1  }
0xa1: {  	s23 =	simm.s32 $0x1B8B  }
0xa2: {  	_ =	swait.ge [sflag:s23], $0x1  }
0xa3: {  	[sflag:s23] =	ssyncset.done $0x0  }
0xa4: {  	s25 =	simm.s32 $0x1B8E;
	s24 =	sld [smem:$0x3FFE];
	[sflag:s23] =	ssyncadd.s32 $0xFFFFFFFF  }
0xa5: {  	s26 =	simm.s32 $execute0_lowered;
	[smem:$0x3FD2] =	sst s25  }
0xa6: {  	s5 =	sshll.u32 s26, $0x1;
	_ =	strace $0x80000049;
	[dreg:$0x1] =	wrdreg $0xFFFFFFFF  }
0xa7: {  	s28 =	simm.s32 $_size_execute0_lowered;
	s3 =	sadd.s32 s3, s5;
	[dreg:$0x0] =	wrdreg $0x0  }
0xa8: {  	s5 =	sshll.u32 s28, $0x1;
	[dreg:$0x2] =	wrdreg s3  }
0xa9: {  	[dreg:$0x3] =	wrdreg s5  }
0xaa: {  	[dreg:$0x4] =	wrdreg $0xC0  }
0xab: {  	_ =	task [dreg:s7], $0x5FFFF  }
0xac: {  	[dreg:$0x1] =	wrdreg $0xFFFFFFFF  }
0xad: {  	[dreg:$0x0] =	wrdreg $0x60  }
0xae: {  	[dreg:$0x2] =	wrdreg s24  }
0xaf: {  	[dreg:$0x3] =	wrdreg s2  }
0xb0: {  	[dreg:$0x4] =	wrdreg $0x9  }
0xb1: {  	_ =	task.clear_ibuf [dreg:s7], $0x5FFFF;
	_ =	strace $0x90000049  }
0xb2: {  	s29 =	simm.s32 $0x9;
	_ =	strace $0x8000004B  }
0xb3: {  	_ =	swait.ge [sflag:s29], $0x1  }
0xb4: {  	[sflag:s29] =	ssyncadd.s32 $0xFFFFFFFF  }
0xb5: {  	_ =	strace $0x9000004B  }
0xb6: {  	_ =	sfence  }
0xb7: {  	s30 =	sld [smem:$0x0];
	_ =	sdelay $0x2  }
0xb8: {  	s31 =	sshll.u32 s1, $0xD;
	s1 =	sshrl.u32 s1, $0x2  }
0xb9: {  	s3 =	sand.u32 $0x4000, s31;
	s1 =	sadd.s32 s1, s30  }
0xba: {  	s0 =	sor.u32 s3, s0;
	s1 =	sshll.u32 s1, $0x11  }
0xbb: {  	s0 =	sor.u32 s1, s0  }
0xbc: {  	s0 =	sadd.s32 $0x8F2B, s0  }
0xbd: {  	[sflag:s0] =	ssyncadd.remote.s32 $0x1  }
0xbe: {  	_ =	sfence.sel $0xFFFF  }
0xbf: {  	[dreg:$0x0] =	wrdreg $0xFFFFFFFF;
	(pc) =	sbr.abs _section_cstart, $3  }
0xc0: {  	[dreg:$0x1] =	wrdreg $0xFFFFFFFF  }
0xc1: {  	_ =	task.clear_ibuf [dreg:s7], $0x2FFFF;
	_ =	strace $0x9FFFFFFF  }
0xc2: {  	(tm) =	ssettm $0x7FFFFFFF  }
0xc3: {  	_ =	shalt  }
tec
execute0_lowered:
.L_overlay_start_1:
0x0: {  	(tag) =	ssettag $0x1  }
0x1: {  	s1 =	srdreg.scid;
	s0 =	stileid.u32  }
0x2: {  	s5 =	rddreg [dreg:$0x0];
	s1 =	sand.u32 $0x1, s1;
	s2 =	sshll.u32 s0, $0x1  }
0x3: {  	s3 =	rddreg [dreg:$0x1];
	s4 =	sor.u32 s1, s2;
	s2 =	simm.s32 $0x0  }
0x4: {  	s25 =	simm.s32 $0x880;
	[smem:$0x7FF] =	sst s2  }
0x5: {  	s26 =	simm.s32 $0x1080;
	_ =	strace $0x8000004A;
	[dreg:$0x5] =	wrdreg s25  }
0x6: {  	s0 =	simm.s32 $0x1880;
	[dreg:$0x6] =	wrdreg s26  }
0x7: {  	s7 =	simm.s32 $0x3080;
	[dreg:$0x7] =	wrdreg s0  }
0x8: {  	s8 =	simm.s32 $0x3880;
	[dreg:$0xa] =	wrdreg s7  }
0x9: {  	s9 =	simm.s32 $0x4080;
	[dreg:$0xb] =	wrdreg s8  }
0xa: {  	s10 =	simm.s32 $0x4880;
	[dreg:$0xc] =	wrdreg s9  }
0xb: {  	s11 =	simm.s32 $0x5080;
	[dreg:$0xd] =	wrdreg s10  }
0xc: {  	s12 =	simm.s32 $0x5880;
	[dreg:$0xe] =	wrdreg s11  }
0xd: {  	s13 =	simm.s32 $0x6080;
	[dreg:$0xf] =	wrdreg s12  }
0xe: {  	s14 =	simm.s32 $0x6880;
	s15 =	simm.s32 $0x7080;
	[dreg:$0x10] =	wrdreg s13  }
0xf: {  	s16 =	simm.s32 $0x7880;
	s17 =	simm.s32 $0x8080;
	[dreg:$0x11] =	wrdreg s14  }
0x10: {  	s18 =	simm.s32 $0x8880;
	s19 =	simm.s32 $0x9080;
	[dreg:$0x12] =	wrdreg s15  }
0x11: {  	s21 =	simm.s32 $0x9880;
	s22 =	simm.s32 $0xA080;
	[dreg:$0x13] =	wrdreg s16  }
0x12: {  	s23 =	simm.s32 $0xA880;
	s24 =	simm.s32 $0xB880;
	[dreg:$0x14] =	wrdreg s17  }
0x13: {  	s28 =	simm.s32 $0x16080;
	s29 =	simm.s32 $0x16880;
	[dreg:$0x15] =	wrdreg s18  }
0x14: {  	s30 =	simm.s32 $0x17080;
	s31 =	simm.s32 $0x17880;
	[dreg:$0x16] =	wrdreg s19  }
0x15: {  	s1 =	ssub.s32 $0x2, s1;
	s6 =	sshll.u32 s4, $0x4;
	[dreg:$0x17] =	wrdreg s21  }
0x16: {  	s4 =	smul.u32 $0x3000, s4;
	s20 =	sshrl.u32 s1, $0x1;
	[dreg:$0x18] =	wrdreg s22  }
0x17: {  	s6 =	sadd.s32 s6, s5;
	s1 =	ssub.s32 s1, s20;
	[dreg:$0x19] =	wrdreg s23  }
0x18: {  	s7 =	simm.s32 $0xB080;
	[dreg:$0x1b] =	wrdreg s24;
	s25 =	simm.s32 $0xC080  }
0x19: {  	s8 =	simm.s32 $0x80;
	s26 =	simm.s32 $0xC880;
	s10 =	simm.s32 $0xD880  }
0x1a: {  	s11 =	simm.s32 $0xE080;
	s12 =	simm.s32 $0xE880;
	s13 =	simm.s32 $0xF080  }
0x1b: {  	s14 =	simm.s32 $0xF880;
	s15 =	simm.s32 $0x10080;
	s16 =	simm.s32 $0x10880  }
0x1c: {  	s17 =	simm.s32 $0x11080;
	s18 =	simm.s32 $0x11880;
	s19 =	simm.s32 $0x12080  }
0x1d: {  	s20 =	simm.s32 $0x12880;
	s21 =	simm.s32 $0x13080;
	[dreg:$0x1a] =	wrdreg s7  }
0x1e: {  	s22 =	simm.s32 $0x13880;
	s23 =	simm.s32 $0x14080;
	[dreg:$0x1c] =	wrdreg s25  }
0x1f: {  	s24 =	simm.s32 $0x14880;
	s6 =	sadd.s32 $0x31E00, s6;
	[dreg:$0x1d] =	wrdreg s26  }
0x20: {  	s3 =	sadd.s32 s3, s4;
	s4 =	simm.s32 $0x2080;
	[dreg:$0x3] =	wrdreg s6  }
0x21: {  	s7 =	simm.s32 $0x2;
	s25 =	simm.s32 $0x15080;
	[dreg:$0x4] =	wrdreg s3  }
0x22: {  	v2 =	vlaneseq.u32;
	s26 =	simm.s32 $0x15880;
	[dreg:$0x8] =	wrdreg s4;
	s6 =	simm.s32 $0x2880  }
0x23: {  	vm0 =	vmmov $0xffff;
	v1 =	vshrl.u32 v2, $0x3;
	s3 =	sadd.s32 $0x32000, s5;
	s4 =	sadd.s32 $0x32100, s5;
	s5 =	sadd.s32 $0x32200, s5  }
0x24: {  	v0 =	vand.u32 $0x7, v2;
	v2 =	vor.u32 $0x8, v2;
	v1 =	vmul.u32 $0x8, v1;
	[dreg:$0x9] =	wrdreg s6;
	s6 =	smax.u32 s1, $0x1;
	s1 =	simm.s32 $0x1  }
.LBB2_1:
0x25: {  	s0 =	rddreg [dreg:$0x3]  }
0x26: {  	[tilespmem:s2], [sflag:$0x2] =	stream.linear.gather [hbm4b:s0+s2], $0x80, $0x38;
	[tilespmem:$0x18080] =	vst v63  }
0x27: {  	_ =	swait.ge [sflag:s7], $0x80  }
0x28: {  	[sflag:s7] =	ssyncset.done $0x0  }
0x29: {  	[sflag:s7] =	ssyncadd.s32 $0xFFFFFF80  }
0x2a: {  	v3 =	vld [tilespmem:$0x0];
	_ =	sdelay $0x3  }
0x2b: {  	v4 =	vld [tilespmem:$0x10]  }
0x2c: {  	v5 =	vld [tilespmem:$0x20];
	vm1 =	vlt.s32 v3, $0x0  }
0x2d: {  	v6 =	vld [tilespmem:$0x30];
	v3 =	vsel vm1, $0x1400, v3  }
0x2e: {  	v7 =	vld [tilespmem:$0x40];
	v8 =	vshrl.u32 v3, $0x3  }
0x2f: {  	v9 =	vld [tilespmem:$0x50];
	v8 =	vmul.u32 $0x30, v8  }
0x30: {  	v10 =	vld [tilespmem:$0x60];
	vm1 =	vlt.s32 v4, $0x0;
	v11 =	vand.u32 $0x7, v3  }
0x31: {  	v55 =	vld [tilespmem:$0x70];
	[tilespmem:$0x0] =	vst v3;
	v3 =	vsel vm1, $0x1400, v4;
	vm1 =	vlt.s32 v5, $0x0;
	v54 =	vor.u32 v11, v8  }
0x32: {  	[tilespmem:$0x10] =	vst v3;
	v3 =	vsel vm1, $0x1400, v5;
	vm1 =	vlt.s32 v6, $0x0;
	v56 =	vperm.xlane v54, v0  }
0x33: {  	[tilespmem:$0x20] =	vst v3;
	v3 =	vsel vm1, $0x1400, v6;
	vm1 =	vlt.s32 v7, $0x0  }
0x34: {  	[tilespmem:$0x30] =	vst v3;
	v3 =	vsel vm1, $0x1400, v7;
	vm1 =	vlt.s32 v9, $0x0;
	v5 =	vadd.s32 v1, v56  }
0x35: {  	[tilespmem:$0x40] =	vst v3;
	v3 =	vsel vm1, $0x1400, v9;
	vm1 =	vlt.s32 v10, $0x0  }
0x36: {  	[tilespmem:$0x50] =	vst v3;
	v3 =	vsel vm1, $0x1400, v10;
	vm1 =	vlt.s32 v55, $0x0  }
0x37: {  	[tilespmem:$0x60] =	vst v3;
	v3 =	vsel vm1, $0x1400, v55  }
0x38: {  	[tilespmem:$0x70] =	vst v3;
	v3 =	vperm.xlane v54, v2  }
0x39: {  	[tilespmem:s8], [sflag:$0x1] =	stream.indirect_vreg.gather [hbm4b:s3+s2], $0x80, v5, vm0, $0xb8;
	[tilespmem:$0x18080] =	vst v63  }
0x3a: {  	s0 =	rddreg [dreg:$0x5];
	v3 =	vadd.s32 v1, v3  }
0x3b: {  	[tilespmem:s0], [sflag:$0x1] =	stream.indirect_vreg.gather [hbm4b:s4+s2], $0x80, v5, vm0, $0xb8;
	[tilespmem:$0x18080] =	vst v63  }
0x3c: {  	s9 =	rddreg [dreg:$0x6]  }
0x3d: {  	[tilespmem:s9], [sflag:$0x1] =	stream.indirect_vreg.gather [hbm4b:s5+s2], $0x80, v5, vm0, $0xb8;
	[tilespmem:$0x18080] =	vst v63  }
0x3e: {  	s0 =	rddreg [dreg:$0x7]  }
0x3f: {  	[tilespmem:s0], [sflag:$0x1] =	stream.indirect_vreg.gather [hbm4b:s3+s2], $0x80, v3, vm0, $0xb8;
	[tilespmem:$0x18080] =	vst v63  }
0x40: {  	s9 =	rddreg [dreg:$0x8]  }
0x41: {  	[tilespmem:s9], [sflag:$0x1] =	stream.indirect_vreg.gather [hbm4b:s4+s2], $0x80, v3, vm0, $0xb8;
	[tilespmem:$0x18080] =	vst v63  }
0x42: {  	s0 =	rddreg [dreg:$0x9]  }
0x43: {  	[tilespmem:s0], [sflag:$0x1] =	stream.indirect_vreg.gather [hbm4b:s5+s2], $0x80, v3, vm0, $0xb8;
	[tilespmem:$0x18080] =	vst v63  }
0x44: {  	v3 =	vld [tilespmem:$0x10];
	_ =	sdelay $0x4  }
0x45: {  	v57 =	vshrl.u32 v3, $0x3  }
0x46: {  	v4 =	vmul.u32 $0x30, v57  }
0x47: {  	v3 =	vand.u32 $0x7, v3  }
0x48: {  	v3 =	vor.u32 v3, v4  }
0x49: {  	v4 =	vperm.xlane v3, v0;
	_ =	sdelay $0x1  }
0x4a: {  	v4 =	vadd.s32 v1, v4;
	_ =	sdelay $0x3  }
0x4b: {  	s0 =	rddreg [dreg:$0xa];
	v3 =	vperm.xlane v3, v2  }
0x4c: {  	[tilespmem:s0], [sflag:$0x1] =	stream.indirect_vreg.gather [hbm4b:s3+s2], $0x80, v4, vm0, $0xb8;
	[tilespmem:$0x18080] =	vst v63  }
0x4d: {  	s9 =	rddreg [dreg:$0xb];
	v3 =	vadd.s32 v1, v3  }
0x4e: {  	[tilespmem:s9], [sflag:$0x1] =	stream.indirect_vreg.gather [hbm4b:s4+s2], $0x80, v4, vm0, $0xb8;
	[tilespmem:$0x18080] =	vst v63  }
0x4f: {  	s0 =	rddreg [dreg:$0xc]  }
0x50: {  	[tilespmem:s0], [sflag:$0x1] =	stream.indirect_vreg.gather [hbm4b:s5+s2], $0x80, v4, vm0, $0xb8;
	[tilespmem:$0x18080] =	vst v63  }
0x51: {  	s9 =	rddreg [dreg:$0xd]  }
0x52: {  	[tilespmem:s9], [sflag:$0x1] =	stream.indirect_vreg.gather [hbm4b:s3+s2], $0x80, v3, vm0, $0xb8;
	[tilespmem:$0x18080] =	vst v63  }
0x53: {  	s0 =	rddreg [dreg:$0xe]  }
0x54: {  	[tilespmem:s0], [sflag:$0x1] =	stream.indirect_vreg.gather [hbm4b:s4+s2], $0x80, v3, vm0, $0xb8;
	[tilespmem:$0x18080] =	vst v63  }
0x55: {  	s9 =	rddreg [dreg:$0xf]  }
0x56: {  	[tilespmem:s9], [sflag:$0x1] =	stream.indirect_vreg.gather [hbm4b:s5+s2], $0x80, v3, vm0, $0xb8;
	[tilespmem:$0x18080] =	vst v63  }
0x57: {  	v3 =	vld [tilespmem:$0x20];
	_ =	sdelay $0x4  }
0x58: {  	v58 =	vshrl.u32 v3, $0x3  }
0x59: {  	v4 =	vmul.u32 $0x30, v58  }
0x5a: {  	v3 =	vand.u32 $0x7, v3  }
0x5b: {  	v3 =	vor.u32 v3, v4  }
0x5c: {  	v4 =	vperm.xlane v3, v0;
	_ =	sdelay $0x1  }
0x5d: {  	v4 =	vadd.s32 v1, v4;
	_ =	sdelay $0x3  }
0x5e: {  	s0 =	rddreg [dreg:$0x10];
	v3 =	vperm.xlane v3, v2  }
0x5f: {  	[tilespmem:s0], [sflag:$0x1] =	stream.indirect_vreg.gather [hbm4b:s3+s2], $0x80, v4, vm0, $0xb8;
	[tilespmem:$0x18080] =	vst v63  }
0x60: {  	s9 =	rddreg [dreg:$0x11];
	v3 =	vadd.s32 v1, v3  }
0x61: {  	[tilespmem:s9], [sflag:$0x1] =	stream.indirect_vreg.gather [hbm4b:s4+s2], $0x80, v4, vm0, $0xb8;
	[tilespmem:$0x18080] =	vst v63  }
0x62: {  	s0 =	rddreg [dreg:$0x12]  }
0x63: {  	[tilespmem:s0], [sflag:$0x1] =	stream.indirect_vreg.gather [hbm4b:s5+s2], $0x80, v4, vm0, $0xb8;
	[tilespmem:$0x18080] =	vst v63  }
0x64: {  	s9 =	rddreg [dreg:$0x13]  }
0x65: {  	[tilespmem:s9], [sflag:$0x1] =	stream.indirect_vreg.gather [hbm4b:s3+s2], $0x80, v3, vm0, $0xb8;
	[tilespmem:$0x18080] =	vst v63  }
0x66: {  	s0 =	rddreg [dreg:$0x14]  }
0x67: {  	[tilespmem:s0], [sflag:$0x1] =	stream.indirect_vreg.gather [hbm4b:s4+s2], $0x80, v3, vm0, $0xb8;
	[tilespmem:$0x18080] =	vst v63  }
0x68: {  	s9 =	rddreg [dreg:$0x15]  }
0x69: {  	[tilespmem:s9], [sflag:$0x1] =	stream.indirect_vreg.gather [hbm4b:s5+s2], $0x80, v3, vm0, $0xb8;
	[tilespmem:$0x18080] =	vst v63  }
0x6a: {  	v3 =	vld [tilespmem:$0x30];
	_ =	sdelay $0x4  }
0x6b: {  	v59 =	vshrl.u32 v3, $0x3  }
0x6c: {  	v4 =	vmul.u32 $0x30, v59  }
0x6d: {  	v3 =	vand.u32 $0x7, v3  }
0x6e: {  	v3 =	vor.u32 v3, v4  }
0x6f: {  	v4 =	vperm.xlane v3, v0;
	_ =	sdelay $0x1  }
0x70: {  	v4 =	vadd.s32 v1, v4;
	_ =	sdelay $0x3  }
0x71: {  	s0 =	rddreg [dreg:$0x16];
	v3 =	vperm.xlane v3, v2  }
0x72: {  	[tilespmem:s0], [sflag:$0x1] =	stream.indirect_vreg.gather [hbm4b:s3+s2], $0x80, v4, vm0, $0xb8;
	[tilespmem:$0x18080] =	vst v63  }
0x73: {  	s9 =	rddreg [dreg:$0x17];
	v3 =	vadd.s32 v1, v3  }
0x74: {  	[tilespmem:s9], [sflag:$0x1] =	stream.indirect_vreg.gather [hbm4b:s4+s2], $0x80, v4, vm0, $0xb8;
	[tilespmem:$0x18080] =	vst v63  }
0x75: {  	s0 =	rddreg [dreg:$0x18]  }
0x76: {  	[tilespmem:s0], [sflag:$0x1] =	stream.indirect_vreg.gather [hbm4b:s5+s2], $0x80, v4, vm0, $0xb8;
	[tilespmem:$0x18080] =	vst v63  }
0x77: {  	s9 =	rddreg [dreg:$0x19]  }
0x78: {  	[tilespmem:s9], [sflag:$0x1] =	stream.indirect_vreg.gather [hbm4b:s3+s2], $0x80, v3, vm0, $0xb8;
	[tilespmem:$0x18080] =	vst v63  }
0x79: {  	s0 =	rddreg [dreg:$0x1a]  }
0x7a: {  	[tilespmem:s0], [sflag:$0x1] =	stream.indirect_vreg.gather [hbm4b:s4+s2], $0x80, v3, vm0, $0xb8;
	[tilespmem:$0x18080] =	vst v63  }
0x7b: {  	s9 =	rddreg [dreg:$0x1b]  }
0x7c: {  	[tilespmem:s9], [sflag:$0x1] =	stream.indirect_vreg.gather [hbm4b:s5+s2], $0x80, v3, vm0, $0xb8;
	[tilespmem:$0x18080] =	vst v63  }
0x7d: {  	v3 =	vld [tilespmem:$0x40];
	_ =	sdelay $0x4  }
0x7e: {  	v60 =	vshrl.u32 v3, $0x3  }
0x7f: {  	v4 =	vmul.u32 $0x30, v60  }
0x80: {  	v3 =	vand.u32 $0x7, v3  }
0x81: {  	v3 =	vor.u32 v3, v4  }
0x82: {  	v4 =	vperm.xlane v3, v0;
	_ =	sdelay $0x1  }
0x83: {  	v4 =	vadd.s32 v1, v4;
	_ =	sdelay $0x3  }
0x84: {  	s0 =	rddreg [dreg:$0x1c];
	v3 =	vperm.xlane v3, v2  }
0x85: {  	[tilespmem:s0], [sflag:$0x1] =	stream.indirect_vreg.gather [hbm4b:s3+s2], $0x80, v4, vm0, $0xb8;
	[tilespmem:$0x18080] =	vst v63  }
0x86: {  	s9 =	rddreg [dreg:$0x1d];
	v3 =	vadd.s32 v1, v3  }
0x87: {  	[tilespmem:s9], [sflag:$0x1] =	stream.indirect_vreg.gather [hbm4b:s4+s2], $0x80, v4, vm0, $0xb8;
	[tilespmem:$0x18080] =	vst v63  }
0x88: {  	s9 =	simm.s32 $0xD080  }
0x89: {  	[tilespmem:s9], [sflag:$0x1] =	stream.indirect_vreg.gather [hbm4b:s5+s2], $0x80, v4, vm0, $0xb8;
	[tilespmem:$0x18080] =	vst v63  }
0x8a: {  	_ = 	snop  }
0x8b: {  	[tilespmem:s10], [sflag:$0x1] =	stream.indirect_vreg.gather [hbm4b:s3+s2], $0x80, v3, vm0, $0xb8;
	[tilespmem:$0x18080] =	vst v63  }
0x8c: {  	_ = 	snop  }
0x8d: {  	[tilespmem:s11], [sflag:$0x1] =	stream.indirect_vreg.gather [hbm4b:s4+s2], $0x80, v3, vm0, $0xb8;
	[tilespmem:$0x18080] =	vst v63  }
0x8e: {  	_ = 	snop  }
0x8f: {  	[tilespmem:s12], [sflag:$0x1] =	stream.indirect_vreg.gather [hbm4b:s5+s2], $0x80, v3, vm0, $0xb8;
	[tilespmem:$0x18080] =	vst v63  }
0x90: {  	v3 =	vld [tilespmem:$0x50];
	_ =	sdelay $0x4  }
0x91: {  	v61 =	vshrl.u32 v3, $0x3  }
0x92: {  	v4 =	vmul.u32 $0x30, v61  }
0x93: {  	v3 =	vand.u32 $0x7, v3  }
0x94: {  	v3 =	vor.u32 v3, v4  }
0x95: {  	v4 =	vperm.xlane v3, v0;
	_ =	sdelay $0x1  }
0x96: {  	v4 =	vadd.s32 v1, v4;
	_ =	sdelay $0x3  }
0x97: {  	v3 =	vperm.xlane v3, v2  }
0x98: {  	[tilespmem:s13], [sflag:$0x1] =	stream.indirect_vreg.gather [hbm4b:s3+s2], $0x80, v4, vm0, $0xb8;
	[tilespmem:$0x18080] =	vst v63  }
0x99: {  	v3 =	vadd.s32 v1, v3  }
0x9a: {  	[tilespmem:s14], [sflag:$0x1] =	stream.indirect_vreg.gather [hbm4b:s4+s2], $0x80, v4, vm0, $0xb8;
	[tilespmem:$0x18080] =	vst v63  }
0x9b: {  	_ = 	snop  }
0x9c: {  	[tilespmem:s15], [sflag:$0x1] =	stream.indirect_vreg.gather [hbm4b:s5+s2], $0x80, v4, vm0, $0xb8;
	[tilespmem:$0x18080] =	vst v63  }
0x9d: {  	_ = 	snop  }
0x9e: {  	[tilespmem:s16], [sflag:$0x1] =	stream.indirect_vreg.gather [hbm4b:s3+s2], $0x80, v3, vm0, $0xb8;
	[tilespmem:$0x18080] =	vst v63  }
0x9f: {  	_ = 	snop  }
0xa0: {  	[tilespmem:s17], [sflag:$0x1] =	stream.indirect_vreg.gather [hbm4b:s4+s2], $0x80, v3, vm0, $0xb8;
	[tilespmem:$0x18080] =	vst v63  }
0xa1: {  	_ = 	snop  }
0xa2: {  	[tilespmem:s18], [sflag:$0x1] =	stream.indirect_vreg.gather [hbm4b:s5+s2], $0x80, v3, vm0, $0xb8;
	[tilespmem:$0x18080] =	vst v63  }
0xa3: {  	v3 =	vld [tilespmem:$0x60];
	_ =	sdelay $0x4  }
0xa4: {  	v62 =	vshrl.u32 v3, $0x3  }
0xa5: {  	v4 =	vmul.u32 $0x30, v62  }
0xa6: {  	v3 =	vand.u32 $0x7, v3  }
0xa7: {  	v3 =	vor.u32 v3, v4  }
0xa8: {  	v4 =	vperm.xlane v3, v0;
	_ =	sdelay $0x1  }
0xa9: {  	v4 =	vadd.s32 v1, v4;
	_ =	sdelay $0x3  }
0xaa: {  	v3 =	vperm.xlane v3, v2  }
0xab: {  	[tilespmem:s19], [sflag:$0x1] =	stream.indirect_vreg.gather [hbm4b:s3+s2], $0x80, v4, vm0, $0xb8;
	[tilespmem:$0x18080] =	vst v63  }
0xac: {  	v3 =	vadd.s32 v1, v3  }
0xad: {  	[tilespmem:s20], [sflag:$0x1] =	stream.indirect_vreg.gather [hbm4b:s4+s2], $0x80, v4, vm0, $0xb8;
	[tilespmem:$0x18080] =	vst v63  }
0xae: {  	_ = 	snop  }
0xaf: {  	[tilespmem:s21], [sflag:$0x1] =	stream.indirect_vreg.gather [hbm4b:s5+s2], $0x80, v4, vm0, $0xb8;
	[tilespmem:$0x18080] =	vst v63  }
0xb0: {  	_ = 	snop  }
0xb1: {  	[tilespmem:s22], [sflag:$0x1] =	stream.indirect_vreg.gather [hbm4b:s3+s2], $0x80, v3, vm0, $0xb8;
	[tilespmem:$0x18080] =	vst v63  }
0xb2: {  	_ = 	snop  }
0xb3: {  	[tilespmem:s23], [sflag:$0x1] =	stream.indirect_vreg.gather [hbm4b:s4+s2], $0x80, v3, vm0, $0xb8;
	[tilespmem:$0x18080] =	vst v63  }
0xb4: {  	_ = 	snop  }
0xb5: {  	[tilespmem:s24], [sflag:$0x1] =	stream.indirect_vreg.gather [hbm4b:s5+s2], $0x80, v3, vm0, $0xb8;
	[tilespmem:$0x18080] =	vst v63  }
0xb6: {  	v3 =	vld [tilespmem:$0x70];
	_ =	sdelay $0x4  }
0xb7: {  	v63 =	vshrl.u32 v3, $0x3  }
0xb8: {  	v4 =	vmul.u32 $0x30, v63  }
0xb9: {  	v3 =	vand.u32 $0x7, v3  }
0xba: {  	v3 =	vor.u32 v3, v4  }
0xbb: {  	v4 =	vperm.xlane v3, v0;
	_ =	sdelay $0x1  }
0xbc: {  	v4 =	vadd.s32 v1, v4;
	_ =	sdelay $0x3  }
0xbd: {  	v3 =	vperm.xlane v3, v2  }
0xbe: {  	[tilespmem:s25], [sflag:$0x1] =	stream.indirect_vreg.gather [hbm4b:s3+s2], $0x80, v4, vm0, $0xb8;
	[tilespmem:$0x18080] =	vst v63  }
0xbf: {  	v3 =	vadd.s32 v1, v3  }
0xc0: {  	[tilespmem:s26], [sflag:$0x1] =	stream.indirect_vreg.gather [hbm4b:s4+s2], $0x80, v4, vm0, $0xb8;
	[tilespmem:$0x18080] =	vst v63  }
0xc1: {  	_ = 	snop  }
0xc2: {  	[tilespmem:s28], [sflag:$0x1] =	stream.indirect_vreg.gather [hbm4b:s5+s2], $0x80, v4, vm0, $0xb8;
	[tilespmem:$0x18080] =	vst v63  }
0xc3: {  	_ = 	snop  }
0xc4: {  	[tilespmem:s29], [sflag:$0x1] =	stream.indirect_vreg.gather [hbm4b:s3+s2], $0x80, v3, vm0, $0xb8;
	[tilespmem:$0x18080] =	vst v63  }
0xc5: {  	_ = 	snop  }
0xc6: {  	[tilespmem:s30], [sflag:$0x1] =	stream.indirect_vreg.gather [hbm4b:s4+s2], $0x80, v3, vm0, $0xb8;
	[tilespmem:$0x18080] =	vst v63  }
0xc7: {  	_ = 	snop  }
0xc8: {  	[tilespmem:s31], [sflag:$0x1] =	stream.indirect_vreg.gather [hbm4b:s5+s2], $0x80, v3, vm0, $0xb8;
	[tilespmem:$0x18080] =	vst v63  }
0xc9: {  	_ =	swait.ge [sflag:s1], $0x18000  }
0xca: {  	p0 =	sne.s32 s6, $0x1;
	[sflag:s1] =	ssyncset.done $0x0  }
.Ltmp0:
0xcb: {  	s9 =	rddreg [dreg:$0x4];
	[sflag:s1] =	ssyncadd.s32 $0xFFFE8000;
	(pc) =	sbr.rel @p0 .LBB2_1-.Ltmp0, $4  }
0xcc: {  	[hbm4b:s9+s2] =	stream.linear.scatter [tilespmem:s8], [sflag:$0x2], $0x18000, $0x38;
	[tilespmem:$0x18080] =	vst v63  }
0xcd: {  	_ =	swait.ge [sflag:s7], $0x18000  }
0xce: {  	[sflag:s7] =	ssyncset.done $0x0  }
0xcf: {  	s6 =	sadd.s32 $0xFFFFFFFF, s6;
	[sflag:s7] =	ssyncadd.s32 $0xFFFE8000  }
0xd0: {  	_ =	sfence.sel $0x180000  }
0xd1: {  	[bflag:$0x0] =	sbarrier.arrive $0xFFFF  }
0xd2: {  	_ =	strace $0x9000004A  }
0xd3: {  	s0 =	stileid.u32;
	[bflag:$0x2] =	sbarrier.arrive $0xFFFF  }
0xd4: {  	p0 =	sne.s32 s0, $0x0;
	s0 =	rddreg [dreg:$0x2]  }
0xd5: {  	s0 =	sadd.s32 @!p0 $0x100000, s0  }
0xd6: {  	[sflag:s0] =	ssyncadd.tile.s32 @!p0 $0x1;
	_ =	shalt  }
.Lfunc_end2:
_tile_overlayer_lowered:
.L_overlay_start_2:
0xd7: {  	(tag) =	ssettag $0x2  }
0xd8: {  	s0 =	rddreg [dreg:$0x0];
	s2 =	stileid.u32  }
0xd9: {  	s1 =	rddreg [dreg:$0x1];
	p0 =	sne.s32 s2, $0x0  }
0xda: {  	s3 =	rddreg [dreg:$0x2];
	[bflag:$0x3] =	sbarrier.arrive $0xFFFF;
	s2 =	simm.s32 @!p0 $0x1C02  }
0xdb: {  	[timem:s3], [sflag:s2] =	dma.local @!p0 [hbm:s0], s1  }
0xdc: {  	s0 =	simm.s32 @!p0 $0x2  }
0xdd: {  	_ =	swait.ge @!p0 [sflag:s0], s1  }
0xde: {  	s1 =	ssub.s32 @!p0 $0x0, s1;
	[sflag:s0] =	ssyncset.done @!p0 $0x0  }
0xdf: {  	[sflag:s0] =	ssyncadd.s32 @!p0 s1  }
0xe0: {  	[bflag:$0x3] =	sbarrier.arrive $0xFFFF  }
0xe1: {  	_ =	shalt  }

</sc_bundles>
